<compile_context>
chip_gen: v7x
topology: tpu7x:2x2x1
jax: 0.10.2.dev20260603
libtpu: 0.0.44.dev20260713+nightly
codegen_flags: <defaults>
</compile_context>

<pallas_src>
import jax
import jax.numpy as jnp
from jax import lax
from jax.experimental import pallas as pl
from jax.experimental.pallas import tpu as pltpu
from jax.experimental.pallas import tpu_sc as plsc

N_NODES = 10000
D_FEAT = 128
N_EDGES = 320000

NC = 2
NS = 16
DH = D_FEAT // NC
CHUNK = 256
EPT = 20480
E_PAD = EPT * NS
N_PAD = 10112
ROWS_PT = N_PAD // NS
N_CHUNKS = EPT // CHUNK
PHASES = 4
CPP = N_CHUNKS // PHASES
EPP = CPP * CHUNK


def _sc_kernel(xcols_hbm, src_hbm, dst_hbm, zeros_hbm, out_hbm,
               src_v, dst_v, buf0, buf1, x_sp, acc,
               zsem, xsem, gs0, gs1, ss0, ss1):
    cid = lax.axis_index("c")
    sid = lax.axis_index("s")
    rbase = sid * ROWS_PT

    xcopy = pltpu.async_copy(xcols_hbm.at[cid, pl.ds(rbase, ROWS_PT)],
                             x_sp.at[pl.ds(rbase, ROWS_PT)], xsem)
    zcopy = pltpu.async_copy(zeros_hbm.at[pl.ds(rbase, ROWS_PT)],
                             acc.at[pl.ds(rbase, ROWS_PT)], zsem)

    def stage(h):
        ebase = sid * EPT + h * EPP
        pltpu.sync_copy(src_hbm.at[pl.ds(ebase, EPP)], src_v)
        pltpu.sync_copy(dst_hbm.at[pl.ds(sid * N_CHUNKS + h * CPP, CPP)],
                        dst_v)

    def fire_g(j, buf, sem):
        pltpu.async_copy(x_sp.at[src_v.at[pl.ds(j * CHUNK, CHUNK)]],
                         buf, sem)

    def drain(buf, sem):
        pltpu.make_async_copy(x_sp.at[pl.ds(0, CHUNK)], buf, sem).wait()

    def fire_s(j, buf, sem):
        pltpu.async_copy(buf, acc.at[dst_v.at[j]], sem, add=True)

    stage(0)
    xcopy.wait()
    zcopy.wait()
    plsc.subcore_barrier()

    def run_phase(last):
        fire_g(0, buf0, gs0)
        fire_g(1, buf1, gs1)

        def pipe(jp, _):
            j0 = 2 * jp
            drain(buf0, gs0)
            fire_s(j0, buf0, ss0)

            @pl.when(j0 + 2 < CPP)
            def _():
                drain(buf0, ss0)
                fire_g(j0 + 2, buf0, gs0)

            drain(buf1, gs1)
            fire_s(j0 + 1, buf1, ss1)

            @pl.when(j0 + 3 < CPP)
            def _():
                drain(buf1, ss1)
                fire_g(j0 + 3, buf1, gs1)

            return 0

        lax.fori_loop(0, CPP // 2, pipe, 0)
        drain(buf0, ss0)
        drain(buf1, ss1)

    for h in range(PHASES):
        run_phase(h == PHASES - 1)
        if h + 1 < PHASES:
            stage(h + 1)

    plsc.subcore_barrier()

    pltpu.sync_copy(acc.at[pl.ds(rbase, ROWS_PT)],
                    out_hbm.at[pl.ds(rbase, ROWS_PT), pl.ds(cid * DH, DH)])


@jax.jit
def kernel(x, edge_index):
    src = edge_index[0].astype(jnp.int32)
    dst = edge_index[1].astype(jnp.int32)

    pad = E_PAD - N_EDGES
    src = jnp.concatenate([src, jnp.zeros((pad,), jnp.int32)])
    dst = jnp.concatenate([dst, jnp.full((pad,), N_NODES, jnp.int32)])
    dst = dst.reshape(E_PAD // CHUNK, CHUNK)

    xr = x.reshape(N_NODES, NC, DH).transpose(1, 0, 2)
    xcols = jnp.zeros((NC, N_PAD, DH), jnp.float32).at[:, :N_NODES].set(xr)

    zeros = jnp.zeros((N_PAD, DH), jnp.float32)

    mesh = plsc.VectorSubcoreMesh(core_axis_name="c", subcore_axis_name="s")
    out = pl.kernel(
        _sc_kernel,
        mesh=mesh,
        compiler_params=pltpu.CompilerParams(use_tc_tiling_on_sc=False),
        out_type=jax.ShapeDtypeStruct((N_PAD, D_FEAT), jnp.float32),
        scratch_types=[
            pltpu.VMEM((EPP,), jnp.int32),
            pltpu.VMEM((CPP, CHUNK), jnp.int32),
            pltpu.VMEM((CHUNK, DH), jnp.float32),
            pltpu.VMEM((CHUNK, DH), jnp.float32),
            pltpu.VMEM_SHARED((N_PAD, DH), jnp.float32),
            pltpu.VMEM_SHARED((N_PAD, DH), jnp.float32),
            pltpu.SemaphoreType.DMA,
            pltpu.SemaphoreType.DMA,
            pltpu.SemaphoreType.DMA,
            pltpu.SemaphoreType.DMA,
            pltpu.SemaphoreType.DMA,
            pltpu.SemaphoreType.DMA,
        ],
    )(xcols, src, dst, zeros)

    return out[:N_NODES]

# --- scband reference (transcript-rebuilt; emitter-appended) ---
"""Pipeline reference for scband-message-passing-57432302682772 (READ-ONLY COPY).

The authoritative reference and input builder live on the scoring server;
editing this copy changes nothing except your own understanding.
"""

import jax, jax.numpy as jnp
import numpy as np

N_NODES = 10000
D_FEAT = 128
N_EDGES = 320000


def setup_inputs(seed: int = 0) -> dict:
    key = jax.random.key(seed)
    k1, k2 = jax.random.split(key)
    x = jax.random.normal(k1, (N_NODES, D_FEAT), dtype=jnp.float32)
    edge_index = jax.random.randint(k2, (2, N_EDGES), 0, N_NODES, dtype=jnp.int64)
    return {"x": x, "edge_index": edge_index}


def reference(x, edge_index):
    # MessagePassing base class with aggr='add', flow='source_to_target':
    # i (target) = 1, j (source) = 0.
    # message(x_j) = x_j  (default message returns x_j)
    # aggregate = scatter-add over target index (edge_index[1])
    # update(out) = out  (default update is identity)
    src = edge_index[0]  # j: source nodes, gathered as x_j
    dst = edge_index[1]  # i: target nodes, used as scatter index
    msgs = jnp.take(x, src, axis=0)  # gather: message phase
    out = jax.ops.segment_sum(msgs, dst, num_segments=x.shape[0])  # scatter-add aggregate
    return out

if __name__ == "__main__":
    import jax
    _d = setup_inputs()
    print(jax.jit(kernel)(*tuple(_d.values())))

</pallas_src>

<mosaic_0001>
#map = affine_map<(d0, d1) -> (0, 0, 0)>
#map1 = affine_map<(d0, d1) -> (0)>
#map2 = affine_map<(d0, d1) -> (0, 0)>
module attributes {stable_mosaic.version = 14 : i64} {
  func.func @_sc_kernel(%arg0: i32, %arg1: i32, %arg2: memref<2x10112x64xf32, #tpu.memory_space<hbm>>, %arg3: memref<327680xi32, #tpu.memory_space<hbm>>, %arg4: memref<1280x256xi32, #tpu.memory_space<hbm>>, %arg5: memref<10112x64xf32, #tpu.memory_space<hbm>>, %arg6: memref<10112x128xf32, #tpu.memory_space<hbm>>, %arg7: memref<5120xi32, #tpu.memory_space<vmem>>, %arg8: memref<20x256xi32, #tpu.memory_space<vmem>>, %arg9: memref<256x64xf32, #tpu.memory_space<vmem>>, %arg10: memref<256x64xf32, #tpu.memory_space<vmem>>, %arg11: memref<10112x64xf32, #tpu.memory_space<vmem_shared>>, %arg12: memref<10112x64xf32, #tpu.memory_space<vmem_shared>>, %arg13: memref<!tpu.dma_semaphore, #tpu.memory_space<semaphore_mem>>, %arg14: memref<!tpu.dma_semaphore, #tpu.memory_space<semaphore_mem>>, %arg15: memref<!tpu.dma_semaphore, #tpu.memory_space<semaphore_mem>>, %arg16: memref<!tpu.dma_semaphore, #tpu.memory_space<semaphore_mem>>, %arg17: memref<!tpu.dma_semaphore, #tpu.memory_space<semaphore_mem>>, %arg18: memref<!tpu.dma_semaphore, #tpu.memory_space<semaphore_mem>>) attributes {dimension_semantics = [#tpu.dimension_semantics<core_parallel>, #tpu.dimension_semantics<subcore_parallel>], iteration_bounds = array<i64: 2, 16>, scalar_prefetch = 0 : i64, scratch_operands = 12 : i64, tpu.core_type = #tpu.core_type<sc_vector_subcore>, window_params = [{transform_indices = #map}, {transform_indices = #map1}, {transform_indices = #map2}, {transform_indices = #map2}, {transform_indices = #map2}]} {
    %mul3A = arith.constant 632 : i32
    %mul3A_0 = arith.muli %arg1, %mul3A : i32
    %dma_start3A = arith.constant 0 : i32
    %dma_start3A_1 = tpu.memref_slice %arg11[%mul3A_0, %dma_start3A] : memref<10112x64xf32, #tpu.memory_space<vmem_shared>> -> memref<632x64xf32, #tpu.memory_space<vmem_shared>>
    %dma_start3A_2 = arith.constant 0 : i32
    %dma_start3A_3 = tpu.memref_slice %arg2[%arg0, %mul3A_0, %dma_start3A_2] : memref<2x10112x64xf32, #tpu.memory_space<hbm>> -> memref<1x632x64xf32, #tpu.memory_space<hbm>>
    %dma_start3A_4 = tpu.memref_squeeze %dma_start3A_3 : memref<1x632x64xf32, #tpu.memory_space<hbm>> -> memref<632x64xf32, #tpu.memory_space<hbm>>
    tpu.enqueue_dma source(%dma_start3A_4 : memref<632x64xf32, #tpu.memory_space<hbm>>) target(%dma_start3A_1 : memref<632x64xf32, #tpu.memory_space<vmem_shared>>) target_semaphore(%arg14 : memref<!tpu.dma_semaphore, #tpu.memory_space<semaphore_mem>>)
    %dma_start3A_5 = arith.constant 0 : i32
    %dma_start3A_6 = tpu.memref_slice %arg12[%mul3A_0, %dma_start3A_5] : memref<10112x64xf32, #tpu.memory_space<vmem_shared>> -> memref<632x64xf32, #tpu.memory_space<vmem_shared>>
    %dma_start3A_7 = arith.constant 0 : i32
    %dma_start3A_8 = tpu.memref_slice %arg5[%mul3A_0, %dma_start3A_7] : memref<10112x64xf32, #tpu.memory_space<hbm>> -> memref<632x64xf32, #tpu.memory_space<hbm>>
    tpu.enqueue_dma source(%dma_start3A_8 : memref<632x64xf32, #tpu.memory_space<hbm>>) target(%dma_start3A_6 : memref<632x64xf32, #tpu.memory_space<vmem_shared>>) target_semaphore(%arg13 : memref<!tpu.dma_semaphore, #tpu.memory_space<semaphore_mem>>)
    %mul3A_9 = arith.constant 20480 : i32
    %mul3A_10 = arith.muli %arg1, %mul3A_9 : i32
    %add3A = arith.constant 0 : i32
    %add3A_11 = arith.addi %mul3A_10, %add3A : i32
    "tpu.region"() ({
      %run_scoped3A = tpu.sem_alloc : memref<!tpu.dma_semaphore, #tpu.memory_space<semaphore_mem>>
      %dma_start3A_166 = tpu.memref_slice %arg3[%add3A_11] : memref<327680xi32, #tpu.memory_space<hbm>> -> memref<5120xi32, #tpu.memory_space<hbm>>
      %dma_start3A_167 = tpu.memref_slice %arg3[%add3A_11] : memref<327680xi32, #tpu.memory_space<hbm>> -> memref<5120xi32, #tpu.memory_space<hbm>>
      tpu.enqueue_dma source(%dma_start3A_167 : memref<5120xi32, #tpu.memory_space<hbm>>) target(%arg7 : memref<5120xi32, #tpu.memory_space<vmem>>) target_semaphore(%run_scoped3A : memref<!tpu.dma_semaphore, #tpu.memory_space<semaphore_mem>>)
      %dma_wait3A_168 = tpu.memref_slice %arg3[%add3A_11] : memref<327680xi32, #tpu.memory_space<hbm>> -> memref<5120xi32, #tpu.memory_space<hbm>>
      %dma_wait3A_169 = tpu.memref_slice %arg3[%add3A_11] : memref<327680xi32, #tpu.memory_space<hbm>> -> memref<5120xi32, #tpu.memory_space<hbm>>
      tpu.wait_dma2 semaphore(%run_scoped3A : memref<!tpu.dma_semaphore, #tpu.memory_space<semaphore_mem>>) src(%dma_wait3A_169 : memref<5120xi32, #tpu.memory_space<hbm>>) dst(%arg7 : memref<5120xi32, #tpu.memory_space<vmem>>)
      tpu.yield
    }) : () -> ()
    %mul3A_12 = arith.constant 80 : i32
    %mul3A_13 = arith.muli %arg1, %mul3A_12 : i32
    %add3A_14 = arith.constant 0 : i32
    %add3A_15 = arith.addi %mul3A_13, %add3A_14 : i32
    "tpu.region"() ({
      %run_scoped3A = tpu.sem_alloc : memref<!tpu.dma_semaphore, #tpu.memory_space<semaphore_mem>>
      %dma_start3A_166 = arith.constant 0 : i32
      %dma_start3A_167 = tpu.memref_slice %arg4[%add3A_15, %dma_start3A_166] : memref<1280x256xi32, #tpu.memory_space<hbm>> -> memref<20x256xi32, #tpu.memory_space<hbm>>
      %dma_start3A_168 = arith.constant 0 : i32
      %dma_start3A_169 = tpu.memref_slice %arg4[%add3A_15, %dma_start3A_168] : memref<1280x256xi32, #tpu.memory_space<hbm>> -> memref<20x256xi32, #tpu.memory_space<hbm>>
      tpu.enqueue_dma source(%dma_start3A_169 : memref<20x256xi32, #tpu.memory_space<hbm>>) target(%arg8 : memref<20x256xi32, #tpu.memory_space<vmem>>) target_semaphore(%run_scoped3A : memref<!tpu.dma_semaphore, #tpu.memory_space<semaphore_mem>>)
      %dma_wait3A_170 = arith.constant 0 : i32
      %dma_wait3A_171 = tpu.memref_slice %arg4[%add3A_15, %dma_wait3A_170] : memref<1280x256xi32, #tpu.memory_space<hbm>> -> memref<20x256xi32, #tpu.memory_space<hbm>>
      %dma_wait3A_172 = arith.constant 0 : i32
      %dma_wait3A_173 = tpu.memref_slice %arg4[%add3A_15, %dma_wait3A_172] : memref<1280x256xi32, #tpu.memory_space<hbm>> -> memref<20x256xi32, #tpu.memory_space<hbm>>
      tpu.wait_dma2 semaphore(%run_scoped3A : memref<!tpu.dma_semaphore, #tpu.memory_space<semaphore_mem>>) src(%dma_wait3A_173 : memref<20x256xi32, #tpu.memory_space<hbm>>) dst(%arg8 : memref<20x256xi32, #tpu.memory_space<vmem>>)
      tpu.yield
    }) : () -> ()
    %dma_wait3A = arith.constant 0 : i32
    %dma_wait3A_16 = tpu.memref_slice %arg11[%mul3A_0, %dma_wait3A] : memref<10112x64xf32, #tpu.memory_space<vmem_shared>> -> memref<632x64xf32, #tpu.memory_space<vmem_shared>>
    %dma_wait3A_17 = arith.constant 0 : i32
    %dma_wait3A_18 = tpu.memref_slice %arg2[%arg0, %mul3A_0, %dma_wait3A_17] : memref<2x10112x64xf32, #tpu.memory_space<hbm>> -> memref<1x632x64xf32, #tpu.memory_space<hbm>>
    %dma_wait3A_19 = tpu.memref_squeeze %dma_wait3A_18 : memref<1x632x64xf32, #tpu.memory_space<hbm>> -> memref<632x64xf32, #tpu.memory_space<hbm>>
    tpu.wait_dma2 semaphore(%arg14 : memref<!tpu.dma_semaphore, #tpu.memory_space<semaphore_mem>>) src(%dma_wait3A_19 : memref<632x64xf32, #tpu.memory_space<hbm>>) dst(%dma_wait3A_16 : memref<632x64xf32, #tpu.memory_space<vmem_shared>>)
    %dma_wait3A_20 = arith.constant 0 : i32
    %dma_wait3A_21 = tpu.memref_slice %arg12[%mul3A_0, %dma_wait3A_20] : memref<10112x64xf32, #tpu.memory_space<vmem_shared>> -> memref<632x64xf32, #tpu.memory_space<vmem_shared>>
    %dma_wait3A_22 = arith.constant 0 : i32
    %dma_wait3A_23 = tpu.memref_slice %arg5[%mul3A_0, %dma_wait3A_22] : memref<10112x64xf32, #tpu.memory_space<hbm>> -> memref<632x64xf32, #tpu.memory_space<hbm>>
    tpu.wait_dma2 semaphore(%arg13 : memref<!tpu.dma_semaphore, #tpu.memory_space<semaphore_mem>>) src(%dma_wait3A_23 : memref<632x64xf32, #tpu.memory_space<hbm>>) dst(%dma_wait3A_21 : memref<632x64xf32, #tpu.memory_space<vmem_shared>>)
    %barrier3A = arith.constant 0 : index
    tpu.barrier barrier_id(%barrier3A)
    %dma_start3A_24 = arith.constant 0 : i32
    %dma_start3A_25 = tpu.memref_slice %arg7[%dma_start3A_24] : memref<5120xi32, #tpu.memory_space<vmem>> -> memref<256xi32, #tpu.memory_space<vmem>>
    %dma_start3A_26 = arith.constant 0 : i32
    %dma_start3A_27 = arith.constant 0 : i32
    %dma_start3A_28 = tpu.memref_slice %arg11[%dma_start3A_26, %dma_start3A_27] : memref<10112x64xf32, #tpu.memory_space<vmem_shared>> -> memref<10112x64xf32, #tpu.memory_space<vmem_shared>>
    tpu.enqueue_indirect_dma source(%dma_start3A_28 : memref<10112x64xf32, #tpu.memory_space<vmem_shared>>) target(%arg9 : memref<256x64xf32, #tpu.memory_space<vmem>>) offsets(%dma_start3A_25 : memref<256xi32, #tpu.memory_space<vmem>>) semaphore(%arg15 : memref<!tpu.dma_semaphore, #tpu.memory_space<semaphore_mem>>)
    %dma_start3A_29 = arith.constant 256 : i32
    %dma_start3A_30 = tpu.memref_slice %arg7[%dma_start3A_29] : memref<5120xi32, #tpu.memory_space<vmem>> -> memref<256xi32, #tpu.memory_space<vmem>>
    %dma_start3A_31 = arith.constant 0 : i32
    %dma_start3A_32 = arith.constant 0 : i32
    %dma_start3A_33 = tpu.memref_slice %arg11[%dma_start3A_31, %dma_start3A_32] : memref<10112x64xf32, #tpu.memory_space<vmem_shared>> -> memref<10112x64xf32, #tpu.memory_space<vmem_shared>>
    tpu.enqueue_indirect_dma source(%dma_start3A_33 : memref<10112x64xf32, #tpu.memory_space<vmem_shared>>) target(%arg10 : memref<256x64xf32, #tpu.memory_space<vmem>>) offsets(%dma_start3A_30 : memref<256xi32, #tpu.memory_space<vmem>>) semaphore(%arg16 : memref<!tpu.dma_semaphore, #tpu.memory_space<semaphore_mem>>)
    %scan3A = arith.constant 0 : i32
    %scan3A_34 = arith.constant 0 : i32
    %scan3A_35 = arith.constant 10 : i32
    %scan3A_36 = arith.addi %scan3A_34, %scan3A_35 : i32
    %scan3A_37 = arith.constant 1 : i32
    %scan3A_38 = scf.for %scan3A_166 = %scan3A_34 to %scan3A_36 step %scan3A_37 iter_args(%scan3A_167 = %scan3A) -> (i32)  : i32 {
      %mul3A_168 = arith.constant 2 : i32
      %mul3A_169 = arith.muli %mul3A_168, %scan3A_166 : i32
      %dma_wait3A_170 = arith.constant 0 : i32
      %dma_wait3A_171 = arith.constant 0 : i32
      %dma_wait3A_172 = tpu.memref_slice %arg11[%dma_wait3A_170, %dma_wait3A_171] : memref<10112x64xf32, #tpu.memory_space<vmem_shared>> -> memref<256x64xf32, #tpu.memory_space<vmem_shared>>
      %dma_wait3A_173 = arith.constant 0 : i32
      %dma_wait3A_174 = arith.constant 0 : i32
      %dma_wait3A_175 = tpu.memref_slice %arg11[%dma_wait3A_173, %dma_wait3A_174] : memref<10112x64xf32, #tpu.memory_space<vmem_shared>> -> memref<256x64xf32, #tpu.memory_space<vmem_shared>>
      tpu.wait_dma2 semaphore(%arg15 : memref<!tpu.dma_semaphore, #tpu.memory_space<semaphore_mem>>) src(%dma_wait3A_175 : memref<256x64xf32, #tpu.memory_space<vmem_shared>>) dst(%arg9 : memref<256x64xf32, #tpu.memory_space<vmem>>)
      %dma_start3A_176 = arith.constant 0 : i32
      %dma_start3A_177 = tpu.memref_slice %arg8[%mul3A_169, %dma_start3A_176] : memref<20x256xi32, #tpu.memory_space<vmem>> -> memref<1x256xi32, #tpu.memory_space<vmem>>
      %dma_start3A_178 = tpu.memref_squeeze %dma_start3A_177 : memref<1x256xi32, #tpu.memory_space<vmem>> -> memref<256xi32, #tpu.memory_space<vmem>>
      %dma_start3A_179 = arith.constant 0 : i32
      %dma_start3A_180 = arith.constant 0 : i32
      %dma_start3A_181 = tpu.memref_slice %arg12[%dma_start3A_179, %dma_start3A_180] : memref<10112x64xf32, #tpu.memory_space<vmem_shared>> -> memref<10112x64xf32, #tpu.memory_space<vmem_shared>>
      tpu.enqueue_indirect_dma source(%arg9 : memref<256x64xf32, #tpu.memory_space<vmem>>) target(%dma_start3A_181 : memref<10112x64xf32, #tpu.memory_space<vmem_shared>>) offsets(%dma_start3A_178 : memref<256xi32, #tpu.memory_space<vmem>>) semaphore(%arg17 : memref<!tpu.dma_semaphore, #tpu.memory_space<semaphore_mem>>) {add = true}
      %add3A_182 = arith.constant 2 : i32
      %add3A_183 = arith.addi %mul3A_169, %add3A_182 : i32
      %lt3A = arith.constant 20 : i32
      %lt3A_184 = arith.cmpi slt, %add3A_183, %lt3A : i32
      %convert_element_type3A = arith.extui %lt3A_184 : i1 to i32
      %cond3A = arith.constant 0 : i32
      %cond3A_185 = arith.cmpi ne, %convert_element_type3A, %cond3A : i32
      scf.if %cond3A_185 {
        %dma_wait3A_208 = arith.constant 0 : i32
        %dma_wait3A_209 = arith.constant 0 : i32
        %dma_wait3A_210 = tpu.memref_slice %arg11[%dma_wait3A_208, %dma_wait3A_209] : memref<10112x64xf32, #tpu.memory_space<vmem_shared>> -> memref<256x64xf32, #tpu.memory_space<vmem_shared>>
        %dma_wait3A_211 = arith.constant 0 : i32
        %dma_wait3A_212 = arith.constant 0 : i32
        %dma_wait3A_213 = tpu.memref_slice %arg11[%dma_wait3A_211, %dma_wait3A_212] : memref<10112x64xf32, #tpu.memory_space<vmem_shared>> -> memref<256x64xf32, #tpu.memory_space<vmem_shared>>
        tpu.wait_dma2 semaphore(%arg17 : memref<!tpu.dma_semaphore, #tpu.memory_space<semaphore_mem>>) src(%dma_wait3A_213 : memref<256x64xf32, #tpu.memory_space<vmem_shared>>) dst(%arg9 : memref<256x64xf32, #tpu.memory_space<vmem>>)
        %add3A_214 = arith.constant 2 : i32
        %add3A_215 = arith.addi %mul3A_169, %add3A_214 : i32
        %mul3A_216 = arith.constant 256 : i32
        %mul3A_217 = arith.muli %add3A_215, %mul3A_216 : i32
        %dma_start3A_218 = tpu.memref_slice %arg7[%mul3A_217] : memref<5120xi32, #tpu.memory_space<vmem>> -> memref<256xi32, #tpu.memory_space<vmem>>
        %dma_start3A_219 = arith.constant 0 : i32
        %dma_start3A_220 = arith.constant 0 : i32
        %dma_start3A_221 = tpu.memref_slice %arg11[%dma_start3A_219, %dma_start3A_220] : memref<10112x64xf32, #tpu.memory_space<vmem_shared>> -> memref<10112x64xf32, #tpu.memory_space<vmem_shared>>
        tpu.enqueue_indirect_dma source(%dma_start3A_221 : memref<10112x64xf32, #tpu.memory_space<vmem_shared>>) target(%arg9 : memref<256x64xf32, #tpu.memory_space<vmem>>) offsets(%dma_start3A_218 : memref<256xi32, #tpu.memory_space<vmem>>) semaphore(%arg15 : memref<!tpu.dma_semaphore, #tpu.memory_space<semaphore_mem>>)
      } else {
      }
      %dma_wait3A_186 = arith.constant 0 : i32
      %dma_wait3A_187 = arith.constant 0 : i32
      %dma_wait3A_188 = tpu.memref_slice %arg11[%dma_wait3A_186, %dma_wait3A_187] : memref<10112x64xf32, #tpu.memory_space<vmem_shared>> -> memref<256x64xf32, #tpu.memory_space<vmem_shared>>
      %dma_wait3A_189 = arith.constant 0 : i32
      %dma_wait3A_190 = arith.constant 0 : i32
      %dma_wait3A_191 = tpu.memref_slice %arg11[%dma_wait3A_189, %dma_wait3A_190] : memref<10112x64xf32, #tpu.memory_space<vmem_shared>> -> memref<256x64xf32, #tpu.memory_space<vmem_shared>>
      tpu.wait_dma2 semaphore(%arg16 : memref<!tpu.dma_semaphore, #tpu.memory_space<semaphore_mem>>) src(%dma_wait3A_191 : memref<256x64xf32, #tpu.memory_space<vmem_shared>>) dst(%arg10 : memref<256x64xf32, #tpu.memory_space<vmem>>)
      %add3A_192 = arith.constant 1 : i32
      %add3A_193 = arith.addi %mul3A_169, %add3A_192 : i32
      %dma_start3A_194 = arith.constant 0 : i32
      %dma_start3A_195 = tpu.memref_slice %arg8[%add3A_193, %dma_start3A_194] : memref<20x256xi32, #tpu.memory_space<vmem>> -> memref<1x256xi32, #tpu.memory_space<vmem>>
      %dma_start3A_196 = tpu.memref_squeeze %dma_start3A_195 : memref<1x256xi32, #tpu.memory_space<vmem>> -> memref<256xi32, #tpu.memory_space<vmem>>
      %dma_start3A_197 = arith.constant 0 : i32
      %dma_start3A_198 = arith.constant 0 : i32
      %dma_start3A_199 = tpu.memref_slice %arg12[%dma_start3A_197, %dma_start3A_198] : memref<10112x64xf32, #tpu.memory_space<vmem_shared>> -> memref<10112x64xf32, #tpu.memory_space<vmem_shared>>
      tpu.enqueue_indirect_dma source(%arg10 : memref<256x64xf32, #tpu.memory_space<vmem>>) target(%dma_start3A_199 : memref<10112x64xf32, #tpu.memory_space<vmem_shared>>) offsets(%dma_start3A_196 : memref<256xi32, #tpu.memory_space<vmem>>) semaphore(%arg18 : memref<!tpu.dma_semaphore, #tpu.memory_space<semaphore_mem>>) {add = true}
      %add3A_200 = arith.constant 3 : i32
      %add3A_201 = arith.addi %mul3A_169, %add3A_200 : i32
      %lt3A_202 = arith.constant 20 : i32
      %lt3A_203 = arith.cmpi slt, %add3A_201, %lt3A_202 : i32
      %convert_element_type3A_204 = arith.extui %lt3A_203 : i1 to i32
      %cond3A_205 = arith.constant 0 : i32
      %cond3A_206 = arith.cmpi ne, %convert_element_type3A_204, %cond3A_205 : i32
      scf.if %cond3A_206 {
        %dma_wait3A_208 = arith.constant 0 : i32
        %dma_wait3A_209 = arith.constant 0 : i32
        %dma_wait3A_210 = tpu.memref_slice %arg11[%dma_wait3A_208, %dma_wait3A_209] : memref<10112x64xf32, #tpu.memory_space<vmem_shared>> -> memref<256x64xf32, #tpu.memory_space<vmem_shared>>
        %dma_wait3A_211 = arith.constant 0 : i32
        %dma_wait3A_212 = arith.constant 0 : i32
        %dma_wait3A_213 = tpu.memref_slice %arg11[%dma_wait3A_211, %dma_wait3A_212] : memref<10112x64xf32, #tpu.memory_space<vmem_shared>> -> memref<256x64xf32, #tpu.memory_space<vmem_shared>>
        tpu.wait_dma2 semaphore(%arg18 : memref<!tpu.dma_semaphore, #tpu.memory_space<semaphore_mem>>) src(%dma_wait3A_213 : memref<256x64xf32, #tpu.memory_space<vmem_shared>>) dst(%arg10 : memref<256x64xf32, #tpu.memory_space<vmem>>)
        %add3A_214 = arith.constant 3 : i32
        %add3A_215 = arith.addi %mul3A_169, %add3A_214 : i32
        %mul3A_216 = arith.constant 256 : i32
        %mul3A_217 = arith.muli %add3A_215, %mul3A_216 : i32
        %dma_start3A_218 = tpu.memref_slice %arg7[%mul3A_217] : memref<5120xi32, #tpu.memory_space<vmem>> -> memref<256xi32, #tpu.memory_space<vmem>>
        %dma_start3A_219 = arith.constant 0 : i32
        %dma_start3A_220 = arith.constant 0 : i32
        %dma_start3A_221 = tpu.memref_slice %arg11[%dma_start3A_219, %dma_start3A_220] : memref<10112x64xf32, #tpu.memory_space<vmem_shared>> -> memref<10112x64xf32, #tpu.memory_space<vmem_shared>>
        tpu.enqueue_indirect_dma source(%dma_start3A_221 : memref<10112x64xf32, #tpu.memory_space<vmem_shared>>) target(%arg10 : memref<256x64xf32, #tpu.memory_space<vmem>>) offsets(%dma_start3A_218 : memref<256xi32, #tpu.memory_space<vmem>>) semaphore(%arg16 : memref<!tpu.dma_semaphore, #tpu.memory_space<semaphore_mem>>)
      } else {
      }
      %scan3A_207 = arith.constant 0 : i32
      scf.yield %scan3A_207 : i32
    }
    %scan3A_39 = arith.constant 10 : i32
    %dma_wait3A_40 = arith.constant 0 : i32
    %dma_wait3A_41 = arith.constant 0 : i32
    %dma_wait3A_42 = tpu.memref_slice %arg11[%dma_wait3A_40, %dma_wait3A_41] : memref<10112x64xf32, #tpu.memory_space<vmem_shared>> -> memref<256x64xf32, #tpu.memory_space<vmem_shared>>
    %dma_wait3A_43 = arith.constant 0 : i32
    %dma_wait3A_44 = arith.constant 0 : i32
    %dma_wait3A_45 = tpu.memref_slice %arg11[%dma_wait3A_43, %dma_wait3A_44] : memref<10112x64xf32, #tpu.memory_space<vmem_shared>> -> memref<256x64xf32, #tpu.memory_space<vmem_shared>>
    tpu.wait_dma2 semaphore(%arg17 : memref<!tpu.dma_semaphore, #tpu.memory_space<semaphore_mem>>) src(%dma_wait3A_45 : memref<256x64xf32, #tpu.memory_space<vmem_shared>>) dst(%arg9 : memref<256x64xf32, #tpu.memory_space<vmem>>)
    %dma_wait3A_46 = arith.constant 0 : i32
    %dma_wait3A_47 = arith.constant 0 : i32
    %dma_wait3A_48 = tpu.memref_slice %arg11[%dma_wait3A_46, %dma_wait3A_47] : memref<10112x64xf32, #tpu.memory_space<vmem_shared>> -> memref<256x64xf32, #tpu.memory_space<vmem_shared>>
    %dma_wait3A_49 = arith.constant 0 : i32
    %dma_wait3A_50 = arith.constant 0 : i32
    %dma_wait3A_51 = tpu.memref_slice %arg11[%dma_wait3A_49, %dma_wait3A_50] : memref<10112x64xf32, #tpu.memory_space<vmem_shared>> -> memref<256x64xf32, #tpu.memory_space<vmem_shared>>
    tpu.wait_dma2 semaphore(%arg18 : memref<!tpu.dma_semaphore, #tpu.memory_space<semaphore_mem>>) src(%dma_wait3A_51 : memref<256x64xf32, #tpu.memory_space<vmem_shared>>) dst(%arg10 : memref<256x64xf32, #tpu.memory_space<vmem>>)
    %mul3A_52 = arith.constant 20480 : i32
    %mul3A_53 = arith.muli %arg1, %mul3A_52 : i32
    %add3A_54 = arith.constant 5120 : i32
    %add3A_55 = arith.addi %mul3A_53, %add3A_54 : i32
    "tpu.region"() ({
      %run_scoped3A = tpu.sem_alloc : memref<!tpu.dma_semaphore, #tpu.memory_space<semaphore_mem>>
      %dma_start3A_166 = tpu.memref_slice %arg3[%add3A_55] : memref<327680xi32, #tpu.memory_space<hbm>> -> memref<5120xi32, #tpu.memory_space<hbm>>
      %dma_start3A_167 = tpu.memref_slice %arg3[%add3A_55] : memref<327680xi32, #tpu.memory_space<hbm>> -> memref<5120xi32, #tpu.memory_space<hbm>>
      tpu.enqueue_dma source(%dma_start3A_167 : memref<5120xi32, #tpu.memory_space<hbm>>) target(%arg7 : memref<5120xi32, #tpu.memory_space<vmem>>) target_semaphore(%run_scoped3A : memref<!tpu.dma_semaphore, #tpu.memory_space<semaphore_mem>>)
      %dma_wait3A_168 = tpu.memref_slice %arg3[%add3A_55] : memref<327680xi32, #tpu.memory_space<hbm>> -> memref<5120xi32, #tpu.memory_space<hbm>>
      %dma_wait3A_169 = tpu.memref_slice %arg3[%add3A_55] : memref<327680xi32, #tpu.memory_space<hbm>> -> memref<5120xi32, #tpu.memory_space<hbm>>
      tpu.wait_dma2 semaphore(%run_scoped3A : memref<!tpu.dma_semaphore, #tpu.memory_space<semaphore_mem>>) src(%dma_wait3A_169 : memref<5120xi32, #tpu.memory_space<hbm>>) dst(%arg7 : memref<5120xi32, #tpu.memory_space<vmem>>)
      tpu.yield
    }) : () -> ()
    %mul3A_56 = arith.constant 80 : i32
    %mul3A_57 = arith.muli %arg1, %mul3A_56 : i32
    %add3A_58 = arith.constant 20 : i32
    %add3A_59 = arith.addi %mul3A_57, %add3A_58 : i32
    "tpu.region"() ({
      %run_scoped3A = tpu.sem_alloc : memref<!tpu.dma_semaphore, #tpu.memory_space<semaphore_mem>>
      %dma_start3A_166 = arith.constant 0 : i32
      %dma_start3A_167 = tpu.memref_slice %arg4[%add3A_59, %dma_start3A_166] : memref<1280x256xi32, #tpu.memory_space<hbm>> -> memref<20x256xi32, #tpu.memory_space<hbm>>
      %dma_start3A_168 = arith.constant 0 : i32
      %dma_start3A_169 = tpu.memref_slice %arg4[%add3A_59, %dma_start3A_168] : memref<1280x256xi32, #tpu.memory_space<hbm>> -> memref<20x256xi32, #tpu.memory_space<hbm>>
      tpu.enqueue_dma source(%dma_start3A_169 : memref<20x256xi32, #tpu.memory_space<hbm>>) target(%arg8 : memref<20x256xi32, #tpu.memory_space<vmem>>) target_semaphore(%run_scoped3A : memref<!tpu.dma_semaphore, #tpu.memory_space<semaphore_mem>>)
      %dma_wait3A_170 = arith.constant 0 : i32
      %dma_wait3A_171 = tpu.memref_slice %arg4[%add3A_59, %dma_wait3A_170] : memref<1280x256xi32, #tpu.memory_space<hbm>> -> memref<20x256xi32, #tpu.memory_space<hbm>>
      %dma_wait3A_172 = arith.constant 0 : i32
      %dma_wait3A_173 = tpu.memref_slice %arg4[%add3A_59, %dma_wait3A_172] : memref<1280x256xi32, #tpu.memory_space<hbm>> -> memref<20x256xi32, #tpu.memory_space<hbm>>
      tpu.wait_dma2 semaphore(%run_scoped3A : memref<!tpu.dma_semaphore, #tpu.memory_space<semaphore_mem>>) src(%dma_wait3A_173 : memref<20x256xi32, #tpu.memory_space<hbm>>) dst(%arg8 : memref<20x256xi32, #tpu.memory_space<vmem>>)
      tpu.yield
    }) : () -> ()
    %dma_start3A_60 = arith.constant 0 : i32
    %dma_start3A_61 = tpu.memref_slice %arg7[%dma_start3A_60] : memref<5120xi32, #tpu.memory_space<vmem>> -> memref<256xi32, #tpu.memory_space<vmem>>
    %dma_start3A_62 = arith.constant 0 : i32
    %dma_start3A_63 = arith.constant 0 : i32
    %dma_start3A_64 = tpu.memref_slice %arg11[%dma_start3A_62, %dma_start3A_63] : memref<10112x64xf32, #tpu.memory_space<vmem_shared>> -> memref<10112x64xf32, #tpu.memory_space<vmem_shared>>
    tpu.enqueue_indirect_dma source(%dma_start3A_64 : memref<10112x64xf32, #tpu.memory_space<vmem_shared>>) target(%arg9 : memref<256x64xf32, #tpu.memory_space<vmem>>) offsets(%dma_start3A_61 : memref<256xi32, #tpu.memory_space<vmem>>) semaphore(%arg15 : memref<!tpu.dma_semaphore, #tpu.memory_space<semaphore_mem>>)
    %dma_start3A_65 = arith.constant 256 : i32
    %dma_start3A_66 = tpu.memref_slice %arg7[%dma_start3A_65] : memref<5120xi32, #tpu.memory_space<vmem>> -> memref<256xi32, #tpu.memory_space<vmem>>
    %dma_start3A_67 = arith.constant 0 : i32
    %dma_start3A_68 = arith.constant 0 : i32
    %dma_start3A_69 = tpu.memref_slice %arg11[%dma_start3A_67, %dma_start3A_68] : memref<10112x64xf32, #tpu.memory_space<vmem_shared>> -> memref<10112x64xf32, #tpu.memory_space<vmem_shared>>
    tpu.enqueue_indirect_dma source(%dma_start3A_69 : memref<10112x64xf32, #tpu.memory_space<vmem_shared>>) target(%arg10 : memref<256x64xf32, #tpu.memory_space<vmem>>) offsets(%dma_start3A_66 : memref<256xi32, #tpu.memory_space<vmem>>) semaphore(%arg16 : memref<!tpu.dma_semaphore, #tpu.memory_space<semaphore_mem>>)
    %scan3A_70 = arith.constant 0 : i32
    %scan3A_71 = arith.constant 0 : i32
    %scan3A_72 = arith.constant 10 : i32
    %scan3A_73 = arith.addi %scan3A_71, %scan3A_72 : i32
    %scan3A_74 = arith.constant 1 : i32
    %scan3A_75 = scf.for %scan3A_166 = %scan3A_71 to %scan3A_73 step %scan3A_74 iter_args(%scan3A_167 = %scan3A_70) -> (i32)  : i32 {
      %mul3A_168 = arith.constant 2 : i32
      %mul3A_169 = arith.muli %mul3A_168, %scan3A_166 : i32
      %dma_wait3A_170 = arith.constant 0 : i32
      %dma_wait3A_171 = arith.constant 0 : i32
      %dma_wait3A_172 = tpu.memref_slice %arg11[%dma_wait3A_170, %dma_wait3A_171] : memref<10112x64xf32, #tpu.memory_space<vmem_shared>> -> memref<256x64xf32, #tpu.memory_space<vmem_shared>>
      %dma_wait3A_173 = arith.constant 0 : i32
      %dma_wait3A_174 = arith.constant 0 : i32
      %dma_wait3A_175 = tpu.memref_slice %arg11[%dma_wait3A_173, %dma_wait3A_174] : memref<10112x64xf32, #tpu.memory_space<vmem_shared>> -> memref<256x64xf32, #tpu.memory_space<vmem_shared>>
      tpu.wait_dma2 semaphore(%arg15 : memref<!tpu.dma_semaphore, #tpu.memory_space<semaphore_mem>>) src(%dma_wait3A_175 : memref<256x64xf32, #tpu.memory_space<vmem_shared>>) dst(%arg9 : memref<256x64xf32, #tpu.memory_space<vmem>>)
      %dma_start3A_176 = arith.constant 0 : i32
      %dma_start3A_177 = tpu.memref_slice %arg8[%mul3A_169, %dma_start3A_176] : memref<20x256xi32, #tpu.memory_space<vmem>> -> memref<1x256xi32, #tpu.memory_space<vmem>>
      %dma_start3A_178 = tpu.memref_squeeze %dma_start3A_177 : memref<1x256xi32, #tpu.memory_space<vmem>> -> memref<256xi32, #tpu.memory_space<vmem>>
      %dma_start3A_179 = arith.constant 0 : i32
      %dma_start3A_180 = arith.constant 0 : i32
      %dma_start3A_181 = tpu.memref_slice %arg12[%dma_start3A_179, %dma_start3A_180] : memref<10112x64xf32, #tpu.memory_space<vmem_shared>> -> memref<10112x64xf32, #tpu.memory_space<vmem_shared>>
      tpu.enqueue_indirect_dma source(%arg9 : memref<256x64xf32, #tpu.memory_space<vmem>>) target(%dma_start3A_181 : memref<10112x64xf32, #tpu.memory_space<vmem_shared>>) offsets(%dma_start3A_178 : memref<256xi32, #tpu.memory_space<vmem>>) semaphore(%arg17 : memref<!tpu.dma_semaphore, #tpu.memory_space<semaphore_mem>>) {add = true}
      %add3A_182 = arith.constant 2 : i32
      %add3A_183 = arith.addi %mul3A_169, %add3A_182 : i32
      %lt3A = arith.constant 20 : i32
      %lt3A_184 = arith.cmpi slt, %add3A_183, %lt3A : i32
      %convert_element_type3A = arith.extui %lt3A_184 : i1 to i32
      %cond3A = arith.constant 0 : i32
      %cond3A_185 = arith.cmpi ne, %convert_element_type3A, %cond3A : i32
      scf.if %cond3A_185 {
        %dma_wait3A_208 = arith.constant 0 : i32
        %dma_wait3A_209 = arith.constant 0 : i32
        %dma_wait3A_210 = tpu.memref_slice %arg11[%dma_wait3A_208, %dma_wait3A_209] : memref<10112x64xf32, #tpu.memory_space<vmem_shared>> -> memref<256x64xf32, #tpu.memory_space<vmem_shared>>
        %dma_wait3A_211 = arith.constant 0 : i32
        %dma_wait3A_212 = arith.constant 0 : i32
        %dma_wait3A_213 = tpu.memref_slice %arg11[%dma_wait3A_211, %dma_wait3A_212] : memref<10112x64xf32, #tpu.memory_space<vmem_shared>> -> memref<256x64xf32, #tpu.memory_space<vmem_shared>>
        tpu.wait_dma2 semaphore(%arg17 : memref<!tpu.dma_semaphore, #tpu.memory_space<semaphore_mem>>) src(%dma_wait3A_213 : memref<256x64xf32, #tpu.memory_space<vmem_shared>>) dst(%arg9 : memref<256x64xf32, #tpu.memory_space<vmem>>)
        %add3A_214 = arith.constant 2 : i32
        %add3A_215 = arith.addi %mul3A_169, %add3A_214 : i32
        %mul3A_216 = arith.constant 256 : i32
        %mul3A_217 = arith.muli %add3A_215, %mul3A_216 : i32
        %dma_start3A_218 = tpu.memref_slice %arg7[%mul3A_217] : memref<5120xi32, #tpu.memory_space<vmem>> -> memref<256xi32, #tpu.memory_space<vmem>>
        %dma_start3A_219 = arith.constant 0 : i32
        %dma_start3A_220 = arith.constant 0 : i32
        %dma_start3A_221 = tpu.memref_slice %arg11[%dma_start3A_219, %dma_start3A_220] : memref<10112x64xf32, #tpu.memory_space<vmem_shared>> -> memref<10112x64xf32, #tpu.memory_space<vmem_shared>>
        tpu.enqueue_indirect_dma source(%dma_start3A_221 : memref<10112x64xf32, #tpu.memory_space<vmem_shared>>) target(%arg9 : memref<256x64xf32, #tpu.memory_space<vmem>>) offsets(%dma_start3A_218 : memref<256xi32, #tpu.memory_space<vmem>>) semaphore(%arg15 : memref<!tpu.dma_semaphore, #tpu.memory_space<semaphore_mem>>)
      } else {
      }
      %dma_wait3A_186 = arith.constant 0 : i32
      %dma_wait3A_187 = arith.constant 0 : i32
      %dma_wait3A_188 = tpu.memref_slice %arg11[%dma_wait3A_186, %dma_wait3A_187] : memref<10112x64xf32, #tpu.memory_space<vmem_shared>> -> memref<256x64xf32, #tpu.memory_space<vmem_shared>>
      %dma_wait3A_189 = arith.constant 0 : i32
      %dma_wait3A_190 = arith.constant 0 : i32
      %dma_wait3A_191 = tpu.memref_slice %arg11[%dma_wait3A_189, %dma_wait3A_190] : memref<10112x64xf32, #tpu.memory_space<vmem_shared>> -> memref<256x64xf32, #tpu.memory_space<vmem_shared>>
      tpu.wait_dma2 semaphore(%arg16 : memref<!tpu.dma_semaphore, #tpu.memory_space<semaphore_mem>>) src(%dma_wait3A_191 : memref<256x64xf32, #tpu.memory_space<vmem_shared>>) dst(%arg10 : memref<256x64xf32, #tpu.memory_space<vmem>>)
      %add3A_192 = arith.constant 1 : i32
      %add3A_193 = arith.addi %mul3A_169, %add3A_192 : i32
      %dma_start3A_194 = arith.constant 0 : i32
      %dma_start3A_195 = tpu.memref_slice %arg8[%add3A_193, %dma_start3A_194] : memref<20x256xi32, #tpu.memory_space<vmem>> -> memref<1x256xi32, #tpu.memory_space<vmem>>
      %dma_start3A_196 = tpu.memref_squeeze %dma_start3A_195 : memref<1x256xi32, #tpu.memory_space<vmem>> -> memref<256xi32, #tpu.memory_space<vmem>>
      %dma_start3A_197 = arith.constant 0 : i32
      %dma_start3A_198 = arith.constant 0 : i32
      %dma_start3A_199 = tpu.memref_slice %arg12[%dma_start3A_197, %dma_start3A_198] : memref<10112x64xf32, #tpu.memory_space<vmem_shared>> -> memref<10112x64xf32, #tpu.memory_space<vmem_shared>>
      tpu.enqueue_indirect_dma source(%arg10 : memref<256x64xf32, #tpu.memory_space<vmem>>) target(%dma_start3A_199 : memref<10112x64xf32, #tpu.memory_space<vmem_shared>>) offsets(%dma_start3A_196 : memref<256xi32, #tpu.memory_space<vmem>>) semaphore(%arg18 : memref<!tpu.dma_semaphore, #tpu.memory_space<semaphore_mem>>) {add = true}
      %add3A_200 = arith.constant 3 : i32
      %add3A_201 = arith.addi %mul3A_169, %add3A_200 : i32
      %lt3A_202 = arith.constant 20 : i32
      %lt3A_203 = arith.cmpi slt, %add3A_201, %lt3A_202 : i32
      %convert_element_type3A_204 = arith.extui %lt3A_203 : i1 to i32
      %cond3A_205 = arith.constant 0 : i32
      %cond3A_206 = arith.cmpi ne, %convert_element_type3A_204, %cond3A_205 : i32
      scf.if %cond3A_206 {
        %dma_wait3A_208 = arith.constant 0 : i32
        %dma_wait3A_209 = arith.constant 0 : i32
        %dma_wait3A_210 = tpu.memref_slice %arg11[%dma_wait3A_208, %dma_wait3A_209] : memref<10112x64xf32, #tpu.memory_space<vmem_shared>> -> memref<256x64xf32, #tpu.memory_space<vmem_shared>>
        %dma_wait3A_211 = arith.constant 0 : i32
        %dma_wait3A_212 = arith.constant 0 : i32
        %dma_wait3A_213 = tpu.memref_slice %arg11[%dma_wait3A_211, %dma_wait3A_212] : memref<10112x64xf32, #tpu.memory_space<vmem_shared>> -> memref<256x64xf32, #tpu.memory_space<vmem_shared>>
        tpu.wait_dma2 semaphore(%arg18 : memref<!tpu.dma_semaphore, #tpu.memory_space<semaphore_mem>>) src(%dma_wait3A_213 : memref<256x64xf32, #tpu.memory_space<vmem_shared>>) dst(%arg10 : memref<256x64xf32, #tpu.memory_space<vmem>>)
        %add3A_214 = arith.constant 3 : i32
        %add3A_215 = arith.addi %mul3A_169, %add3A_214 : i32
        %mul3A_216 = arith.constant 256 : i32
        %mul3A_217 = arith.muli %add3A_215, %mul3A_216 : i32
        %dma_start3A_218 = tpu.memref_slice %arg7[%mul3A_217] : memref<5120xi32, #tpu.memory_space<vmem>> -> memref<256xi32, #tpu.memory_space<vmem>>
        %dma_start3A_219 = arith.constant 0 : i32
        %dma_start3A_220 = arith.constant 0 : i32
        %dma_start3A_221 = tpu.memref_slice %arg11[%dma_start3A_219, %dma_start3A_220] : memref<10112x64xf32, #tpu.memory_space<vmem_shared>> -> memref<10112x64xf32, #tpu.memory_space<vmem_shared>>
        tpu.enqueue_indirect_dma source(%dma_start3A_221 : memref<10112x64xf32, #tpu.memory_space<vmem_shared>>) target(%arg10 : memref<256x64xf32, #tpu.memory_space<vmem>>) offsets(%dma_start3A_218 : memref<256xi32, #tpu.memory_space<vmem>>) semaphore(%arg16 : memref<!tpu.dma_semaphore, #tpu.memory_space<semaphore_mem>>)
      } else {
      }
      %scan3A_207 = arith.constant 0 : i32
      scf.yield %scan3A_207 : i32
    }
    %scan3A_76 = arith.constant 10 : i32
    %dma_wait3A_77 = arith.constant 0 : i32
    %dma_wait3A_78 = arith.constant 0 : i32
    %dma_wait3A_79 = tpu.memref_slice %arg11[%dma_wait3A_77, %dma_wait3A_78] : memref<10112x64xf32, #tpu.memory_space<vmem_shared>> -> memref<256x64xf32, #tpu.memory_space<vmem_shared>>
    %dma_wait3A_80 = arith.constant 0 : i32
    %dma_wait3A_81 = arith.constant 0 : i32
    %dma_wait3A_82 = tpu.memref_slice %arg11[%dma_wait3A_80, %dma_wait3A_81] : memref<10112x64xf32, #tpu.memory_space<vmem_shared>> -> memref<256x64xf32, #tpu.memory_space<vmem_shared>>
    tpu.wait_dma2 semaphore(%arg17 : memref<!tpu.dma_semaphore, #tpu.memory_space<semaphore_mem>>) src(%dma_wait3A_82 : memref<256x64xf32, #tpu.memory_space<vmem_shared>>) dst(%arg9 : memref<256x64xf32, #tpu.memory_space<vmem>>)
    %dma_wait3A_83 = arith.constant 0 : i32
    %dma_wait3A_84 = arith.constant 0 : i32
    %dma_wait3A_85 = tpu.memref_slice %arg11[%dma_wait3A_83, %dma_wait3A_84] : memref<10112x64xf32, #tpu.memory_space<vmem_shared>> -> memref<256x64xf32, #tpu.memory_space<vmem_shared>>
    %dma_wait3A_86 = arith.constant 0 : i32
    %dma_wait3A_87 = arith.constant 0 : i32
    %dma_wait3A_88 = tpu.memref_slice %arg11[%dma_wait3A_86, %dma_wait3A_87] : memref<10112x64xf32, #tpu.memory_space<vmem_shared>> -> memref<256x64xf32, #tpu.memory_space<vmem_shared>>
    tpu.wait_dma2 semaphore(%arg18 : memref<!tpu.dma_semaphore, #tpu.memory_space<semaphore_mem>>) src(%dma_wait3A_88 : memref<256x64xf32, #tpu.memory_space<vmem_shared>>) dst(%arg10 : memref<256x64xf32, #tpu.memory_space<vmem>>)
    %mul3A_89 = arith.constant 20480 : i32
    %mul3A_90 = arith.muli %arg1, %mul3A_89 : i32
    %add3A_91 = arith.constant 10240 : i32
    %add3A_92 = arith.addi %mul3A_90, %add3A_91 : i32
    "tpu.region"() ({
      %run_scoped3A = tpu.sem_alloc : memref<!tpu.dma_semaphore, #tpu.memory_space<semaphore_mem>>
      %dma_start3A_166 = tpu.memref_slice %arg3[%add3A_92] : memref<327680xi32, #tpu.memory_space<hbm>> -> memref<5120xi32, #tpu.memory_space<hbm>>
      %dma_start3A_167 = tpu.memref_slice %arg3[%add3A_92] : memref<327680xi32, #tpu.memory_space<hbm>> -> memref<5120xi32, #tpu.memory_space<hbm>>
      tpu.enqueue_dma source(%dma_start3A_167 : memref<5120xi32, #tpu.memory_space<hbm>>) target(%arg7 : memref<5120xi32, #tpu.memory_space<vmem>>) target_semaphore(%run_scoped3A : memref<!tpu.dma_semaphore, #tpu.memory_space<semaphore_mem>>)
      %dma_wait3A_168 = tpu.memref_slice %arg3[%add3A_92] : memref<327680xi32, #tpu.memory_space<hbm>> -> memref<5120xi32, #tpu.memory_space<hbm>>
      %dma_wait3A_169 = tpu.memref_slice %arg3[%add3A_92] : memref<327680xi32, #tpu.memory_space<hbm>> -> memref<5120xi32, #tpu.memory_space<hbm>>
      tpu.wait_dma2 semaphore(%run_scoped3A : memref<!tpu.dma_semaphore, #tpu.memory_space<semaphore_mem>>) src(%dma_wait3A_169 : memref<5120xi32, #tpu.memory_space<hbm>>) dst(%arg7 : memref<5120xi32, #tpu.memory_space<vmem>>)
      tpu.yield
    }) : () -> ()
    %mul3A_93 = arith.constant 80 : i32
    %mul3A_94 = arith.muli %arg1, %mul3A_93 : i32
    %add3A_95 = arith.constant 40 : i32
    %add3A_96 = arith.addi %mul3A_94, %add3A_95 : i32
    "tpu.region"() ({
      %run_scoped3A = tpu.sem_alloc : memref<!tpu.dma_semaphore, #tpu.memory_space<semaphore_mem>>
      %dma_start3A_166 = arith.constant 0 : i32
      %dma_start3A_167 = tpu.memref_slice %arg4[%add3A_96, %dma_start3A_166] : memref<1280x256xi32, #tpu.memory_space<hbm>> -> memref<20x256xi32, #tpu.memory_space<hbm>>
      %dma_start3A_168 = arith.constant 0 : i32
      %dma_start3A_169 = tpu.memref_slice %arg4[%add3A_96, %dma_start3A_168] : memref<1280x256xi32, #tpu.memory_space<hbm>> -> memref<20x256xi32, #tpu.memory_space<hbm>>
      tpu.enqueue_dma source(%dma_start3A_169 : memref<20x256xi32, #tpu.memory_space<hbm>>) target(%arg8 : memref<20x256xi32, #tpu.memory_space<vmem>>) target_semaphore(%run_scoped3A : memref<!tpu.dma_semaphore, #tpu.memory_space<semaphore_mem>>)
      %dma_wait3A_170 = arith.constant 0 : i32
      %dma_wait3A_171 = tpu.memref_slice %arg4[%add3A_96, %dma_wait3A_170] : memref<1280x256xi32, #tpu.memory_space<hbm>> -> memref<20x256xi32, #tpu.memory_space<hbm>>
      %dma_wait3A_172 = arith.constant 0 : i32
      %dma_wait3A_173 = tpu.memref_slice %arg4[%add3A_96, %dma_wait3A_172] : memref<1280x256xi32, #tpu.memory_space<hbm>> -> memref<20x256xi32, #tpu.memory_space<hbm>>
      tpu.wait_dma2 semaphore(%run_scoped3A : memref<!tpu.dma_semaphore, #tpu.memory_space<semaphore_mem>>) src(%dma_wait3A_173 : memref<20x256xi32, #tpu.memory_space<hbm>>) dst(%arg8 : memref<20x256xi32, #tpu.memory_space<vmem>>)
      tpu.yield
    }) : () -> ()
    %dma_start3A_97 = arith.constant 0 : i32
    %dma_start3A_98 = tpu.memref_slice %arg7[%dma_start3A_97] : memref<5120xi32, #tpu.memory_space<vmem>> -> memref<256xi32, #tpu.memory_space<vmem>>
    %dma_start3A_99 = arith.constant 0 : i32
    %dma_start3A_100 = arith.constant 0 : i32
    %dma_start3A_101 = tpu.memref_slice %arg11[%dma_start3A_99, %dma_start3A_100] : memref<10112x64xf32, #tpu.memory_space<vmem_shared>> -> memref<10112x64xf32, #tpu.memory_space<vmem_shared>>
    tpu.enqueue_indirect_dma source(%dma_start3A_101 : memref<10112x64xf32, #tpu.memory_space<vmem_shared>>) target(%arg9 : memref<256x64xf32, #tpu.memory_space<vmem>>) offsets(%dma_start3A_98 : memref<256xi32, #tpu.memory_space<vmem>>) semaphore(%arg15 : memref<!tpu.dma_semaphore, #tpu.memory_space<semaphore_mem>>)
    %dma_start3A_102 = arith.constant 256 : i32
    %dma_start3A_103 = tpu.memref_slice %arg7[%dma_start3A_102] : memref<5120xi32, #tpu.memory_space<vmem>> -> memref<256xi32, #tpu.memory_space<vmem>>
    %dma_start3A_104 = arith.constant 0 : i32
    %dma_start3A_105 = arith.constant 0 : i32
    %dma_start3A_106 = tpu.memref_slice %arg11[%dma_start3A_104, %dma_start3A_105] : memref<10112x64xf32, #tpu.memory_space<vmem_shared>> -> memref<10112x64xf32, #tpu.memory_space<vmem_shared>>
    tpu.enqueue_indirect_dma source(%dma_start3A_106 : memref<10112x64xf32, #tpu.memory_space<vmem_shared>>) target(%arg10 : memref<256x64xf32, #tpu.memory_space<vmem>>) offsets(%dma_start3A_103 : memref<256xi32, #tpu.memory_space<vmem>>) semaphore(%arg16 : memref<!tpu.dma_semaphore, #tpu.memory_space<semaphore_mem>>)
    %scan3A_107 = arith.constant 0 : i32
    %scan3A_108 = arith.constant 0 : i32
    %scan3A_109 = arith.constant 10 : i32
    %scan3A_110 = arith.addi %scan3A_108, %scan3A_109 : i32
    %scan3A_111 = arith.constant 1 : i32
    %scan3A_112 = scf.for %scan3A_166 = %scan3A_108 to %scan3A_110 step %scan3A_111 iter_args(%scan3A_167 = %scan3A_107) -> (i32)  : i32 {
      %mul3A_168 = arith.constant 2 : i32
      %mul3A_169 = arith.muli %mul3A_168, %scan3A_166 : i32
      %dma_wait3A_170 = arith.constant 0 : i32
      %dma_wait3A_171 = arith.constant 0 : i32
      %dma_wait3A_172 = tpu.memref_slice %arg11[%dma_wait3A_170, %dma_wait3A_171] : memref<10112x64xf32, #tpu.memory_space<vmem_shared>> -> memref<256x64xf32, #tpu.memory_space<vmem_shared>>
      %dma_wait3A_173 = arith.constant 0 : i32
      %dma_wait3A_174 = arith.constant 0 : i32
      %dma_wait3A_175 = tpu.memref_slice %arg11[%dma_wait3A_173, %dma_wait3A_174] : memref<10112x64xf32, #tpu.memory_space<vmem_shared>> -> memref<256x64xf32, #tpu.memory_space<vmem_shared>>
      tpu.wait_dma2 semaphore(%arg15 : memref<!tpu.dma_semaphore, #tpu.memory_space<semaphore_mem>>) src(%dma_wait3A_175 : memref<256x64xf32, #tpu.memory_space<vmem_shared>>) dst(%arg9 : memref<256x64xf32, #tpu.memory_space<vmem>>)
      %dma_start3A_176 = arith.constant 0 : i32
      %dma_start3A_177 = tpu.memref_slice %arg8[%mul3A_169, %dma_start3A_176] : memref<20x256xi32, #tpu.memory_space<vmem>> -> memref<1x256xi32, #tpu.memory_space<vmem>>
      %dma_start3A_178 = tpu.memref_squeeze %dma_start3A_177 : memref<1x256xi32, #tpu.memory_space<vmem>> -> memref<256xi32, #tpu.memory_space<vmem>>
      %dma_start3A_179 = arith.constant 0 : i32
      %dma_start3A_180 = arith.constant 0 : i32
      %dma_start3A_181 = tpu.memref_slice %arg12[%dma_start3A_179, %dma_start3A_180] : memref<10112x64xf32, #tpu.memory_space<vmem_shared>> -> memref<10112x64xf32, #tpu.memory_space<vmem_shared>>
      tpu.enqueue_indirect_dma source(%arg9 : memref<256x64xf32, #tpu.memory_space<vmem>>) target(%dma_start3A_181 : memref<10112x64xf32, #tpu.memory_space<vmem_shared>>) offsets(%dma_start3A_178 : memref<256xi32, #tpu.memory_space<vmem>>) semaphore(%arg17 : memref<!tpu.dma_semaphore, #tpu.memory_space<semaphore_mem>>) {add = true}
      %add3A_182 = arith.constant 2 : i32
      %add3A_183 = arith.addi %mul3A_169, %add3A_182 : i32
      %lt3A = arith.constant 20 : i32
      %lt3A_184 = arith.cmpi slt, %add3A_183, %lt3A : i32
      %convert_element_type3A = arith.extui %lt3A_184 : i1 to i32
      %cond3A = arith.constant 0 : i32
      %cond3A_185 = arith.cmpi ne, %convert_element_type3A, %cond3A : i32
      scf.if %cond3A_185 {
        %dma_wait3A_208 = arith.constant 0 : i32
        %dma_wait3A_209 = arith.constant 0 : i32
        %dma_wait3A_210 = tpu.memref_slice %arg11[%dma_wait3A_208, %dma_wait3A_209] : memref<10112x64xf32, #tpu.memory_space<vmem_shared>> -> memref<256x64xf32, #tpu.memory_space<vmem_shared>>
        %dma_wait3A_211 = arith.constant 0 : i32
        %dma_wait3A_212 = arith.constant 0 : i32
        %dma_wait3A_213 = tpu.memref_slice %arg11[%dma_wait3A_211, %dma_wait3A_212] : memref<10112x64xf32, #tpu.memory_space<vmem_shared>> -> memref<256x64xf32, #tpu.memory_space<vmem_shared>>
        tpu.wait_dma2 semaphore(%arg17 : memref<!tpu.dma_semaphore, #tpu.memory_space<semaphore_mem>>) src(%dma_wait3A_213 : memref<256x64xf32, #tpu.memory_space<vmem_shared>>) dst(%arg9 : memref<256x64xf32, #tpu.memory_space<vmem>>)
        %add3A_214 = arith.constant 2 : i32
        %add3A_215 = arith.addi %mul3A_169, %add3A_214 : i32
        %mul3A_216 = arith.constant 256 : i32
        %mul3A_217 = arith.muli %add3A_215, %mul3A_216 : i32
        %dma_start3A_218 = tpu.memref_slice %arg7[%mul3A_217] : memref<5120xi32, #tpu.memory_space<vmem>> -> memref<256xi32, #tpu.memory_space<vmem>>
        %dma_start3A_219 = arith.constant 0 : i32
        %dma_start3A_220 = arith.constant 0 : i32
        %dma_start3A_221 = tpu.memref_slice %arg11[%dma_start3A_219, %dma_start3A_220] : memref<10112x64xf32, #tpu.memory_space<vmem_shared>> -> memref<10112x64xf32, #tpu.memory_space<vmem_shared>>
        tpu.enqueue_indirect_dma source(%dma_start3A_221 : memref<10112x64xf32, #tpu.memory_space<vmem_shared>>) target(%arg9 : memref<256x64xf32, #tpu.memory_space<vmem>>) offsets(%dma_start3A_218 : memref<256xi32, #tpu.memory_space<vmem>>) semaphore(%arg15 : memref<!tpu.dma_semaphore, #tpu.memory_space<semaphore_mem>>)
      } else {
      }
      %dma_wait3A_186 = arith.constant 0 : i32
      %dma_wait3A_187 = arith.constant 0 : i32
      %dma_wait3A_188 = tpu.memref_slice %arg11[%dma_wait3A_186, %dma_wait3A_187] : memref<10112x64xf32, #tpu.memory_space<vmem_shared>> -> memref<256x64xf32, #tpu.memory_space<vmem_shared>>
      %dma_wait3A_189 = arith.constant 0 : i32
      %dma_wait3A_190 = arith.constant 0 : i32
      %dma_wait3A_191 = tpu.memref_slice %arg11[%dma_wait3A_189, %dma_wait3A_190] : memref<10112x64xf32, #tpu.memory_space<vmem_shared>> -> memref<256x64xf32, #tpu.memory_space<vmem_shared>>
      tpu.wait_dma2 semaphore(%arg16 : memref<!tpu.dma_semaphore, #tpu.memory_space<semaphore_mem>>) src(%dma_wait3A_191 : memref<256x64xf32, #tpu.memory_space<vmem_shared>>) dst(%arg10 : memref<256x64xf32, #tpu.memory_space<vmem>>)
      %add3A_192 = arith.constant 1 : i32
      %add3A_193 = arith.addi %mul3A_169, %add3A_192 : i32
      %dma_start3A_194 = arith.constant 0 : i32
      %dma_start3A_195 = tpu.memref_slice %arg8[%add3A_193, %dma_start3A_194] : memref<20x256xi32, #tpu.memory_space<vmem>> -> memref<1x256xi32, #tpu.memory_space<vmem>>
      %dma_start3A_196 = tpu.memref_squeeze %dma_start3A_195 : memref<1x256xi32, #tpu.memory_space<vmem>> -> memref<256xi32, #tpu.memory_space<vmem>>
      %dma_start3A_197 = arith.constant 0 : i32
      %dma_start3A_198 = arith.constant 0 : i32
      %dma_start3A_199 = tpu.memref_slice %arg12[%dma_start3A_197, %dma_start3A_198] : memref<10112x64xf32, #tpu.memory_space<vmem_shared>> -> memref<10112x64xf32, #tpu.memory_space<vmem_shared>>
      tpu.enqueue_indirect_dma source(%arg10 : memref<256x64xf32, #tpu.memory_space<vmem>>) target(%dma_start3A_199 : memref<10112x64xf32, #tpu.memory_space<vmem_shared>>) offsets(%dma_start3A_196 : memref<256xi32, #tpu.memory_space<vmem>>) semaphore(%arg18 : memref<!tpu.dma_semaphore, #tpu.memory_space<semaphore_mem>>) {add = true}
      %add3A_200 = arith.constant 3 : i32
      %add3A_201 = arith.addi %mul3A_169, %add3A_200 : i32
      %lt3A_202 = arith.constant 20 : i32
      %lt3A_203 = arith.cmpi slt, %add3A_201, %lt3A_202 : i32
      %convert_element_type3A_204 = arith.extui %lt3A_203 : i1 to i32
      %cond3A_205 = arith.constant 0 : i32
      %cond3A_206 = arith.cmpi ne, %convert_element_type3A_204, %cond3A_205 : i32
      scf.if %cond3A_206 {
        %dma_wait3A_208 = arith.constant 0 : i32
        %dma_wait3A_209 = arith.constant 0 : i32
        %dma_wait3A_210 = tpu.memref_slice %arg11[%dma_wait3A_208, %dma_wait3A_209] : memref<10112x64xf32, #tpu.memory_space<vmem_shared>> -> memref<256x64xf32, #tpu.memory_space<vmem_shared>>
        %dma_wait3A_211 = arith.constant 0 : i32
        %dma_wait3A_212 = arith.constant 0 : i32
        %dma_wait3A_213 = tpu.memref_slice %arg11[%dma_wait3A_211, %dma_wait3A_212] : memref<10112x64xf32, #tpu.memory_space<vmem_shared>> -> memref<256x64xf32, #tpu.memory_space<vmem_shared>>
        tpu.wait_dma2 semaphore(%arg18 : memref<!tpu.dma_semaphore, #tpu.memory_space<semaphore_mem>>) src(%dma_wait3A_213 : memref<256x64xf32, #tpu.memory_space<vmem_shared>>) dst(%arg10 : memref<256x64xf32, #tpu.memory_space<vmem>>)
        %add3A_214 = arith.constant 3 : i32
        %add3A_215 = arith.addi %mul3A_169, %add3A_214 : i32
        %mul3A_216 = arith.constant 256 : i32
        %mul3A_217 = arith.muli %add3A_215, %mul3A_216 : i32
        %dma_start3A_218 = tpu.memref_slice %arg7[%mul3A_217] : memref<5120xi32, #tpu.memory_space<vmem>> -> memref<256xi32, #tpu.memory_space<vmem>>
        %dma_start3A_219 = arith.constant 0 : i32
        %dma_start3A_220 = arith.constant 0 : i32
        %dma_start3A_221 = tpu.memref_slice %arg11[%dma_start3A_219, %dma_start3A_220] : memref<10112x64xf32, #tpu.memory_space<vmem_shared>> -> memref<10112x64xf32, #tpu.memory_space<vmem_shared>>
        tpu.enqueue_indirect_dma source(%dma_start3A_221 : memref<10112x64xf32, #tpu.memory_space<vmem_shared>>) target(%arg10 : memref<256x64xf32, #tpu.memory_space<vmem>>) offsets(%dma_start3A_218 : memref<256xi32, #tpu.memory_space<vmem>>) semaphore(%arg16 : memref<!tpu.dma_semaphore, #tpu.memory_space<semaphore_mem>>)
      } else {
      }
      %scan3A_207 = arith.constant 0 : i32
      scf.yield %scan3A_207 : i32
    }
    %scan3A_113 = arith.constant 10 : i32
    %dma_wait3A_114 = arith.constant 0 : i32
    %dma_wait3A_115 = arith.constant 0 : i32
    %dma_wait3A_116 = tpu.memref_slice %arg11[%dma_wait3A_114, %dma_wait3A_115] : memref<10112x64xf32, #tpu.memory_space<vmem_shared>> -> memref<256x64xf32, #tpu.memory_space<vmem_shared>>
    %dma_wait3A_117 = arith.constant 0 : i32
    %dma_wait3A_118 = arith.constant 0 : i32
    %dma_wait3A_119 = tpu.memref_slice %arg11[%dma_wait3A_117, %dma_wait3A_118] : memref<10112x64xf32, #tpu.memory_space<vmem_shared>> -> memref<256x64xf32, #tpu.memory_space<vmem_shared>>
    tpu.wait_dma2 semaphore(%arg17 : memref<!tpu.dma_semaphore, #tpu.memory_space<semaphore_mem>>) src(%dma_wait3A_119 : memref<256x64xf32, #tpu.memory_space<vmem_shared>>) dst(%arg9 : memref<256x64xf32, #tpu.memory_space<vmem>>)
    %dma_wait3A_120 = arith.constant 0 : i32
    %dma_wait3A_121 = arith.constant 0 : i32
    %dma_wait3A_122 = tpu.memref_slice %arg11[%dma_wait3A_120, %dma_wait3A_121] : memref<10112x64xf32, #tpu.memory_space<vmem_shared>> -> memref<256x64xf32, #tpu.memory_space<vmem_shared>>
    %dma_wait3A_123 = arith.constant 0 : i32
    %dma_wait3A_124 = arith.constant 0 : i32
    %dma_wait3A_125 = tpu.memref_slice %arg11[%dma_wait3A_123, %dma_wait3A_124] : memref<10112x64xf32, #tpu.memory_space<vmem_shared>> -> memref<256x64xf32, #tpu.memory_space<vmem_shared>>
    tpu.wait_dma2 semaphore(%arg18 : memref<!tpu.dma_semaphore, #tpu.memory_space<semaphore_mem>>) src(%dma_wait3A_125 : memref<256x64xf32, #tpu.memory_space<vmem_shared>>) dst(%arg10 : memref<256x64xf32, #tpu.memory_space<vmem>>)
    %mul3A_126 = arith.constant 20480 : i32
    %mul3A_127 = arith.muli %arg1, %mul3A_126 : i32
    %add3A_128 = arith.constant 15360 : i32
    %add3A_129 = arith.addi %mul3A_127, %add3A_128 : i32
    "tpu.region"() ({
      %run_scoped3A = tpu.sem_alloc : memref<!tpu.dma_semaphore, #tpu.memory_space<semaphore_mem>>
      %dma_start3A_166 = tpu.memref_slice %arg3[%add3A_129] : memref<327680xi32, #tpu.memory_space<hbm>> -> memref<5120xi32, #tpu.memory_space<hbm>>
      %dma_start3A_167 = tpu.memref_slice %arg3[%add3A_129] : memref<327680xi32, #tpu.memory_space<hbm>> -> memref<5120xi32, #tpu.memory_space<hbm>>
      tpu.enqueue_dma source(%dma_start3A_167 : memref<5120xi32, #tpu.memory_space<hbm>>) target(%arg7 : memref<5120xi32, #tpu.memory_space<vmem>>) target_semaphore(%run_scoped3A : memref<!tpu.dma_semaphore, #tpu.memory_space<semaphore_mem>>)
      %dma_wait3A_168 = tpu.memref_slice %arg3[%add3A_129] : memref<327680xi32, #tpu.memory_space<hbm>> -> memref<5120xi32, #tpu.memory_space<hbm>>
      %dma_wait3A_169 = tpu.memref_slice %arg3[%add3A_129] : memref<327680xi32, #tpu.memory_space<hbm>> -> memref<5120xi32, #tpu.memory_space<hbm>>
      tpu.wait_dma2 semaphore(%run_scoped3A : memref<!tpu.dma_semaphore, #tpu.memory_space<semaphore_mem>>) src(%dma_wait3A_169 : memref<5120xi32, #tpu.memory_space<hbm>>) dst(%arg7 : memref<5120xi32, #tpu.memory_space<vmem>>)
      tpu.yield
    }) : () -> ()
    %mul3A_130 = arith.constant 80 : i32
    %mul3A_131 = arith.muli %arg1, %mul3A_130 : i32
    %add3A_132 = arith.constant 60 : i32
    %add3A_133 = arith.addi %mul3A_131, %add3A_132 : i32
    "tpu.region"() ({
      %run_scoped3A = tpu.sem_alloc : memref<!tpu.dma_semaphore, #tpu.memory_space<semaphore_mem>>
      %dma_start3A_166 = arith.constant 0 : i32
      %dma_start3A_167 = tpu.memref_slice %arg4[%add3A_133, %dma_start3A_166] : memref<1280x256xi32, #tpu.memory_space<hbm>> -> memref<20x256xi32, #tpu.memory_space<hbm>>
      %dma_start3A_168 = arith.constant 0 : i32
      %dma_start3A_169 = tpu.memref_slice %arg4[%add3A_133, %dma_start3A_168] : memref<1280x256xi32, #tpu.memory_space<hbm>> -> memref<20x256xi32, #tpu.memory_space<hbm>>
      tpu.enqueue_dma source(%dma_start3A_169 : memref<20x256xi32, #tpu.memory_space<hbm>>) target(%arg8 : memref<20x256xi32, #tpu.memory_space<vmem>>) target_semaphore(%run_scoped3A : memref<!tpu.dma_semaphore, #tpu.memory_space<semaphore_mem>>)
      %dma_wait3A_170 = arith.constant 0 : i32
      %dma_wait3A_171 = tpu.memref_slice %arg4[%add3A_133, %dma_wait3A_170] : memref<1280x256xi32, #tpu.memory_space<hbm>> -> memref<20x256xi32, #tpu.memory_space<hbm>>
      %dma_wait3A_172 = arith.constant 0 : i32
      %dma_wait3A_173 = tpu.memref_slice %arg4[%add3A_133, %dma_wait3A_172] : memref<1280x256xi32, #tpu.memory_space<hbm>> -> memref<20x256xi32, #tpu.memory_space<hbm>>
      tpu.wait_dma2 semaphore(%run_scoped3A : memref<!tpu.dma_semaphore, #tpu.memory_space<semaphore_mem>>) src(%dma_wait3A_173 : memref<20x256xi32, #tpu.memory_space<hbm>>) dst(%arg8 : memref<20x256xi32, #tpu.memory_space<vmem>>)
      tpu.yield
    }) : () -> ()
    %dma_start3A_134 = arith.constant 0 : i32
    %dma_start3A_135 = tpu.memref_slice %arg7[%dma_start3A_134] : memref<5120xi32, #tpu.memory_space<vmem>> -> memref<256xi32, #tpu.memory_space<vmem>>
    %dma_start3A_136 = arith.constant 0 : i32
    %dma_start3A_137 = arith.constant 0 : i32
    %dma_start3A_138 = tpu.memref_slice %arg11[%dma_start3A_136, %dma_start3A_137] : memref<10112x64xf32, #tpu.memory_space<vmem_shared>> -> memref<10112x64xf32, #tpu.memory_space<vmem_shared>>
    tpu.enqueue_indirect_dma source(%dma_start3A_138 : memref<10112x64xf32, #tpu.memory_space<vmem_shared>>) target(%arg9 : memref<256x64xf32, #tpu.memory_space<vmem>>) offsets(%dma_start3A_135 : memref<256xi32, #tpu.memory_space<vmem>>) semaphore(%arg15 : memref<!tpu.dma_semaphore, #tpu.memory_space<semaphore_mem>>)
    %dma_start3A_139 = arith.constant 256 : i32
    %dma_start3A_140 = tpu.memref_slice %arg7[%dma_start3A_139] : memref<5120xi32, #tpu.memory_space<vmem>> -> memref<256xi32, #tpu.memory_space<vmem>>
    %dma_start3A_141 = arith.constant 0 : i32
    %dma_start3A_142 = arith.constant 0 : i32
    %dma_start3A_143 = tpu.memref_slice %arg11[%dma_start3A_141, %dma_start3A_142] : memref<10112x64xf32, #tpu.memory_space<vmem_shared>> -> memref<10112x64xf32, #tpu.memory_space<vmem_shared>>
    tpu.enqueue_indirect_dma source(%dma_start3A_143 : memref<10112x64xf32, #tpu.memory_space<vmem_shared>>) target(%arg10 : memref<256x64xf32, #tpu.memory_space<vmem>>) offsets(%dma_start3A_140 : memref<256xi32, #tpu.memory_space<vmem>>) semaphore(%arg16 : memref<!tpu.dma_semaphore, #tpu.memory_space<semaphore_mem>>)
    %scan3A_144 = arith.constant 0 : i32
    %scan3A_145 = arith.constant 0 : i32
    %scan3A_146 = arith.constant 10 : i32
    %scan3A_147 = arith.addi %scan3A_145, %scan3A_146 : i32
    %scan3A_148 = arith.constant 1 : i32
    %scan3A_149 = scf.for %scan3A_166 = %scan3A_145 to %scan3A_147 step %scan3A_148 iter_args(%scan3A_167 = %scan3A_144) -> (i32)  : i32 {
      %mul3A_168 = arith.constant 2 : i32
      %mul3A_169 = arith.muli %mul3A_168, %scan3A_166 : i32
      %dma_wait3A_170 = arith.constant 0 : i32
      %dma_wait3A_171 = arith.constant 0 : i32
      %dma_wait3A_172 = tpu.memref_slice %arg11[%dma_wait3A_170, %dma_wait3A_171] : memref<10112x64xf32, #tpu.memory_space<vmem_shared>> -> memref<256x64xf32, #tpu.memory_space<vmem_shared>>
      %dma_wait3A_173 = arith.constant 0 : i32
      %dma_wait3A_174 = arith.constant 0 : i32
      %dma_wait3A_175 = tpu.memref_slice %arg11[%dma_wait3A_173, %dma_wait3A_174] : memref<10112x64xf32, #tpu.memory_space<vmem_shared>> -> memref<256x64xf32, #tpu.memory_space<vmem_shared>>
      tpu.wait_dma2 semaphore(%arg15 : memref<!tpu.dma_semaphore, #tpu.memory_space<semaphore_mem>>) src(%dma_wait3A_175 : memref<256x64xf32, #tpu.memory_space<vmem_shared>>) dst(%arg9 : memref<256x64xf32, #tpu.memory_space<vmem>>)
      %dma_start3A_176 = arith.constant 0 : i32
      %dma_start3A_177 = tpu.memref_slice %arg8[%mul3A_169, %dma_start3A_176] : memref<20x256xi32, #tpu.memory_space<vmem>> -> memref<1x256xi32, #tpu.memory_space<vmem>>
      %dma_start3A_178 = tpu.memref_squeeze %dma_start3A_177 : memref<1x256xi32, #tpu.memory_space<vmem>> -> memref<256xi32, #tpu.memory_space<vmem>>
      %dma_start3A_179 = arith.constant 0 : i32
      %dma_start3A_180 = arith.constant 0 : i32
      %dma_start3A_181 = tpu.memref_slice %arg12[%dma_start3A_179, %dma_start3A_180] : memref<10112x64xf32, #tpu.memory_space<vmem_shared>> -> memref<10112x64xf32, #tpu.memory_space<vmem_shared>>
      tpu.enqueue_indirect_dma source(%arg9 : memref<256x64xf32, #tpu.memory_space<vmem>>) target(%dma_start3A_181 : memref<10112x64xf32, #tpu.memory_space<vmem_shared>>) offsets(%dma_start3A_178 : memref<256xi32, #tpu.memory_space<vmem>>) semaphore(%arg17 : memref<!tpu.dma_semaphore, #tpu.memory_space<semaphore_mem>>) {add = true}
      %add3A_182 = arith.constant 2 : i32
      %add3A_183 = arith.addi %mul3A_169, %add3A_182 : i32
      %lt3A = arith.constant 20 : i32
      %lt3A_184 = arith.cmpi slt, %add3A_183, %lt3A : i32
      %convert_element_type3A = arith.extui %lt3A_184 : i1 to i32
      %cond3A = arith.constant 0 : i32
      %cond3A_185 = arith.cmpi ne, %convert_element_type3A, %cond3A : i32
      scf.if %cond3A_185 {
        %dma_wait3A_208 = arith.constant 0 : i32
        %dma_wait3A_209 = arith.constant 0 : i32
        %dma_wait3A_210 = tpu.memref_slice %arg11[%dma_wait3A_208, %dma_wait3A_209] : memref<10112x64xf32, #tpu.memory_space<vmem_shared>> -> memref<256x64xf32, #tpu.memory_space<vmem_shared>>
        %dma_wait3A_211 = arith.constant 0 : i32
        %dma_wait3A_212 = arith.constant 0 : i32
        %dma_wait3A_213 = tpu.memref_slice %arg11[%dma_wait3A_211, %dma_wait3A_212] : memref<10112x64xf32, #tpu.memory_space<vmem_shared>> -> memref<256x64xf32, #tpu.memory_space<vmem_shared>>
        tpu.wait_dma2 semaphore(%arg17 : memref<!tpu.dma_semaphore, #tpu.memory_space<semaphore_mem>>) src(%dma_wait3A_213 : memref<256x64xf32, #tpu.memory_space<vmem_shared>>) dst(%arg9 : memref<256x64xf32, #tpu.memory_space<vmem>>)
        %add3A_214 = arith.constant 2 : i32
        %add3A_215 = arith.addi %mul3A_169, %add3A_214 : i32
        %mul3A_216 = arith.constant 256 : i32
        %mul3A_217 = arith.muli %add3A_215, %mul3A_216 : i32
        %dma_start3A_218 = tpu.memref_slice %arg7[%mul3A_217] : memref<5120xi32, #tpu.memory_space<vmem>> -> memref<256xi32, #tpu.memory_space<vmem>>
        %dma_start3A_219 = arith.constant 0 : i32
        %dma_start3A_220 = arith.constant 0 : i32
        %dma_start3A_221 = tpu.memref_slice %arg11[%dma_start3A_219, %dma_start3A_220] : memref<10112x64xf32, #tpu.memory_space<vmem_shared>> -> memref<10112x64xf32, #tpu.memory_space<vmem_shared>>
        tpu.enqueue_indirect_dma source(%dma_start3A_221 : memref<10112x64xf32, #tpu.memory_space<vmem_shared>>) target(%arg9 : memref<256x64xf32, #tpu.memory_space<vmem>>) offsets(%dma_start3A_218 : memref<256xi32, #tpu.memory_space<vmem>>) semaphore(%arg15 : memref<!tpu.dma_semaphore, #tpu.memory_space<semaphore_mem>>)
      } else {
      }
      %dma_wait3A_186 = arith.constant 0 : i32
      %dma_wait3A_187 = arith.constant 0 : i32
      %dma_wait3A_188 = tpu.memref_slice %arg11[%dma_wait3A_186, %dma_wait3A_187] : memref<10112x64xf32, #tpu.memory_space<vmem_shared>> -> memref<256x64xf32, #tpu.memory_space<vmem_shared>>
      %dma_wait3A_189 = arith.constant 0 : i32
      %dma_wait3A_190 = arith.constant 0 : i32
      %dma_wait3A_191 = tpu.memref_slice %arg11[%dma_wait3A_189, %dma_wait3A_190] : memref<10112x64xf32, #tpu.memory_space<vmem_shared>> -> memref<256x64xf32, #tpu.memory_space<vmem_shared>>
      tpu.wait_dma2 semaphore(%arg16 : memref<!tpu.dma_semaphore, #tpu.memory_space<semaphore_mem>>) src(%dma_wait3A_191 : memref<256x64xf32, #tpu.memory_space<vmem_shared>>) dst(%arg10 : memref<256x64xf32, #tpu.memory_space<vmem>>)
      %add3A_192 = arith.constant 1 : i32
      %add3A_193 = arith.addi %mul3A_169, %add3A_192 : i32
      %dma_start3A_194 = arith.constant 0 : i32
      %dma_start3A_195 = tpu.memref_slice %arg8[%add3A_193, %dma_start3A_194] : memref<20x256xi32, #tpu.memory_space<vmem>> -> memref<1x256xi32, #tpu.memory_space<vmem>>
      %dma_start3A_196 = tpu.memref_squeeze %dma_start3A_195 : memref<1x256xi32, #tpu.memory_space<vmem>> -> memref<256xi32, #tpu.memory_space<vmem>>
      %dma_start3A_197 = arith.constant 0 : i32
      %dma_start3A_198 = arith.constant 0 : i32
      %dma_start3A_199 = tpu.memref_slice %arg12[%dma_start3A_197, %dma_start3A_198] : memref<10112x64xf32, #tpu.memory_space<vmem_shared>> -> memref<10112x64xf32, #tpu.memory_space<vmem_shared>>
      tpu.enqueue_indirect_dma source(%arg10 : memref<256x64xf32, #tpu.memory_space<vmem>>) target(%dma_start3A_199 : memref<10112x64xf32, #tpu.memory_space<vmem_shared>>) offsets(%dma_start3A_196 : memref<256xi32, #tpu.memory_space<vmem>>) semaphore(%arg18 : memref<!tpu.dma_semaphore, #tpu.memory_space<semaphore_mem>>) {add = true}
      %add3A_200 = arith.constant 3 : i32
      %add3A_201 = arith.addi %mul3A_169, %add3A_200 : i32
      %lt3A_202 = arith.constant 20 : i32
      %lt3A_203 = arith.cmpi slt, %add3A_201, %lt3A_202 : i32
      %convert_element_type3A_204 = arith.extui %lt3A_203 : i1 to i32
      %cond3A_205 = arith.constant 0 : i32
      %cond3A_206 = arith.cmpi ne, %convert_element_type3A_204, %cond3A_205 : i32
      scf.if %cond3A_206 {
        %dma_wait3A_208 = arith.constant 0 : i32
        %dma_wait3A_209 = arith.constant 0 : i32
        %dma_wait3A_210 = tpu.memref_slice %arg11[%dma_wait3A_208, %dma_wait3A_209] : memref<10112x64xf32, #tpu.memory_space<vmem_shared>> -> memref<256x64xf32, #tpu.memory_space<vmem_shared>>
        %dma_wait3A_211 = arith.constant 0 : i32
        %dma_wait3A_212 = arith.constant 0 : i32
        %dma_wait3A_213 = tpu.memref_slice %arg11[%dma_wait3A_211, %dma_wait3A_212] : memref<10112x64xf32, #tpu.memory_space<vmem_shared>> -> memref<256x64xf32, #tpu.memory_space<vmem_shared>>
        tpu.wait_dma2 semaphore(%arg18 : memref<!tpu.dma_semaphore, #tpu.memory_space<semaphore_mem>>) src(%dma_wait3A_213 : memref<256x64xf32, #tpu.memory_space<vmem_shared>>) dst(%arg10 : memref<256x64xf32, #tpu.memory_space<vmem>>)
        %add3A_214 = arith.constant 3 : i32
        %add3A_215 = arith.addi %mul3A_169, %add3A_214 : i32
        %mul3A_216 = arith.constant 256 : i32
        %mul3A_217 = arith.muli %add3A_215, %mul3A_216 : i32
        %dma_start3A_218 = tpu.memref_slice %arg7[%mul3A_217] : memref<5120xi32, #tpu.memory_space<vmem>> -> memref<256xi32, #tpu.memory_space<vmem>>
        %dma_start3A_219 = arith.constant 0 : i32
        %dma_start3A_220 = arith.constant 0 : i32
        %dma_start3A_221 = tpu.memref_slice %arg11[%dma_start3A_219, %dma_start3A_220] : memref<10112x64xf32, #tpu.memory_space<vmem_shared>> -> memref<10112x64xf32, #tpu.memory_space<vmem_shared>>
        tpu.enqueue_indirect_dma source(%dma_start3A_221 : memref<10112x64xf32, #tpu.memory_space<vmem_shared>>) target(%arg10 : memref<256x64xf32, #tpu.memory_space<vmem>>) offsets(%dma_start3A_218 : memref<256xi32, #tpu.memory_space<vmem>>) semaphore(%arg16 : memref<!tpu.dma_semaphore, #tpu.memory_space<semaphore_mem>>)
      } else {
      }
      %scan3A_207 = arith.constant 0 : i32
      scf.yield %scan3A_207 : i32
    }
    %scan3A_150 = arith.constant 10 : i32
    %dma_wait3A_151 = arith.constant 0 : i32
    %dma_wait3A_152 = arith.constant 0 : i32
    %dma_wait3A_153 = tpu.memref_slice %arg11[%dma_wait3A_151, %dma_wait3A_152] : memref<10112x64xf32, #tpu.memory_space<vmem_shared>> -> memref<256x64xf32, #tpu.memory_space<vmem_shared>>
    %dma_wait3A_154 = arith.constant 0 : i32
    %dma_wait3A_155 = arith.constant 0 : i32
    %dma_wait3A_156 = tpu.memref_slice %arg11[%dma_wait3A_154, %dma_wait3A_155] : memref<10112x64xf32, #tpu.memory_space<vmem_shared>> -> memref<256x64xf32, #tpu.memory_space<vmem_shared>>
    tpu.wait_dma2 semaphore(%arg17 : memref<!tpu.dma_semaphore, #tpu.memory_space<semaphore_mem>>) src(%dma_wait3A_156 : memref<256x64xf32, #tpu.memory_space<vmem_shared>>) dst(%arg9 : memref<256x64xf32, #tpu.memory_space<vmem>>)
    %dma_wait3A_157 = arith.constant 0 : i32
    %dma_wait3A_158 = arith.constant 0 : i32
    %dma_wait3A_159 = tpu.memref_slice %arg11[%dma_wait3A_157, %dma_wait3A_158] : memref<10112x64xf32, #tpu.memory_space<vmem_shared>> -> memref<256x64xf32, #tpu.memory_space<vmem_shared>>
    %dma_wait3A_160 = arith.constant 0 : i32
    %dma_wait3A_161 = arith.constant 0 : i32
    %dma_wait3A_162 = tpu.memref_slice %arg11[%dma_wait3A_160, %dma_wait3A_161] : memref<10112x64xf32, #tpu.memory_space<vmem_shared>> -> memref<256x64xf32, #tpu.memory_space<vmem_shared>>
    tpu.wait_dma2 semaphore(%arg18 : memref<!tpu.dma_semaphore, #tpu.memory_space<semaphore_mem>>) src(%dma_wait3A_162 : memref<256x64xf32, #tpu.memory_space<vmem_shared>>) dst(%arg10 : memref<256x64xf32, #tpu.memory_space<vmem>>)
    %barrier3A_163 = arith.constant 0 : index
    tpu.barrier barrier_id(%barrier3A_163)
    %mul3A_164 = arith.constant 64 : i32
    %mul3A_165 = arith.muli %arg0, %mul3A_164 : i32
    "tpu.region"() ({
      %run_scoped3A = tpu.sem_alloc : memref<!tpu.dma_semaphore, #tpu.memory_space<semaphore_mem>>
      %dma_start3A_166 = tpu.memref_slice %arg6[%mul3A_0, %mul3A_165] : memref<10112x128xf32, #tpu.memory_space<hbm>> -> memref<632x64xf32, #tpu.memory_space<hbm>>
      %dma_start3A_167 = arith.constant 0 : i32
      %dma_start3A_168 = tpu.memref_slice %arg12[%mul3A_0, %dma_start3A_167] : memref<10112x64xf32, #tpu.memory_space<vmem_shared>> -> memref<632x64xf32, #tpu.memory_space<vmem_shared>>
      tpu.enqueue_dma source(%dma_start3A_168 : memref<632x64xf32, #tpu.memory_space<vmem_shared>>) target(%dma_start3A_166 : memref<632x64xf32, #tpu.memory_space<hbm>>) target_semaphore(%run_scoped3A : memref<!tpu.dma_semaphore, #tpu.memory_space<semaphore_mem>>)
      %dma_wait3A_169 = tpu.memref_slice %arg6[%mul3A_0, %mul3A_165] : memref<10112x128xf32, #tpu.memory_space<hbm>> -> memref<632x64xf32, #tpu.memory_space<hbm>>
      %dma_wait3A_170 = arith.constant 0 : i32
      %dma_wait3A_171 = tpu.memref_slice %arg12[%mul3A_0, %dma_wait3A_170] : memref<10112x64xf32, #tpu.memory_space<vmem_shared>> -> memref<632x64xf32, #tpu.memory_space<vmem_shared>>
      tpu.wait_dma2 semaphore(%run_scoped3A : memref<!tpu.dma_semaphore, #tpu.memory_space<semaphore_mem>>) src(%dma_wait3A_171 : memref<632x64xf32, #tpu.memory_space<vmem_shared>>) dst(%dma_wait3A_169 : memref<632x64xf32, #tpu.memory_space<hbm>>)
      tpu.yield
    }) : () -> ()
    return
  }
}

</mosaic_0001>

<sc_bundles>
// kernel: kernel.3.cloned.1.call-start
scs
__scs_entry_jumppad:
0x0: {  	(pc) =	sbr.rel $0x88, $3  }
0x1: {  	(tag) =	ssettag $0x0;
	lr =	simm.s32 $0x1  }
0x2: {  	[smem:$0x3F9F] =	sst lr;
	_ =	strace $0xD0000000  }
0x3: {  	_ = 	snop  }
0x4: {  	_ = 	snop  }
0x5: {  	_ = 	snop  }
0x6: {  	_ = 	snop  }
0x7: {  	_ = 	snop  }
__scs_overlays_trampoline_lowered:
0x8: {  	[smem:$0x3FAE] =	sst s0  }
0x9: {  	[smem:$0x3FAF] =	sst s1  }
0xa: {  	[smem:$0x3FB0] =	sst s2  }
0xb: {  	[smem:$0x3FB1] =	sst s3  }
0xc: {  	[smem:$0x3FB2] =	sst s4  }
0xd: {  	[smem:$0x3FB3] =	sst s5  }
0xe: {  	[smem:$0x3FB4] =	sst s6  }
0xf: {  	[smem:$0x3FB5] =	sst s7  }
0x10: {  	[smem:$0x3FB6] =	sst s8  }
0x11: {  	[smem:$0x3FB7] =	sst s9;
	s0 =	simm.s32 @!p0 $0x0  }
0x12: {  	s1 =	sld [smem:$0x3F9D];
	s0 =	simm.s32 @p0 $0x1  }
0x13: {  	[smem:$0x3FB8] =	sst s0;
	s0 =	simm.s32 @!p1 $0x0  }
0x14: {  	s2 =	sld [smem:$0x3F9C];
	s0 =	simm.s32 @p1 $0x1  }
0x15: {  	[smem:$0x3FB9] =	sst s0;
	s0 =	simm.s32 @!p2 $0x0  }
0x16: {  	s3 =	sld [smem:$0x3FDB];
	s0 =	simm.s32 @p2 $0x1  }
0x17: {  	s4 =	simm.s32 $0x1BF5;
	[smem:$0x3FBB] =	sst s0  }
0x18: {  	s0 =	sld [smem:$0x3F9E];
	_ =	swait.ge [sflag:s4], $0x0  }
0x19: {  	s7 =	sld [smem:$0x3F9F]  }
0x1a: {  	s8 =	sadd.s32 $0xFFFFE003, lr  }
0x1b: {  	s9 =	sadd.s32 $0xFFFFFEF7, lr;
	s5 =	simm.s32 $0xFFFFFFFF;
	p2 =	slt.u32 s8, $0xFFFFF086  }
0x1c: {  	p1 =	slt.u32 s9, $0xF7A;
	s5 =	simm.s32 @!p2 $0x0  }
0x1d: {  	s5 =	simm.s32 @p1 $0x1;
	p0 =	seq.s32 s7, s2  }
0x1e: {  	s7 =	smul.u32 @!p0 $0xF7A, s2;
	p2 =	seq.s32 @!p0 s5, $0x0  }
0x1f: {  	s9 =	smul.u32 $0xF7A, s1;
	s8 =	simm.s32 @!p0 $0x1BF5;
	p2 =	por !p2, p0  }
0x20: {  	[sflag:s8] =	ssyncset.s32 @!p0 $0xFFFFF086;
	s6 =	sadd.s32 @!p0 s3, s7;
	s7 =	simm.s32 @!p0 $0x108  }
0x21: {  	s3 =	sadd.s32 s3, s9;
	s6 =	sadd.s32 @!p0 $0x88, s6;
	s7 =	simm.s32 @p2 $0x1082  }
0x22: {  	[simem:s7], [sflag:s8] =	dma.local @!p0 [hbm:s6], $0xF7A  }
0x23: {  	s9 =	sor.u32 $0xD0000000, s2;
	s6 =	simm.s32 $0x108;
	_ =	swait.ge @!p0 [sflag:s8], $0x0  }
0x24: {  	s3 =	sadd.s32 $0x88, s3;
	s6 =	simm.s32 @!p1 $0x1082;
	[sflag:s4] =	ssyncset.s32 $0xFFFFF086  }
0x25: {  	[simem:s6], [sflag:s4] =	dma.local [hbm:s3], $0xF7A  }
0x26: {  	[smem:$0x3F9F] =	sst s1;
	(tag) =	ssettag s2;
	_ =	strace s9  }
0x27: {  	s1 =	sld [smem:$0x3FAF]  }
0x28: {  	s2 =	sld [smem:$0x3FB0]  }
0x29: {  	s4 =	sld [smem:$0x3FB2]  }
0x2a: {  	p0 =	seq.s32 s5, $0x0;
	s5 =	sld [smem:$0x3FB3]  }
0x2b: {  	s6 =	sld [smem:$0x3FB4]  }
0x2c: {  	s7 =	sld [smem:$0x3FB5]  }
0x2d: {  	s3 =	simm.s32 $0x108;
	s8 =	sld [smem:$0x3FB6]  }
0x2e: {  	s3 =	simm.s32 @!p0 $0x1082;
	s9 =	sld [smem:$0x3FB7]  }
0x2f: {  	lr =	sadd.s32 s0, s3;
	s0 =	sld [smem:$0x3FAE]  }
0x30: {  	s3 =	sld [smem:$0x3FB1]  }
0x31: {  	[smem:$0x3FBA] =	sst s10  }
0x32: {  	s10 =	sld [smem:$0x3FB8];
	_ =	sdelay $0x3  }
0x33: {  	p0 =	seq.s32 s10, $0x1;
	s10 =	sld [smem:$0x3FBA];
	_ =	sdelay $0x3  }
0x34: {  	[smem:$0x3FBA] =	sst s10  }
0x35: {  	s10 =	sld [smem:$0x3FB9];
	_ =	sdelay $0x3  }
0x36: {  	p1 =	seq.s32 s10, $0x1;
	s10 =	sld [smem:$0x3FBA];
	_ =	sdelay $0x3  }
0x37: {  	[smem:$0x3FBA] =	sst s10  }
0x38: {  	s10 =	sld [smem:$0x3FBB]  }
0x39: {  	_ = 	snop;
	(pc) =	sbr.ind lr, $3  }
0x3a: {  	_ = 	snop  }
0x3b: {  	_ = 	snop  }
0x3c: {  	p2 =	seq.s32 s10, $0x1;
	s10 =	sld [smem:$0x3FBA]  }
0x3d: {  	_ =	shalt  }
0x3e: {  	_ =	shalt  }
0x3f: {  	_ =	shalt  }
0x40: {  	_ =	shalt  }
0x41: {  	_ =	shalt  }
0x42: {  	_ =	shalt  }
0x43: {  	_ =	shalt  }
0x44: {  	_ =	shalt  }
0x45: {  	_ =	shalt  }
0x46: {  	_ =	shalt  }
0x47: {  	_ =	shalt  }
0x48: {  	_ =	shalt  }
0x49: {  	_ =	shalt  }
0x4a: {  	_ =	shalt  }
0x4b: {  	_ =	shalt  }
0x4c: {  	_ =	shalt  }
0x4d: {  	_ =	shalt  }
0x4e: {  	_ =	shalt  }
0x4f: {  	_ =	shalt  }
0x50: {  	_ =	shalt  }
0x51: {  	_ =	shalt  }
0x52: {  	_ =	shalt  }
0x53: {  	_ =	shalt  }
0x54: {  	_ =	shalt  }
0x55: {  	_ =	shalt  }
0x56: {  	_ =	shalt  }
0x57: {  	_ =	shalt  }
0x58: {  	_ =	shalt  }
0x59: {  	_ =	shalt  }
0x5a: {  	_ =	shalt  }
0x5b: {  	_ =	shalt  }
0x5c: {  	_ =	shalt  }
0x5d: {  	_ =	shalt  }
0x5e: {  	_ =	shalt  }
0x5f: {  	_ =	shalt  }
0x60: {  	_ =	shalt  }
0x61: {  	_ =	shalt  }
0x62: {  	_ =	shalt  }
0x63: {  	_ =	shalt  }
0x64: {  	_ =	shalt  }
0x65: {  	_ =	shalt  }
0x66: {  	_ =	shalt  }
0x67: {  	_ =	shalt  }
0x68: {  	_ =	shalt  }
0x69: {  	_ =	shalt  }
0x6a: {  	_ =	shalt  }
0x6b: {  	_ =	shalt  }
0x6c: {  	_ =	shalt  }
0x6d: {  	_ =	shalt  }
0x6e: {  	_ =	shalt  }
0x6f: {  	_ =	shalt  }
0x70: {  	_ =	shalt  }
0x71: {  	_ =	shalt  }
0x72: {  	_ =	shalt  }
0x73: {  	_ =	shalt  }
0x74: {  	_ =	shalt  }
0x75: {  	_ =	shalt  }
0x76: {  	_ =	shalt  }
0x77: {  	_ =	shalt  }
0x78: {  	_ =	shalt  }
0x79: {  	_ =	shalt  }
0x7a: {  	_ =	shalt  }
0x7b: {  	_ =	shalt  }
0x7c: {  	_ =	shalt  }
0x7d: {  	_ =	shalt  }
0x7e: {  	_ =	shalt  }
0x7f: {  	_ =	shalt  }
0x80: {  	_ =	shalt  }
0x81: {  	_ =	shalt  }
0x82: {  	_ =	shalt  }
0x83: {  	_ =	shalt  }
0x84: {  	_ =	shalt  }
0x85: {  	_ =	shalt  }
0x86: {  	_ =	shalt  }
0x87: {  	_ =	shalt  }
.Lfunc_end0:
.L_simem_size_0:
called_computation_lowered:
.L_overlay_start_0:
0x88: {  	s2 =	sld [smem:$0x3FD9]  }
0x89: {  	s3 =	sld [smem:$0x3FFE];
	_ =	sdelay $0x1  }
0x8a: {  	s1 =	srdreg.scid  }
0x8b: {  	s0 =	sand.u32 $0x1, s1  }
0x8c: {  	s17 =	sshll.u32 s0, $0xA;
	s2 =	sadd.s32 s3, s2  }
0x8d: {  	s2 =	sadd.s32 s2, s17  }
0x8e: {  	[smem:$0x3FC6] =	sst s2  }
0x8f: {  	_ = 	snop  }
0x90: {  	s2 =	sld [smem:$0x3FD0];
	(tm) =	ssettm $0x1  }
0x91: {  	s18 =	sld [smem:$0x3FFB];
	_ =	sdelay $0x3  }
0x92: {  	_ =	strace s18  }
0x93: {  	s3 =	sld [smem:$0x3FFC];
	_ =	sdelay $0x3  }
0x94: {  	_ =	strace s3  }
0x95: {  	s3 =	sld [smem:$0x3FFD];
	_ =	sdelay $0x3  }
0x96: {  	_ =	strace s3  }
0x97: {  	_ =	strace $0x8FFFFFFF  }
0x98: {  	s19 =	sld [smem:$0x3FDB];
	_ =	sdelay $0x1  }
0x99: {  	s4 =	simm.s32 $_scs_section_size  }
0x9a: {  	s5 =	simm.s32 $_size__tile_overlayer_lowered;
	s6 =	simm.s32 $_tile_overlayer_lowered  }
0x9b: {  	s22 =	simm.s32 $0x1BFF;
	s21 =	sshll.u32 s6, $0x1;
	s3 =	sadd.s32 s4, s19  }
0x9c: {  	s7 =	simm.s32 $0x0;
	s20 =	sshll.u32 s5, $0x1;
	s5 =	sadd.s32 s21, s3  }
0x9d: {  	[timem:s7], [sflag:s22] =	dma.local [hbm:s5], s20  }
0x9e: {  	_ =	swait.ge [sflag:s22], s20  }
0x9f: {  	s4 =	ssub.s32 $0x0, s20;
	[sflag:s22] =	ssyncset.done $0x0  }
0xa0: {  	[sflag:s22] =	ssyncadd.s32 s4;
	_ =	sdelay $0x1  }
0xa1: {  	s23 =	simm.s32 $0x1B8B  }
0xa2: {  	_ =	swait.ge [sflag:s23], $0x1  }
0xa3: {  	[sflag:s23] =	ssyncset.done $0x0  }
0xa4: {  	s25 =	simm.s32 $0x1B8E;
	s24 =	sld [smem:$0x3FFE];
	[sflag:s23] =	ssyncadd.s32 $0xFFFFFFFF  }
0xa5: {  	s26 =	simm.s32 $execute0_lowered;
	[smem:$0x3FD2] =	sst s25  }
0xa6: {  	s5 =	sshll.u32 s26, $0x1;
	_ =	strace $0x80000046;
	[dreg:$0x1] =	wrdreg $0xFFFFFFFF  }
0xa7: {  	s28 =	simm.s32 $_size_execute0_lowered;
	s3 =	sadd.s32 s3, s5;
	[dreg:$0x0] =	wrdreg $0x0  }
0xa8: {  	s5 =	sshll.u32 s28, $0x1;
	[dreg:$0x2] =	wrdreg s3  }
0xa9: {  	[dreg:$0x3] =	wrdreg s5  }
0xaa: {  	[dreg:$0x4] =	wrdreg $0xC0  }
0xab: {  	_ =	task [dreg:s7], $0x5FFFF  }
0xac: {  	[dreg:$0x1] =	wrdreg $0xFFFFFFFF  }
0xad: {  	[dreg:$0x0] =	wrdreg $0x60  }
0xae: {  	[dreg:$0x2] =	wrdreg s24  }
0xaf: {  	[dreg:$0x3] =	wrdreg s2  }
0xb0: {  	[dreg:$0x4] =	wrdreg $0xA8000  }
0xb1: {  	[dreg:$0x5] =	wrdreg $0x146000  }
0xb2: {  	[dreg:$0x6] =	wrdreg $0x9  }
0xb3: {  	_ =	task.clear_ibuf [dreg:s7], $0x7FFFF;
	_ =	strace $0x90000046  }
0xb4: {  	s29 =	simm.s32 $0x9;
	_ =	strace $0x80000048  }
0xb5: {  	_ =	swait.ge [sflag:s29], $0x1  }
0xb6: {  	[sflag:s29] =	ssyncadd.s32 $0xFFFFFFFF  }
0xb7: {  	_ =	strace $0x90000048  }
0xb8: {  	_ =	sfence  }
0xb9: {  	s30 =	sld [smem:$0x0];
	_ =	sdelay $0x2  }
0xba: {  	s31 =	sshll.u32 s1, $0xD;
	s1 =	sshrl.u32 s1, $0x2  }
0xbb: {  	s3 =	sand.u32 $0x4000, s31;
	s1 =	sadd.s32 s1, s30  }
0xbc: {  	s0 =	sor.u32 s3, s0;
	s1 =	sshll.u32 s1, $0x11  }
0xbd: {  	s0 =	sor.u32 s1, s0  }
0xbe: {  	s0 =	sadd.s32 $0x8F2B, s0  }
0xbf: {  	[sflag:s0] =	ssyncadd.remote.s32 $0x1  }
0xc0: {  	_ =	sfence.sel $0xFFFF  }
0xc1: {  	[dreg:$0x0] =	wrdreg $0xFFFFFFFF;
	(pc) =	sbr.abs _section_cstart, $3  }
0xc2: {  	[dreg:$0x1] =	wrdreg $0xFFFFFFFF  }
0xc3: {  	_ =	task.clear_ibuf [dreg:s7], $0x2FFFF;
	_ =	strace $0x9FFFFFFF  }
0xc4: {  	(tm) =	ssettm $0x7FFFFFFF  }
0xc5: {  	_ =	shalt  }
tec
execute0_lowered:
.L_overlay_start_1:
0x0: {  	(tag) =	ssettag $0x1  }
0x1: {  	s1 =	rddreg [dreg:$0x0]  }
0x2: {  	s5 =	rddreg [dreg:$0x1];
	s0 =	srdreg.scid  }
0x3: {  	s9 =	stileid.u32;
	s2 =	rddreg [dreg:$0x2]  }
0x4: {  	s3 =	rddreg [dreg:$0x3];
	s31 =	simm.s32 $0x0;
	s8 =	sand.u32 $0x1, s0  }
0x5: {  	s0 =	smul.u32 $0x9E00, s9;
	[smem:$0x7FF] =	sst s31;
	s4 =	sadd.s32 $0x27800, s1  }
0x6: {  	s13 =	sshll.u32 s9, $0x6;
	s23 =	smul.u32 $0xA00, s9;
	[dreg:$0x17] =	wrdreg s8  }
0x7: {  	s20 =	sor.u32 $0x1C02, s13;
	_ =	strace $0x80000047;
	[dreg:$0x18] =	wrdreg s13  }
0x8: {  	s10 =	sadd.s32 $0x31800, s1;
	s17 =	sor.u32 $0x1C01, s13;
	[dreg:$0x6] =	wrdreg s20  }
0x9: {  	s7 =	smul.u32 $0x5000, s9;
	s25 =	sadd.s32 s10, s23;
	[dreg:$0x12] =	wrdreg s17  }
0xa: {  	s11 =	smul.u32 $0x13C00, s9;
	s21 =	sshrl.u32 s0, $0x3;
	[dreg:$0x9] =	wrdreg s25  }
0xb: {  	s20 =	simm.s32 $0x10;
	s5 =	sadd.s32 s5, s21;
	s21 =	rddreg [dreg:$0x6]  }
0xc: {  	s6 =	smul.u32 $0x9E000, s8;
	s22 =	sshrl.u32 s7, $0x3;
	[dreg:$0x13] =	wrdreg s20  }
0xd: {  	s15 =	sadd.s32 s0, s2;
	s24 =	sadd.s32 s4, s22;
	[dreg:$0x7] =	wrdreg s5  }
0xe: {  	s26 =	sadd.s32 $0x280, s22;
	s16 =	sshrl.u32 s15, $0x3;
	[dreg:$0x8] =	wrdreg s24  }
0xf: {  	s12 =	sshll.u32 s8, $0x6;
	s28 =	sadd.s32 s4, s26;
	[dreg:$0x11] =	wrdreg s16  }
0x10: {  	s30 =	sadd.s32 $0x500, s22;
	s29 =	sadd.s32 s10, s26;
	[dreg:$0xa] =	wrdreg s28  }
0x11: {  	s11 =	sor.u32 s12, s11;
	s8 =	sadd.s32 s4, s30;
	[dreg:$0xb] =	wrdreg s29  }
0x12: {  	s6 =	sadd.s32 s0, s6;
	s9 =	sadd.s32 s10, s30;
	[dreg:$0xc] =	wrdreg s8  }
0x13: {  	s11 =	sshrl.u32 s11, $0x3;
	s6 =	sshrl.u32 s6, $0x3;
	[dreg:$0xd] =	wrdreg s9  }
0x14: {  	s6 =	sadd.s32 s1, s6;
	s1 =	sadd.s32 s11, s1;
	s19 =	rddreg [dreg:$0x11]  }
0x15: {  	[dreg:$0x5] =	wrdreg s6;
	s1 =	sadd.s32 $0x3B800, s1  }
0x16: {  	[dreg:$0x10] =	wrdreg s1  }
0x17: {  	s6 =	sadd.s32 $0x780, s22;
	s22 =	simm.s32 $0x8;
	s18 =	rddreg [dreg:$0x5]  }
0x18: {  	s12 =	sadd.s32 s4, s6;
	[dreg:$0x14] =	wrdreg s22  }
0x19: {  	s0 =	sadd.s32 s0, s3;
	s14 =	sadd.s32 s10, s6;
	[dreg:$0xe] =	wrdreg s12  }
0x1a: {  	s0 =	sshrl.u32 s0, $0x3;
	[dreg:$0xf] =	wrdreg s14  }
0x1b: {  	[spmem:s19], [sflag:s21] =	dma.local [hbm:s18], $0x13C0  }
0x1c: {  	[dreg:$0x15] =	wrdreg s0  }
0x1d: {  	s1 =	rddreg [dreg:$0x12]  }
0x1e: {  	s5 =	rddreg [dreg:$0x7]  }
0x1f: {  	[spmem:s0], [sflag:s1] =	dma.local [hbm:s5], $0x13C0  }
0x20: {  	s6 =	simm.s32 $0x7;
	s0 =	rddreg [dreg:$0x8]  }
0x21: {  	[tilespmem:s31], [sflag:$0x7] =	stream.linear.gather [hbm4b:s0+s31], $0x1400, $0x38;
	[tilespmem:$0x1E400] =	vst v63  }
0x22: {  	_ =	swait.ge [sflag:s6], $0x1400  }
0x23: {  	[sflag:s6] =	ssyncset.done $0x0  }
0x24: {  	s24 =	simm.s32 $0x1400;
	s23 =	rddreg [dreg:$0x9];
	[sflag:s6] =	ssyncadd.s32 $0xFFFFEC00  }
0x25: {  	[tilespmem:s24], [sflag:$0x7] =	stream.linear.gather [hbm4b:s23+s31], $0x1400, $0x38;
	[tilespmem:$0x1E400] =	vst v63  }
0x26: {  	_ =	swait.ge [sflag:s6], $0x1400  }
0x27: {  	[sflag:s6] =	ssyncset.done $0x0  }
0x28: {  	s25 =	simm.s32 $0x2;
	[sflag:s6] =	ssyncadd.s32 $0xFFFFEC00  }
0x29: {  	_ =	swait.ge [sflag:s25], $0x13C0  }
0x2a: {  	[sflag:s25] =	ssyncset.done $0x0  }
0x2b: {  	s26 =	simm.s32 $0x1;
	[sflag:s25] =	ssyncadd.s32 $0xFFFFEC40  }
0x2c: {  	_ =	swait.ge [sflag:s26], $0x13C0  }
0x2d: {  	[sflag:s26] =	ssyncset.done $0x0  }
0x2e: {  	[sflag:s26] =	ssyncadd.s32 $0xFFFFEC40  }
0x2f: {  	s11 =	simm.s32 $0x2800;
	s10 =	simm.s32 $0x100;
	[bflag:$0x0] =	sbarrier.arrive $0xFFFF  }
0x30: {  	[tilespmem:s11], [sflag:$0x3] =	stream.indirect.gather [spmem:s2], $0x40, s31, s10, $0xb8;
	[tilespmem:$0x1E400] =	vst v63  }
0x31: {  	s13 =	simm.s32 $0x3;
	s12 =	simm.s32 $0x6800  }
0x32: {  	[tilespmem:s12], [sflag:$0x4] =	stream.indirect.gather [spmem:s2], $0x40, s10, s10, $0xb8;
	[tilespmem:$0x1E400] =	vst v63  }
0x33: {  	_ =	swait.ge [sflag:s13], $0x4000  }
0x34: {  	[sflag:s13] =	ssyncset.done $0x0  }
0x35: {  	s14 =	simm.s32 $0x5;
	[sflag:s13] =	ssyncadd.s32 $0xFFFFC000  }
0x36: {  	[spmem:s3] =	stream.indirect.scatter.add.f32 [tilespmem:s11], [sflag:$0x5], $0x40, s24, s10, $0xb8;
	[tilespmem:$0x1E400] =	vst v63  }
0x37: {  	_ =	swait.ge [sflag:s14], $0x4000  }
0x38: {  	[sflag:s14] =	ssyncset.done $0x0  }
0x39: {  	s16 =	simm.s32 $0x4;
	s28 =	simm.s32 $0x200;
	[sflag:s14] =	ssyncadd.s32 $0xFFFFC000  }
0x3a: {  	[tilespmem:s11], [sflag:$0x3] =	stream.indirect.gather [spmem:s2], $0x40, s28, s10, $0xb8;
	[tilespmem:$0x1E400] =	vst v63  }
0x3b: {  	_ =	swait.ge [sflag:s16], $0x4000  }
0x3c: {  	[sflag:s16] =	ssyncset.done $0x0  }
0x3d: {  	s29 =	simm.s32 $0x1500;
	s18 =	simm.s32 $0x6;
	[sflag:s16] =	ssyncadd.s32 $0xFFFFC000  }
0x3e: {  	[spmem:s3] =	stream.indirect.scatter.add.f32 [tilespmem:s12], [sflag:$0x6], $0x40, s29, s10, $0xb8;
	[tilespmem:$0x1E400] =	vst v63  }
0x3f: {  	_ =	swait.ge [sflag:s18], $0x4000  }
0x40: {  	[sflag:s18] =	ssyncset.done $0x0  }
0x41: {  	s30 =	simm.s32 $0x300;
	[sflag:s18] =	ssyncadd.s32 $0xFFFFC000  }
0x42: {  	[tilespmem:s12], [sflag:$0x4] =	stream.indirect.gather [spmem:s2], $0x40, s30, s10, $0xb8;
	[tilespmem:$0x1E400] =	vst v63  }
0x43: {  	_ =	swait.ge [sflag:s13], $0x4000  }
0x44: {  	[sflag:s13] =	ssyncset.done $0x0  }
0x45: {  	s1 =	simm.s32 $0x1600;
	[sflag:s13] =	ssyncadd.s32 $0xFFFFC000  }
0x46: {  	[spmem:s3] =	stream.indirect.scatter.add.f32 [tilespmem:s11], [sflag:$0x5], $0x40, s1, s10, $0xb8;
	[tilespmem:$0x1E400] =	vst v63  }
0x47: {  	_ =	swait.ge [sflag:s14], $0x4000  }
0x48: {  	[sflag:s14] =	ssyncset.done $0x0  }
0x49: {  	s4 =	simm.s32 $0x400;
	[sflag:s14] =	ssyncadd.s32 $0xFFFFC000  }
0x4a: {  	[tilespmem:s11], [sflag:$0x3] =	stream.indirect.gather [spmem:s2], $0x40, s4, s10, $0xb8;
	[tilespmem:$0x1E400] =	vst v63  }
0x4b: {  	_ =	swait.ge [sflag:s16], $0x4000  }
0x4c: {  	[sflag:s16] =	ssyncset.done $0x0  }
0x4d: {  	s5 =	simm.s32 $0x1700;
	[sflag:s16] =	ssyncadd.s32 $0xFFFFC000  }
0x4e: {  	[spmem:s3] =	stream.indirect.scatter.add.f32 [tilespmem:s12], [sflag:$0x6], $0x40, s5, s10, $0xb8;
	[tilespmem:$0x1E400] =	vst v63  }
0x4f: {  	_ =	swait.ge [sflag:s18], $0x4000  }
0x50: {  	[sflag:s18] =	ssyncset.done $0x0  }
0x51: {  	s7 =	simm.s32 $0x500;
	[sflag:s18] =	ssyncadd.s32 $0xFFFFC000  }
0x52: {  	[tilespmem:s12], [sflag:$0x4] =	stream.indirect.gather [spmem:s2], $0x40, s7, s10, $0xb8;
	[tilespmem:$0x1E400] =	vst v63  }
0x53: {  	_ =	swait.ge [sflag:s13], $0x4000  }
0x54: {  	[sflag:s13] =	ssyncset.done $0x0  }
0x55: {  	s8 =	simm.s32 $0x1800;
	[sflag:s13] =	ssyncadd.s32 $0xFFFFC000  }
0x56: {  	[spmem:s3] =	stream.indirect.scatter.add.f32 [tilespmem:s11], [sflag:$0x5], $0x40, s8, s10, $0xb8;
	[tilespmem:$0x1E400] =	vst v63  }
0x57: {  	_ =	swait.ge [sflag:s14], $0x4000  }
0x58: {  	[sflag:s14] =	ssyncset.done $0x0  }
0x59: {  	s9 =	simm.s32 $0x600;
	[sflag:s14] =	ssyncadd.s32 $0xFFFFC000  }
0x5a: {  	[tilespmem:s11], [sflag:$0x3] =	stream.indirect.gather [spmem:s2], $0x40, s9, s10, $0xb8;
	[tilespmem:$0x1E400] =	vst v63  }
0x5b: {  	_ =	swait.ge [sflag:s16], $0x4000  }
0x5c: {  	[sflag:s16] =	ssyncset.done $0x0  }
0x5d: {  	s15 =	simm.s32 $0x1900;
	[sflag:s16] =	ssyncadd.s32 $0xFFFFC000  }
0x5e: {  	[spmem:s3] =	stream.indirect.scatter.add.f32 [tilespmem:s12], [sflag:$0x6], $0x40, s15, s10, $0xb8;
	[tilespmem:$0x1E400] =	vst v63  }
0x5f: {  	_ =	swait.ge [sflag:s18], $0x4000  }
0x60: {  	[sflag:s18] =	ssyncset.done $0x0  }
0x61: {  	s17 =	simm.s32 $0x700;
	[sflag:s18] =	ssyncadd.s32 $0xFFFFC000  }
0x62: {  	[tilespmem:s12], [sflag:$0x4] =	stream.indirect.gather [spmem:s2], $0x40, s17, s10, $0xb8;
	[tilespmem:$0x1E400] =	vst v63  }
0x63: {  	_ =	swait.ge [sflag:s13], $0x4000  }
0x64: {  	[sflag:s13] =	ssyncset.done $0x0  }
0x65: {  	s19 =	simm.s32 $0x1A00;
	[sflag:s13] =	ssyncadd.s32 $0xFFFFC000  }
0x66: {  	[spmem:s3] =	stream.indirect.scatter.add.f32 [tilespmem:s11], [sflag:$0x5], $0x40, s19, s10, $0xb8;
	[tilespmem:$0x1E400] =	vst v63  }
0x67: {  	_ =	swait.ge [sflag:s14], $0x4000  }
0x68: {  	[sflag:s14] =	ssyncset.done $0x0  }
0x69: {  	s20 =	simm.s32 $0x800;
	[sflag:s14] =	ssyncadd.s32 $0xFFFFC000  }
0x6a: {  	[tilespmem:s11], [sflag:$0x3] =	stream.indirect.gather [spmem:s2], $0x40, s20, s10, $0xb8;
	[tilespmem:$0x1E400] =	vst v63  }
0x6b: {  	_ =	swait.ge [sflag:s16], $0x4000  }
0x6c: {  	[sflag:s16] =	ssyncset.done $0x0  }
0x6d: {  	s21 =	simm.s32 $0x1B00;
	[sflag:s16] =	ssyncadd.s32 $0xFFFFC000  }
0x6e: {  	[spmem:s3] =	stream.indirect.scatter.add.f32 [tilespmem:s12], [sflag:$0x6], $0x40, s21, s10, $0xb8;
	[tilespmem:$0x1E400] =	vst v63  }
0x6f: {  	_ =	swait.ge [sflag:s18], $0x4000  }
0x70: {  	[sflag:s18] =	ssyncset.done $0x0  }
0x71: {  	s22 =	simm.s32 $0x900;
	[sflag:s18] =	ssyncadd.s32 $0xFFFFC000  }
0x72: {  	[tilespmem:s12], [sflag:$0x4] =	stream.indirect.gather [spmem:s2], $0x40, s22, s10, $0xb8;
	[tilespmem:$0x1E400] =	vst v63  }
0x73: {  	_ =	swait.ge [sflag:s13], $0x4000  }
0x74: {  	[sflag:s13] =	ssyncset.done $0x0  }
0x75: {  	s23 =	simm.s32 $0x1C00;
	[sflag:s13] =	ssyncadd.s32 $0xFFFFC000  }
0x76: {  	[spmem:s3] =	stream.indirect.scatter.add.f32 [tilespmem:s11], [sflag:$0x5], $0x40, s23, s10, $0xb8;
	[tilespmem:$0x1E400] =	vst v63  }
0x77: {  	_ =	swait.ge [sflag:s14], $0x4000  }
0x78: {  	[sflag:s14] =	ssyncset.done $0x0  }
0x79: {  	s24 =	simm.s32 $0xA00;
	[sflag:s14] =	ssyncadd.s32 $0xFFFFC000  }
0x7a: {  	[tilespmem:s11], [sflag:$0x3] =	stream.indirect.gather [spmem:s2], $0x40, s24, s10, $0xb8;
	[tilespmem:$0x1E400] =	vst v63  }
0x7b: {  	_ =	swait.ge [sflag:s16], $0x4000  }
0x7c: {  	[sflag:s16] =	ssyncset.done $0x0  }
0x7d: {  	s25 =	simm.s32 $0x1D00;
	[sflag:s16] =	ssyncadd.s32 $0xFFFFC000  }
0x7e: {  	[spmem:s3] =	stream.indirect.scatter.add.f32 [tilespmem:s12], [sflag:$0x6], $0x40, s25, s10, $0xb8;
	[tilespmem:$0x1E400] =	vst v63  }
0x7f: {  	_ =	swait.ge [sflag:s18], $0x4000  }
0x80: {  	[sflag:s18] =	ssyncset.done $0x0  }
0x81: {  	s26 =	simm.s32 $0xB00;
	[sflag:s18] =	ssyncadd.s32 $0xFFFFC000  }
0x82: {  	[tilespmem:s12], [sflag:$0x4] =	stream.indirect.gather [spmem:s2], $0x40, s26, s10, $0xb8;
	[tilespmem:$0x1E400] =	vst v63  }
0x83: {  	_ =	swait.ge [sflag:s13], $0x4000  }
0x84: {  	[sflag:s13] =	ssyncset.done $0x0  }
0x85: {  	s28 =	simm.s32 $0x1E00;
	[sflag:s13] =	ssyncadd.s32 $0xFFFFC000  }
0x86: {  	[spmem:s3] =	stream.indirect.scatter.add.f32 [tilespmem:s11], [sflag:$0x5], $0x40, s28, s10, $0xb8;
	[tilespmem:$0x1E400] =	vst v63  }
0x87: {  	_ =	swait.ge [sflag:s14], $0x4000  }
0x88: {  	[sflag:s14] =	ssyncset.done $0x0  }
0x89: {  	s29 =	simm.s32 $0xC00;
	[sflag:s14] =	ssyncadd.s32 $0xFFFFC000  }
0x8a: {  	[tilespmem:s11], [sflag:$0x3] =	stream.indirect.gather [spmem:s2], $0x40, s29, s10, $0xb8;
	[tilespmem:$0x1E400] =	vst v63  }
0x8b: {  	_ =	swait.ge [sflag:s16], $0x4000  }
0x8c: {  	[sflag:s16] =	ssyncset.done $0x0  }
0x8d: {  	s30 =	simm.s32 $0x1F00;
	[sflag:s16] =	ssyncadd.s32 $0xFFFFC000  }
0x8e: {  	[spmem:s3] =	stream.indirect.scatter.add.f32 [tilespmem:s12], [sflag:$0x6], $0x40, s30, s10, $0xb8;
	[tilespmem:$0x1E400] =	vst v63  }
0x8f: {  	_ =	swait.ge [sflag:s18], $0x4000  }
0x90: {  	[sflag:s18] =	ssyncset.done $0x0  }
0x91: {  	s1 =	simm.s32 $0xD00;
	[sflag:s18] =	ssyncadd.s32 $0xFFFFC000  }
0x92: {  	[tilespmem:s12], [sflag:$0x4] =	stream.indirect.gather [spmem:s2], $0x40, s1, s10, $0xb8;
	[tilespmem:$0x1E400] =	vst v63  }
0x93: {  	_ =	swait.ge [sflag:s13], $0x4000  }
0x94: {  	[sflag:s13] =	ssyncset.done $0x0  }
0x95: {  	s4 =	simm.s32 $0x2000;
	[sflag:s13] =	ssyncadd.s32 $0xFFFFC000  }
0x96: {  	[spmem:s3] =	stream.indirect.scatter.add.f32 [tilespmem:s11], [sflag:$0x5], $0x40, s4, s10, $0xb8;
	[tilespmem:$0x1E400] =	vst v63  }
0x97: {  	_ =	swait.ge [sflag:s14], $0x4000  }
0x98: {  	[sflag:s14] =	ssyncset.done $0x0  }
0x99: {  	s5 =	simm.s32 $0xE00;
	[sflag:s14] =	ssyncadd.s32 $0xFFFFC000  }
0x9a: {  	[tilespmem:s11], [sflag:$0x3] =	stream.indirect.gather [spmem:s2], $0x40, s5, s10, $0xb8;
	[tilespmem:$0x1E400] =	vst v63  }
0x9b: {  	_ =	swait.ge [sflag:s16], $0x4000  }
0x9c: {  	[sflag:s16] =	ssyncset.done $0x0  }
0x9d: {  	s7 =	simm.s32 $0x2100;
	[sflag:s16] =	ssyncadd.s32 $0xFFFFC000  }
0x9e: {  	[spmem:s3] =	stream.indirect.scatter.add.f32 [tilespmem:s12], [sflag:$0x6], $0x40, s7, s10, $0xb8;
	[tilespmem:$0x1E400] =	vst v63  }
0x9f: {  	_ =	swait.ge [sflag:s18], $0x4000  }
0xa0: {  	[sflag:s18] =	ssyncset.done $0x0  }
0xa1: {  	s8 =	simm.s32 $0xF00;
	[sflag:s18] =	ssyncadd.s32 $0xFFFFC000  }
0xa2: {  	[tilespmem:s12], [sflag:$0x4] =	stream.indirect.gather [spmem:s2], $0x40, s8, s10, $0xb8;
	[tilespmem:$0x1E400] =	vst v63  }
0xa3: {  	_ =	swait.ge [sflag:s13], $0x4000  }
0xa4: {  	[sflag:s13] =	ssyncset.done $0x0  }
0xa5: {  	s9 =	simm.s32 $0x2200;
	[sflag:s13] =	ssyncadd.s32 $0xFFFFC000  }
0xa6: {  	[spmem:s3] =	stream.indirect.scatter.add.f32 [tilespmem:s11], [sflag:$0x5], $0x40, s9, s10, $0xb8;
	[tilespmem:$0x1E400] =	vst v63  }
0xa7: {  	_ =	swait.ge [sflag:s14], $0x4000  }
0xa8: {  	[sflag:s14] =	ssyncset.done $0x0  }
0xa9: {  	s15 =	simm.s32 $0x1000;
	[sflag:s14] =	ssyncadd.s32 $0xFFFFC000  }
0xaa: {  	[tilespmem:s11], [sflag:$0x3] =	stream.indirect.gather [spmem:s2], $0x40, s15, s10, $0xb8;
	[tilespmem:$0x1E400] =	vst v63  }
0xab: {  	_ =	swait.ge [sflag:s16], $0x4000  }
0xac: {  	[sflag:s16] =	ssyncset.done $0x0  }
0xad: {  	s17 =	simm.s32 $0x2300;
	[sflag:s16] =	ssyncadd.s32 $0xFFFFC000  }
0xae: {  	[spmem:s3] =	stream.indirect.scatter.add.f32 [tilespmem:s12], [sflag:$0x6], $0x40, s17, s10, $0xb8;
	[tilespmem:$0x1E400] =	vst v63  }
0xaf: {  	_ =	swait.ge [sflag:s18], $0x4000  }
0xb0: {  	[sflag:s18] =	ssyncset.done $0x0  }
0xb1: {  	s19 =	simm.s32 $0x1100;
	[sflag:s18] =	ssyncadd.s32 $0xFFFFC000  }
0xb2: {  	[tilespmem:s12], [sflag:$0x4] =	stream.indirect.gather [spmem:s2], $0x40, s19, s10, $0xb8;
	[tilespmem:$0x1E400] =	vst v63  }
0xb3: {  	_ =	swait.ge [sflag:s13], $0x4000  }
0xb4: {  	[sflag:s13] =	ssyncset.done $0x0  }
0xb5: {  	s20 =	simm.s32 $0x2400;
	[sflag:s13] =	ssyncadd.s32 $0xFFFFC000  }
0xb6: {  	[spmem:s3] =	stream.indirect.scatter.add.f32 [tilespmem:s11], [sflag:$0x5], $0x40, s20, s10, $0xb8;
	[tilespmem:$0x1E400] =	vst v63  }
0xb7: {  	_ =	swait.ge [sflag:s14], $0x4000  }
0xb8: {  	[sflag:s14] =	ssyncset.done $0x0  }
0xb9: {  	s21 =	simm.s32 $0x1200;
	[sflag:s14] =	ssyncadd.s32 $0xFFFFC000  }
0xba: {  	[tilespmem:s11], [sflag:$0x3] =	stream.indirect.gather [spmem:s2], $0x40, s21, s10, $0xb8;
	[tilespmem:$0x1E400] =	vst v63  }
0xbb: {  	_ =	swait.ge [sflag:s16], $0x4000  }
0xbc: {  	[sflag:s16] =	ssyncset.done $0x0  }
0xbd: {  	s22 =	simm.s32 $0x2500;
	[sflag:s16] =	ssyncadd.s32 $0xFFFFC000  }
0xbe: {  	[spmem:s3] =	stream.indirect.scatter.add.f32 [tilespmem:s12], [sflag:$0x6], $0x40, s22, s10, $0xb8;
	[tilespmem:$0x1E400] =	vst v63  }
0xbf: {  	_ =	swait.ge [sflag:s18], $0x4000  }
0xc0: {  	[sflag:s18] =	ssyncset.done $0x0  }
0xc1: {  	s23 =	simm.s32 $0x1300;
	[sflag:s18] =	ssyncadd.s32 $0xFFFFC000  }
0xc2: {  	[tilespmem:s12], [sflag:$0x4] =	stream.indirect.gather [spmem:s2], $0x40, s23, s10, $0xb8;
	[tilespmem:$0x1E400] =	vst v63  }
0xc3: {  	_ =	swait.ge [sflag:s13], $0x4000  }
0xc4: {  	[sflag:s13] =	ssyncset.done $0x0  }
0xc5: {  	s24 =	simm.s32 $0x2600;
	[sflag:s13] =	ssyncadd.s32 $0xFFFFC000  }
0xc6: {  	[spmem:s3] =	stream.indirect.scatter.add.f32 [tilespmem:s11], [sflag:$0x5], $0x40, s24, s10, $0xb8;
	[tilespmem:$0x1E400] =	vst v63  }
0xc7: {  	_ =	swait.ge [sflag:s16], $0x4000  }
0xc8: {  	[sflag:s16] =	ssyncset.done $0x0  }
0xc9: {  	s25 =	simm.s32 $0x2700;
	[sflag:s16] =	ssyncadd.s32 $0xFFFFC000  }
0xca: {  	[spmem:s3] =	stream.indirect.scatter.add.f32 [tilespmem:s12], [sflag:$0x6], $0x40, s25, s10, $0xb8;
	[tilespmem:$0x1E400] =	vst v63  }
0xcb: {  	_ =	swait.ge [sflag:s14], $0x4000  }
0xcc: {  	[sflag:s14] =	ssyncset.done $0x0  }
0xcd: {  	[sflag:s14] =	ssyncadd.s32 $0xFFFFC000  }
0xce: {  	_ =	swait.ge [sflag:s18], $0x4000  }
0xcf: {  	[sflag:s18] =	ssyncset.done $0x0  }
0xd0: {  	s26 =	rddreg [dreg:$0xa];
	[sflag:s18] =	ssyncadd.s32 $0xFFFFC000  }
0xd1: {  	[tilespmem:s31], [sflag:$0x7] =	stream.linear.gather [hbm4b:s26+s31], $0x1400, $0x38;
	[tilespmem:$0x1E400] =	vst v63  }
0xd2: {  	_ =	swait.ge [sflag:s6], $0x1400  }
0xd3: {  	[sflag:s6] =	ssyncset.done $0x0  }
0xd4: {  	s29 =	simm.s32 $0x1400;
	s28 =	rddreg [dreg:$0xb];
	[sflag:s6] =	ssyncadd.s32 $0xFFFFEC00  }
0xd5: {  	[tilespmem:s29], [sflag:$0x7] =	stream.linear.gather [hbm4b:s28+s31], $0x1400, $0x38;
	[tilespmem:$0x1E400] =	vst v63  }
0xd6: {  	_ =	swait.ge [sflag:s6], $0x1400  }
0xd7: {  	[sflag:s6] =	ssyncset.done $0x0  }
0xd8: {  	[sflag:s6] =	ssyncadd.s32 $0xFFFFEC00  }
0xd9: {  	[tilespmem:s11], [sflag:$0x3] =	stream.indirect.gather [spmem:s2], $0x40, s31, s10, $0xb8;
	[tilespmem:$0x1E400] =	vst v63  }
0xda: {  	_ = 	snop  }
0xdb: {  	[tilespmem:s12], [sflag:$0x4] =	stream.indirect.gather [spmem:s2], $0x40, s10, s10, $0xb8;
	[tilespmem:$0x1E400] =	vst v63  }
0xdc: {  	_ =	swait.ge [sflag:s13], $0x4000  }
0xdd: {  	[sflag:s13] =	ssyncset.done $0x0  }
0xde: {  	[sflag:s13] =	ssyncadd.s32 $0xFFFFC000  }
0xdf: {  	[spmem:s3] =	stream.indirect.scatter.add.f32 [tilespmem:s11], [sflag:$0x5], $0x40, s29, s10, $0xb8;
	[tilespmem:$0x1E400] =	vst v63  }
0xe0: {  	_ =	swait.ge [sflag:s14], $0x4000  }
0xe1: {  	[sflag:s14] =	ssyncset.done $0x0  }
0xe2: {  	s30 =	simm.s32 $0x200;
	[sflag:s14] =	ssyncadd.s32 $0xFFFFC000  }
0xe3: {  	[tilespmem:s11], [sflag:$0x3] =	stream.indirect.gather [spmem:s2], $0x40, s30, s10, $0xb8;
	[tilespmem:$0x1E400] =	vst v63  }
0xe4: {  	_ =	swait.ge [sflag:s16], $0x4000  }
0xe5: {  	[sflag:s16] =	ssyncset.done $0x0  }
0xe6: {  	s1 =	simm.s32 $0x1500;
	[sflag:s16] =	ssyncadd.s32 $0xFFFFC000  }
0xe7: {  	[spmem:s3] =	stream.indirect.scatter.add.f32 [tilespmem:s12], [sflag:$0x6], $0x40, s1, s10, $0xb8;
	[tilespmem:$0x1E400] =	vst v63  }
0xe8: {  	_ =	swait.ge [sflag:s18], $0x4000  }
0xe9: {  	[sflag:s18] =	ssyncset.done $0x0  }
0xea: {  	s4 =	simm.s32 $0x300;
	[sflag:s18] =	ssyncadd.s32 $0xFFFFC000  }
0xeb: {  	[tilespmem:s12], [sflag:$0x4] =	stream.indirect.gather [spmem:s2], $0x40, s4, s10, $0xb8;
	[tilespmem:$0x1E400] =	vst v63  }
0xec: {  	_ =	swait.ge [sflag:s13], $0x4000  }
0xed: {  	[sflag:s13] =	ssyncset.done $0x0  }
0xee: {  	s5 =	simm.s32 $0x1600;
	[sflag:s13] =	ssyncadd.s32 $0xFFFFC000  }
0xef: {  	[spmem:s3] =	stream.indirect.scatter.add.f32 [tilespmem:s11], [sflag:$0x5], $0x40, s5, s10, $0xb8;
	[tilespmem:$0x1E400] =	vst v63  }
0xf0: {  	_ =	swait.ge [sflag:s14], $0x4000  }
0xf1: {  	[sflag:s14] =	ssyncset.done $0x0  }
0xf2: {  	s7 =	simm.s32 $0x400;
	[sflag:s14] =	ssyncadd.s32 $0xFFFFC000  }
0xf3: {  	[tilespmem:s11], [sflag:$0x3] =	stream.indirect.gather [spmem:s2], $0x40, s7, s10, $0xb8;
	[tilespmem:$0x1E400] =	vst v63  }
0xf4: {  	_ =	swait.ge [sflag:s16], $0x4000  }
0xf5: {  	[sflag:s16] =	ssyncset.done $0x0  }
0xf6: {  	s8 =	simm.s32 $0x1700;
	[sflag:s16] =	ssyncadd.s32 $0xFFFFC000  }
0xf7: {  	[spmem:s3] =	stream.indirect.scatter.add.f32 [tilespmem:s12], [sflag:$0x6], $0x40, s8, s10, $0xb8;
	[tilespmem:$0x1E400] =	vst v63  }
0xf8: {  	_ =	swait.ge [sflag:s18], $0x4000  }
0xf9: {  	[sflag:s18] =	ssyncset.done $0x0  }
0xfa: {  	s15 =	simm.s32 $0x500;
	[sflag:s18] =	ssyncadd.s32 $0xFFFFC000  }
0xfb: {  	[tilespmem:s12], [sflag:$0x4] =	stream.indirect.gather [spmem:s2], $0x40, s15, s10, $0xb8;
	[tilespmem:$0x1E400] =	vst v63  }
0xfc: {  	_ =	swait.ge [sflag:s13], $0x4000  }
0xfd: {  	[sflag:s13] =	ssyncset.done $0x0  }
0xfe: {  	s17 =	simm.s32 $0x1800;
	[sflag:s13] =	ssyncadd.s32 $0xFFFFC000  }
0xff: {  	[spmem:s3] =	stream.indirect.scatter.add.f32 [tilespmem:s11], [sflag:$0x5], $0x40, s17, s10, $0xb8;
	[tilespmem:$0x1E400] =	vst v63  }
0x100: {  	_ =	swait.ge [sflag:s14], $0x4000  }
0x101: {  	[sflag:s14] =	ssyncset.done $0x0  }
0x102: {  	s19 =	simm.s32 $0x600;
	[sflag:s14] =	ssyncadd.s32 $0xFFFFC000  }
0x103: {  	[tilespmem:s11], [sflag:$0x3] =	stream.indirect.gather [spmem:s2], $0x40, s19, s10, $0xb8;
	[tilespmem:$0x1E400] =	vst v63  }
0x104: {  	_ =	swait.ge [sflag:s16], $0x4000  }
0x105: {  	[sflag:s16] =	ssyncset.done $0x0  }
0x106: {  	s20 =	simm.s32 $0x1900;
	[sflag:s16] =	ssyncadd.s32 $0xFFFFC000  }
0x107: {  	[spmem:s3] =	stream.indirect.scatter.add.f32 [tilespmem:s12], [sflag:$0x6], $0x40, s20, s10, $0xb8;
	[tilespmem:$0x1E400] =	vst v63  }
0x108: {  	_ =	swait.ge [sflag:s18], $0x4000  }
0x109: {  	[sflag:s18] =	ssyncset.done $0x0  }
0x10a: {  	s21 =	simm.s32 $0x700;
	[sflag:s18] =	ssyncadd.s32 $0xFFFFC000  }
0x10b: {  	[tilespmem:s12], [sflag:$0x4] =	stream.indirect.gather [spmem:s2], $0x40, s21, s10, $0xb8;
	[tilespmem:$0x1E400] =	vst v63  }
0x10c: {  	_ =	swait.ge [sflag:s13], $0x4000  }
0x10d: {  	[sflag:s13] =	ssyncset.done $0x0  }
0x10e: {  	s22 =	simm.s32 $0x1A00;
	[sflag:s13] =	ssyncadd.s32 $0xFFFFC000  }
0x10f: {  	[spmem:s3] =	stream.indirect.scatter.add.f32 [tilespmem:s11], [sflag:$0x5], $0x40, s22, s10, $0xb8;
	[tilespmem:$0x1E400] =	vst v63  }
0x110: {  	_ =	swait.ge [sflag:s14], $0x4000  }
0x111: {  	[sflag:s14] =	ssyncset.done $0x0  }
0x112: {  	s23 =	simm.s32 $0x800;
	[sflag:s14] =	ssyncadd.s32 $0xFFFFC000  }
0x113: {  	[tilespmem:s11], [sflag:$0x3] =	stream.indirect.gather [spmem:s2], $0x40, s23, s10, $0xb8;
	[tilespmem:$0x1E400] =	vst v63  }
0x114: {  	_ =	swait.ge [sflag:s16], $0x4000  }
0x115: {  	[sflag:s16] =	ssyncset.done $0x0  }
0x116: {  	s24 =	simm.s32 $0x1B00;
	[sflag:s16] =	ssyncadd.s32 $0xFFFFC000  }
0x117: {  	[spmem:s3] =	stream.indirect.scatter.add.f32 [tilespmem:s12], [sflag:$0x6], $0x40, s24, s10, $0xb8;
	[tilespmem:$0x1E400] =	vst v63  }
0x118: {  	_ =	swait.ge [sflag:s18], $0x4000  }
0x119: {  	[sflag:s18] =	ssyncset.done $0x0  }
0x11a: {  	s25 =	simm.s32 $0x900;
	[sflag:s18] =	ssyncadd.s32 $0xFFFFC000  }
0x11b: {  	[tilespmem:s12], [sflag:$0x4] =	stream.indirect.gather [spmem:s2], $0x40, s25, s10, $0xb8;
	[tilespmem:$0x1E400] =	vst v63  }
0x11c: {  	_ =	swait.ge [sflag:s13], $0x4000  }
0x11d: {  	[sflag:s13] =	ssyncset.done $0x0  }
0x11e: {  	s26 =	simm.s32 $0x1C00;
	[sflag:s13] =	ssyncadd.s32 $0xFFFFC000  }
0x11f: {  	[spmem:s3] =	stream.indirect.scatter.add.f32 [tilespmem:s11], [sflag:$0x5], $0x40, s26, s10, $0xb8;
	[tilespmem:$0x1E400] =	vst v63  }
0x120: {  	_ =	swait.ge [sflag:s14], $0x4000  }
0x121: {  	[sflag:s14] =	ssyncset.done $0x0  }
0x122: {  	s28 =	simm.s32 $0xA00;
	[sflag:s14] =	ssyncadd.s32 $0xFFFFC000  }
0x123: {  	[tilespmem:s11], [sflag:$0x3] =	stream.indirect.gather [spmem:s2], $0x40, s28, s10, $0xb8;
	[tilespmem:$0x1E400] =	vst v63  }
0x124: {  	_ =	swait.ge [sflag:s16], $0x4000  }
0x125: {  	[sflag:s16] =	ssyncset.done $0x0  }
0x126: {  	s29 =	simm.s32 $0x1D00;
	[sflag:s16] =	ssyncadd.s32 $0xFFFFC000  }
0x127: {  	[spmem:s3] =	stream.indirect.scatter.add.f32 [tilespmem:s12], [sflag:$0x6], $0x40, s29, s10, $0xb8;
	[tilespmem:$0x1E400] =	vst v63  }
0x128: {  	_ =	swait.ge [sflag:s18], $0x4000  }
0x129: {  	[sflag:s18] =	ssyncset.done $0x0  }
0x12a: {  	s30 =	simm.s32 $0xB00;
	[sflag:s18] =	ssyncadd.s32 $0xFFFFC000  }
0x12b: {  	[tilespmem:s12], [sflag:$0x4] =	stream.indirect.gather [spmem:s2], $0x40, s30, s10, $0xb8;
	[tilespmem:$0x1E400] =	vst v63  }
0x12c: {  	_ =	swait.ge [sflag:s13], $0x4000  }
0x12d: {  	[sflag:s13] =	ssyncset.done $0x0  }
0x12e: {  	s0 =	simm.s32 $0x1E00;
	[sflag:s13] =	ssyncadd.s32 $0xFFFFC000  }
0x12f: {  	[spmem:s3] =	stream.indirect.scatter.add.f32 [tilespmem:s11], [sflag:$0x5], $0x40, s0, s10, $0xb8;
	[tilespmem:$0x1E400] =	vst v63  }
0x130: {  	_ =	swait.ge [sflag:s14], $0x4000  }
0x131: {  	[sflag:s14] =	ssyncset.done $0x0  }
0x132: {  	s0 =	simm.s32 $0xC00;
	[sflag:s14] =	ssyncadd.s32 $0xFFFFC000  }
0x133: {  	[tilespmem:s11], [sflag:$0x3] =	stream.indirect.gather [spmem:s2], $0x40, s0, s10, $0xb8;
	[tilespmem:$0x1E400] =	vst v63  }
0x134: {  	_ =	swait.ge [sflag:s16], $0x4000  }
0x135: {  	[sflag:s16] =	ssyncset.done $0x0  }
0x136: {  	s0 =	simm.s32 $0x1F00;
	[sflag:s16] =	ssyncadd.s32 $0xFFFFC000  }
0x137: {  	[spmem:s3] =	stream.indirect.scatter.add.f32 [tilespmem:s12], [sflag:$0x6], $0x40, s0, s10, $0xb8;
	[tilespmem:$0x1E400] =	vst v63  }
0x138: {  	_ =	swait.ge [sflag:s18], $0x4000  }
0x139: {  	[sflag:s18] =	ssyncset.done $0x0  }
0x13a: {  	s0 =	simm.s32 $0xD00;
	[sflag:s18] =	ssyncadd.s32 $0xFFFFC000  }
0x13b: {  	[tilespmem:s12], [sflag:$0x4] =	stream.indirect.gather [spmem:s2], $0x40, s0, s10, $0xb8;
	[tilespmem:$0x1E400] =	vst v63  }
0x13c: {  	_ =	swait.ge [sflag:s13], $0x4000  }
0x13d: {  	[sflag:s13] =	ssyncset.done $0x0  }
0x13e: {  	s0 =	simm.s32 $0x2000;
	[sflag:s13] =	ssyncadd.s32 $0xFFFFC000  }
0x13f: {  	[spmem:s3] =	stream.indirect.scatter.add.f32 [tilespmem:s11], [sflag:$0x5], $0x40, s0, s10, $0xb8;
	[tilespmem:$0x1E400] =	vst v63  }
0x140: {  	_ =	swait.ge [sflag:s14], $0x4000  }
0x141: {  	[sflag:s14] =	ssyncset.done $0x0  }
0x142: {  	s0 =	simm.s32 $0xE00;
	[sflag:s14] =	ssyncadd.s32 $0xFFFFC000  }
0x143: {  	[tilespmem:s11], [sflag:$0x3] =	stream.indirect.gather [spmem:s2], $0x40, s0, s10, $0xb8;
	[tilespmem:$0x1E400] =	vst v63  }
0x144: {  	_ =	swait.ge [sflag:s16], $0x4000  }
0x145: {  	[sflag:s16] =	ssyncset.done $0x0  }
0x146: {  	s0 =	simm.s32 $0x2100;
	[sflag:s16] =	ssyncadd.s32 $0xFFFFC000  }
0x147: {  	[spmem:s3] =	stream.indirect.scatter.add.f32 [tilespmem:s12], [sflag:$0x6], $0x40, s0, s10, $0xb8;
	[tilespmem:$0x1E400] =	vst v63  }
0x148: {  	_ =	swait.ge [sflag:s18], $0x4000  }
0x149: {  	[sflag:s18] =	ssyncset.done $0x0  }
0x14a: {  	s0 =	simm.s32 $0xF00;
	[sflag:s18] =	ssyncadd.s32 $0xFFFFC000  }
0x14b: {  	[tilespmem:s12], [sflag:$0x4] =	stream.indirect.gather [spmem:s2], $0x40, s0, s10, $0xb8;
	[tilespmem:$0x1E400] =	vst v63  }
0x14c: {  	_ =	swait.ge [sflag:s13], $0x4000  }
0x14d: {  	[sflag:s13] =	ssyncset.done $0x0  }
0x14e: {  	s0 =	simm.s32 $0x2200;
	[sflag:s13] =	ssyncadd.s32 $0xFFFFC000  }
0x14f: {  	[spmem:s3] =	stream.indirect.scatter.add.f32 [tilespmem:s11], [sflag:$0x5], $0x40, s0, s10, $0xb8;
	[tilespmem:$0x1E400] =	vst v63  }
0x150: {  	_ =	swait.ge [sflag:s14], $0x4000  }
0x151: {  	[sflag:s14] =	ssyncset.done $0x0  }
0x152: {  	s0 =	simm.s32 $0x1000;
	[sflag:s14] =	ssyncadd.s32 $0xFFFFC000  }
0x153: {  	[tilespmem:s11], [sflag:$0x3] =	stream.indirect.gather [spmem:s2], $0x40, s0, s10, $0xb8;
	[tilespmem:$0x1E400] =	vst v63  }
0x154: {  	_ =	swait.ge [sflag:s16], $0x4000  }
0x155: {  	[sflag:s16] =	ssyncset.done $0x0  }
0x156: {  	s0 =	simm.s32 $0x2300;
	[sflag:s16] =	ssyncadd.s32 $0xFFFFC000  }
0x157: {  	[spmem:s3] =	stream.indirect.scatter.add.f32 [tilespmem:s12], [sflag:$0x6], $0x40, s0, s10, $0xb8;
	[tilespmem:$0x1E400] =	vst v63  }
0x158: {  	_ =	swait.ge [sflag:s18], $0x4000  }
0x159: {  	[sflag:s18] =	ssyncset.done $0x0  }
0x15a: {  	s0 =	simm.s32 $0x1100;
	[sflag:s18] =	ssyncadd.s32 $0xFFFFC000  }
0x15b: {  	[tilespmem:s12], [sflag:$0x4] =	stream.indirect.gather [spmem:s2], $0x40, s0, s10, $0xb8;
	[tilespmem:$0x1E400] =	vst v63  }
0x15c: {  	_ =	swait.ge [sflag:s13], $0x4000  }
0x15d: {  	[sflag:s13] =	ssyncset.done $0x0  }
0x15e: {  	s0 =	simm.s32 $0x2400;
	[sflag:s13] =	ssyncadd.s32 $0xFFFFC000  }
0x15f: {  	[spmem:s3] =	stream.indirect.scatter.add.f32 [tilespmem:s11], [sflag:$0x5], $0x40, s0, s10, $0xb8;
	[tilespmem:$0x1E400] =	vst v63  }
0x160: {  	_ =	swait.ge [sflag:s14], $0x4000  }
0x161: {  	[sflag:s14] =	ssyncset.done $0x0  }
0x162: {  	s0 =	simm.s32 $0x1200;
	[sflag:s14] =	ssyncadd.s32 $0xFFFFC000  }
0x163: {  	[tilespmem:s11], [sflag:$0x3] =	stream.indirect.gather [spmem:s2], $0x40, s0, s10, $0xb8;
	[tilespmem:$0x1E400] =	vst v63  }
0x164: {  	_ =	swait.ge [sflag:s16], $0x4000  }
0x165: {  	[sflag:s16] =	ssyncset.done $0x0  }
0x166: {  	s0 =	simm.s32 $0x2500;
	[sflag:s16] =	ssyncadd.s32 $0xFFFFC000  }
0x167: {  	[spmem:s3] =	stream.indirect.scatter.add.f32 [tilespmem:s12], [sflag:$0x6], $0x40, s0, s10, $0xb8;
	[tilespmem:$0x1E400] =	vst v63  }
0x168: {  	_ =	swait.ge [sflag:s18], $0x4000  }
0x169: {  	[sflag:s18] =	ssyncset.done $0x0  }
0x16a: {  	s0 =	simm.s32 $0x1300;
	[sflag:s18] =	ssyncadd.s32 $0xFFFFC000  }
0x16b: {  	[tilespmem:s12], [sflag:$0x4] =	stream.indirect.gather [spmem:s2], $0x40, s0, s10, $0xb8;
	[tilespmem:$0x1E400] =	vst v63  }
0x16c: {  	_ =	swait.ge [sflag:s13], $0x4000  }
0x16d: {  	[sflag:s13] =	ssyncset.done $0x0  }
0x16e: {  	s0 =	simm.s32 $0x2600;
	[sflag:s13] =	ssyncadd.s32 $0xFFFFC000  }
0x16f: {  	[spmem:s3] =	stream.indirect.scatter.add.f32 [tilespmem:s11], [sflag:$0x5], $0x40, s0, s10, $0xb8;
	[tilespmem:$0x1E400] =	vst v63  }
0x170: {  	_ =	swait.ge [sflag:s16], $0x4000  }
0x171: {  	[sflag:s16] =	ssyncset.done $0x0  }
0x172: {  	s0 =	simm.s32 $0x2700;
	[sflag:s16] =	ssyncadd.s32 $0xFFFFC000  }
0x173: {  	[spmem:s3] =	stream.indirect.scatter.add.f32 [tilespmem:s12], [sflag:$0x6], $0x40, s0, s10, $0xb8;
	[tilespmem:$0x1E400] =	vst v63  }
0x174: {  	_ =	swait.ge [sflag:s14], $0x4000  }
0x175: {  	[sflag:s14] =	ssyncset.done $0x0  }
0x176: {  	[sflag:s14] =	ssyncadd.s32 $0xFFFFC000  }
0x177: {  	_ =	swait.ge [sflag:s18], $0x4000  }
0x178: {  	[sflag:s18] =	ssyncset.done $0x0  }
0x179: {  	s0 =	rddreg [dreg:$0xc];
	[sflag:s18] =	ssyncadd.s32 $0xFFFFC000  }
0x17a: {  	[tilespmem:s31], [sflag:$0x7] =	stream.linear.gather [hbm4b:s0+s31], $0x1400, $0x38;
	[tilespmem:$0x1E400] =	vst v63  }
0x17b: {  	_ =	swait.ge [sflag:s6], $0x1400  }
0x17c: {  	[sflag:s6] =	ssyncset.done $0x0  }
0x17d: {  	s0 =	simm.s32 $0x1400;
	s9 =	rddreg [dreg:$0xd];
	[sflag:s6] =	ssyncadd.s32 $0xFFFFEC00  }
0x17e: {  	[tilespmem:s0], [sflag:$0x7] =	stream.linear.gather [hbm4b:s9+s31], $0x1400, $0x38;
	[tilespmem:$0x1E400] =	vst v63  }
0x17f: {  	_ =	swait.ge [sflag:s6], $0x1400  }
0x180: {  	[sflag:s6] =	ssyncset.done $0x0  }
0x181: {  	[sflag:s6] =	ssyncadd.s32 $0xFFFFEC00  }
0x182: {  	[tilespmem:s11], [sflag:$0x3] =	stream.indirect.gather [spmem:s2], $0x40, s31, s10, $0xb8;
	[tilespmem:$0x1E400] =	vst v63  }
0x183: {  	_ = 	snop  }
0x184: {  	[tilespmem:s12], [sflag:$0x4] =	stream.indirect.gather [spmem:s2], $0x40, s10, s10, $0xb8;
	[tilespmem:$0x1E400] =	vst v63  }
0x185: {  	_ =	swait.ge [sflag:s13], $0x4000  }
0x186: {  	[sflag:s13] =	ssyncset.done $0x0  }
0x187: {  	[sflag:s13] =	ssyncadd.s32 $0xFFFFC000  }
0x188: {  	[spmem:s3] =	stream.indirect.scatter.add.f32 [tilespmem:s11], [sflag:$0x5], $0x40, s0, s10, $0xb8;
	[tilespmem:$0x1E400] =	vst v63  }
0x189: {  	_ =	swait.ge [sflag:s14], $0x4000  }
0x18a: {  	[sflag:s14] =	ssyncset.done $0x0  }
0x18b: {  	s9 =	simm.s32 $0x200;
	[sflag:s14] =	ssyncadd.s32 $0xFFFFC000  }
0x18c: {  	[tilespmem:s11], [sflag:$0x3] =	stream.indirect.gather [spmem:s2], $0x40, s9, s10, $0xb8;
	[tilespmem:$0x1E400] =	vst v63  }
0x18d: {  	_ =	swait.ge [sflag:s16], $0x4000  }
0x18e: {  	[sflag:s16] =	ssyncset.done $0x0  }
0x18f: {  	[sflag:s16] =	ssyncadd.s32 $0xFFFFC000  }
0x190: {  	[spmem:s3] =	stream.indirect.scatter.add.f32 [tilespmem:s12], [sflag:$0x6], $0x40, s1, s10, $0xb8;
	[tilespmem:$0x1E400] =	vst v63  }
0x191: {  	_ =	swait.ge [sflag:s18], $0x4000  }
0x192: {  	[sflag:s18] =	ssyncset.done $0x0  }
0x193: {  	[sflag:s18] =	ssyncadd.s32 $0xFFFFC000  }
0x194: {  	[tilespmem:s12], [sflag:$0x4] =	stream.indirect.gather [spmem:s2], $0x40, s4, s10, $0xb8;
	[tilespmem:$0x1E400] =	vst v63  }
0x195: {  	_ =	swait.ge [sflag:s13], $0x4000  }
0x196: {  	[sflag:s13] =	ssyncset.done $0x0  }
0x197: {  	[sflag:s13] =	ssyncadd.s32 $0xFFFFC000  }
0x198: {  	[spmem:s3] =	stream.indirect.scatter.add.f32 [tilespmem:s11], [sflag:$0x5], $0x40, s5, s10, $0xb8;
	[tilespmem:$0x1E400] =	vst v63  }
0x199: {  	_ =	swait.ge [sflag:s14], $0x4000  }
0x19a: {  	[sflag:s14] =	ssyncset.done $0x0  }
0x19b: {  	[sflag:s14] =	ssyncadd.s32 $0xFFFFC000  }
0x19c: {  	[tilespmem:s11], [sflag:$0x3] =	stream.indirect.gather [spmem:s2], $0x40, s7, s10, $0xb8;
	[tilespmem:$0x1E400] =	vst v63  }
0x19d: {  	_ =	swait.ge [sflag:s16], $0x4000  }
0x19e: {  	[sflag:s16] =	ssyncset.done $0x0  }
0x19f: {  	[sflag:s16] =	ssyncadd.s32 $0xFFFFC000  }
0x1a0: {  	[spmem:s3] =	stream.indirect.scatter.add.f32 [tilespmem:s12], [sflag:$0x6], $0x40, s8, s10, $0xb8;
	[tilespmem:$0x1E400] =	vst v63  }
0x1a1: {  	_ =	swait.ge [sflag:s18], $0x4000  }
0x1a2: {  	[sflag:s18] =	ssyncset.done $0x0  }
0x1a3: {  	[sflag:s18] =	ssyncadd.s32 $0xFFFFC000  }
0x1a4: {  	[tilespmem:s12], [sflag:$0x4] =	stream.indirect.gather [spmem:s2], $0x40, s15, s10, $0xb8;
	[tilespmem:$0x1E400] =	vst v63  }
0x1a5: {  	_ =	swait.ge [sflag:s13], $0x4000  }
0x1a6: {  	[sflag:s13] =	ssyncset.done $0x0  }
0x1a7: {  	[sflag:s13] =	ssyncadd.s32 $0xFFFFC000  }
0x1a8: {  	[spmem:s3] =	stream.indirect.scatter.add.f32 [tilespmem:s11], [sflag:$0x5], $0x40, s17, s10, $0xb8;
	[tilespmem:$0x1E400] =	vst v63  }
0x1a9: {  	_ =	swait.ge [sflag:s14], $0x4000  }
0x1aa: {  	[sflag:s14] =	ssyncset.done $0x0  }
0x1ab: {  	[sflag:s14] =	ssyncadd.s32 $0xFFFFC000  }
0x1ac: {  	[tilespmem:s11], [sflag:$0x3] =	stream.indirect.gather [spmem:s2], $0x40, s19, s10, $0xb8;
	[tilespmem:$0x1E400] =	vst v63  }
0x1ad: {  	_ =	swait.ge [sflag:s16], $0x4000  }
0x1ae: {  	[sflag:s16] =	ssyncset.done $0x0  }
0x1af: {  	[sflag:s16] =	ssyncadd.s32 $0xFFFFC000  }
0x1b0: {  	[spmem:s3] =	stream.indirect.scatter.add.f32 [tilespmem:s12], [sflag:$0x6], $0x40, s20, s10, $0xb8;
	[tilespmem:$0x1E400] =	vst v63  }
0x1b1: {  	_ =	swait.ge [sflag:s18], $0x4000  }
0x1b2: {  	[sflag:s18] =	ssyncset.done $0x0  }
0x1b3: {  	[sflag:s18] =	ssyncadd.s32 $0xFFFFC000  }
0x1b4: {  	[tilespmem:s12], [sflag:$0x4] =	stream.indirect.gather [spmem:s2], $0x40, s21, s10, $0xb8;
	[tilespmem:$0x1E400] =	vst v63  }
0x1b5: {  	_ =	swait.ge [sflag:s13], $0x4000  }
0x1b6: {  	[sflag:s13] =	ssyncset.done $0x0  }
0x1b7: {  	[sflag:s13] =	ssyncadd.s32 $0xFFFFC000  }
0x1b8: {  	[spmem:s3] =	stream.indirect.scatter.add.f32 [tilespmem:s11], [sflag:$0x5], $0x40, s22, s10, $0xb8;
	[tilespmem:$0x1E400] =	vst v63  }
0x1b9: {  	_ =	swait.ge [sflag:s14], $0x4000  }
0x1ba: {  	[sflag:s14] =	ssyncset.done $0x0  }
0x1bb: {  	[sflag:s14] =	ssyncadd.s32 $0xFFFFC000  }
0x1bc: {  	[tilespmem:s11], [sflag:$0x3] =	stream.indirect.gather [spmem:s2], $0x40, s23, s10, $0xb8;
	[tilespmem:$0x1E400] =	vst v63  }
0x1bd: {  	_ =	swait.ge [sflag:s16], $0x4000  }
0x1be: {  	[sflag:s16] =	ssyncset.done $0x0  }
0x1bf: {  	[sflag:s16] =	ssyncadd.s32 $0xFFFFC000  }
0x1c0: {  	[spmem:s3] =	stream.indirect.scatter.add.f32 [tilespmem:s12], [sflag:$0x6], $0x40, s24, s10, $0xb8;
	[tilespmem:$0x1E400] =	vst v63  }
0x1c1: {  	_ =	swait.ge [sflag:s18], $0x4000  }
0x1c2: {  	[sflag:s18] =	ssyncset.done $0x0  }
0x1c3: {  	[sflag:s18] =	ssyncadd.s32 $0xFFFFC000  }
0x1c4: {  	[tilespmem:s12], [sflag:$0x4] =	stream.indirect.gather [spmem:s2], $0x40, s25, s10, $0xb8;
	[tilespmem:$0x1E400] =	vst v63  }
0x1c5: {  	_ =	swait.ge [sflag:s13], $0x4000  }
0x1c6: {  	[sflag:s13] =	ssyncset.done $0x0  }
0x1c7: {  	[sflag:s13] =	ssyncadd.s32 $0xFFFFC000  }
0x1c8: {  	[spmem:s3] =	stream.indirect.scatter.add.f32 [tilespmem:s11], [sflag:$0x5], $0x40, s26, s10, $0xb8;
	[tilespmem:$0x1E400] =	vst v63  }
0x1c9: {  	_ =	swait.ge [sflag:s14], $0x4000  }
0x1ca: {  	[sflag:s14] =	ssyncset.done $0x0  }
0x1cb: {  	[sflag:s14] =	ssyncadd.s32 $0xFFFFC000  }
0x1cc: {  	[tilespmem:s11], [sflag:$0x3] =	stream.indirect.gather [spmem:s2], $0x40, s28, s10, $0xb8;
	[tilespmem:$0x1E400] =	vst v63  }
0x1cd: {  	_ =	swait.ge [sflag:s16], $0x4000  }
0x1ce: {  	[sflag:s16] =	ssyncset.done $0x0  }
0x1cf: {  	[sflag:s16] =	ssyncadd.s32 $0xFFFFC000  }
0x1d0: {  	[spmem:s3] =	stream.indirect.scatter.add.f32 [tilespmem:s12], [sflag:$0x6], $0x40, s29, s10, $0xb8;
	[tilespmem:$0x1E400] =	vst v63  }
0x1d1: {  	_ =	swait.ge [sflag:s18], $0x4000  }
0x1d2: {  	[sflag:s18] =	ssyncset.done $0x0  }
0x1d3: {  	[sflag:s18] =	ssyncadd.s32 $0xFFFFC000  }
0x1d4: {  	[tilespmem:s12], [sflag:$0x4] =	stream.indirect.gather [spmem:s2], $0x40, s30, s10, $0xb8;
	[tilespmem:$0x1E400] =	vst v63  }
0x1d5: {  	_ =	swait.ge [sflag:s13], $0x4000  }
0x1d6: {  	[sflag:s13] =	ssyncset.done $0x0  }
0x1d7: {  	s9 =	simm.s32 $0x1E00;
	[sflag:s13] =	ssyncadd.s32 $0xFFFFC000  }
0x1d8: {  	[spmem:s3] =	stream.indirect.scatter.add.f32 [tilespmem:s11], [sflag:$0x5], $0x40, s9, s10, $0xb8;
	[tilespmem:$0x1E400] =	vst v63  }
0x1d9: {  	_ =	swait.ge [sflag:s14], $0x4000  }
0x1da: {  	[sflag:s14] =	ssyncset.done $0x0  }
0x1db: {  	s9 =	simm.s32 $0xC00;
	[sflag:s14] =	ssyncadd.s32 $0xFFFFC000  }
0x1dc: {  	[tilespmem:s11], [sflag:$0x3] =	stream.indirect.gather [spmem:s2], $0x40, s9, s10, $0xb8;
	[tilespmem:$0x1E400] =	vst v63  }
0x1dd: {  	_ =	swait.ge [sflag:s16], $0x4000  }
0x1de: {  	[sflag:s16] =	ssyncset.done $0x0  }
0x1df: {  	s9 =	simm.s32 $0x1F00;
	[sflag:s16] =	ssyncadd.s32 $0xFFFFC000  }
0x1e0: {  	[spmem:s3] =	stream.indirect.scatter.add.f32 [tilespmem:s12], [sflag:$0x6], $0x40, s9, s10, $0xb8;
	[tilespmem:$0x1E400] =	vst v63  }
0x1e1: {  	_ =	swait.ge [sflag:s18], $0x4000  }
0x1e2: {  	[sflag:s18] =	ssyncset.done $0x0  }
0x1e3: {  	s9 =	simm.s32 $0xD00;
	[sflag:s18] =	ssyncadd.s32 $0xFFFFC000  }
0x1e4: {  	[tilespmem:s12], [sflag:$0x4] =	stream.indirect.gather [spmem:s2], $0x40, s9, s10, $0xb8;
	[tilespmem:$0x1E400] =	vst v63  }
0x1e5: {  	_ =	swait.ge [sflag:s13], $0x4000  }
0x1e6: {  	[sflag:s13] =	ssyncset.done $0x0  }
0x1e7: {  	s9 =	simm.s32 $0x2000;
	[sflag:s13] =	ssyncadd.s32 $0xFFFFC000  }
0x1e8: {  	[spmem:s3] =	stream.indirect.scatter.add.f32 [tilespmem:s11], [sflag:$0x5], $0x40, s9, s10, $0xb8;
	[tilespmem:$0x1E400] =	vst v63  }
0x1e9: {  	_ =	swait.ge [sflag:s14], $0x4000  }
0x1ea: {  	[sflag:s14] =	ssyncset.done $0x0  }
0x1eb: {  	s9 =	simm.s32 $0xE00;
	[sflag:s14] =	ssyncadd.s32 $0xFFFFC000  }
0x1ec: {  	[tilespmem:s11], [sflag:$0x3] =	stream.indirect.gather [spmem:s2], $0x40, s9, s10, $0xb8;
	[tilespmem:$0x1E400] =	vst v63  }
0x1ed: {  	_ =	swait.ge [sflag:s16], $0x4000  }
0x1ee: {  	[sflag:s16] =	ssyncset.done $0x0  }
0x1ef: {  	s9 =	simm.s32 $0x2100;
	[sflag:s16] =	ssyncadd.s32 $0xFFFFC000  }
0x1f0: {  	[spmem:s3] =	stream.indirect.scatter.add.f32 [tilespmem:s12], [sflag:$0x6], $0x40, s9, s10, $0xb8;
	[tilespmem:$0x1E400] =	vst v63  }
0x1f1: {  	_ =	swait.ge [sflag:s18], $0x4000  }
0x1f2: {  	[sflag:s18] =	ssyncset.done $0x0  }
0x1f3: {  	s9 =	simm.s32 $0xF00;
	[sflag:s18] =	ssyncadd.s32 $0xFFFFC000  }
0x1f4: {  	[tilespmem:s12], [sflag:$0x4] =	stream.indirect.gather [spmem:s2], $0x40, s9, s10, $0xb8;
	[tilespmem:$0x1E400] =	vst v63  }
0x1f5: {  	_ =	swait.ge [sflag:s13], $0x4000  }
0x1f6: {  	[sflag:s13] =	ssyncset.done $0x0  }
0x1f7: {  	s9 =	simm.s32 $0x2200;
	[sflag:s13] =	ssyncadd.s32 $0xFFFFC000  }
0x1f8: {  	[spmem:s3] =	stream.indirect.scatter.add.f32 [tilespmem:s11], [sflag:$0x5], $0x40, s9, s10, $0xb8;
	[tilespmem:$0x1E400] =	vst v63  }
0x1f9: {  	_ =	swait.ge [sflag:s14], $0x4000  }
0x1fa: {  	[sflag:s14] =	ssyncset.done $0x0  }
0x1fb: {  	s9 =	simm.s32 $0x1000;
	[sflag:s14] =	ssyncadd.s32 $0xFFFFC000  }
0x1fc: {  	[tilespmem:s11], [sflag:$0x3] =	stream.indirect.gather [spmem:s2], $0x40, s9, s10, $0xb8;
	[tilespmem:$0x1E400] =	vst v63  }
0x1fd: {  	_ =	swait.ge [sflag:s16], $0x4000  }
0x1fe: {  	[sflag:s16] =	ssyncset.done $0x0  }
0x1ff: {  	s9 =	simm.s32 $0x2300;
	[sflag:s16] =	ssyncadd.s32 $0xFFFFC000  }
0x200: {  	[spmem:s3] =	stream.indirect.scatter.add.f32 [tilespmem:s12], [sflag:$0x6], $0x40, s9, s10, $0xb8;
	[tilespmem:$0x1E400] =	vst v63  }
0x201: {  	_ =	swait.ge [sflag:s18], $0x4000  }
0x202: {  	[sflag:s18] =	ssyncset.done $0x0  }
0x203: {  	s9 =	simm.s32 $0x1100;
	[sflag:s18] =	ssyncadd.s32 $0xFFFFC000  }
0x204: {  	[tilespmem:s12], [sflag:$0x4] =	stream.indirect.gather [spmem:s2], $0x40, s9, s10, $0xb8;
	[tilespmem:$0x1E400] =	vst v63  }
0x205: {  	_ =	swait.ge [sflag:s13], $0x4000  }
0x206: {  	[sflag:s13] =	ssyncset.done $0x0  }
0x207: {  	s9 =	simm.s32 $0x2400;
	[sflag:s13] =	ssyncadd.s32 $0xFFFFC000  }
0x208: {  	[spmem:s3] =	stream.indirect.scatter.add.f32 [tilespmem:s11], [sflag:$0x5], $0x40, s9, s10, $0xb8;
	[tilespmem:$0x1E400] =	vst v63  }
0x209: {  	_ =	swait.ge [sflag:s14], $0x4000  }
0x20a: {  	[sflag:s14] =	ssyncset.done $0x0  }
0x20b: {  	s9 =	simm.s32 $0x1200;
	[sflag:s14] =	ssyncadd.s32 $0xFFFFC000  }
0x20c: {  	[tilespmem:s11], [sflag:$0x3] =	stream.indirect.gather [spmem:s2], $0x40, s9, s10, $0xb8;
	[tilespmem:$0x1E400] =	vst v63  }
0x20d: {  	_ =	swait.ge [sflag:s16], $0x4000  }
0x20e: {  	[sflag:s16] =	ssyncset.done $0x0  }
0x20f: {  	s9 =	simm.s32 $0x2500;
	[sflag:s16] =	ssyncadd.s32 $0xFFFFC000  }
0x210: {  	[spmem:s3] =	stream.indirect.scatter.add.f32 [tilespmem:s12], [sflag:$0x6], $0x40, s9, s10, $0xb8;
	[tilespmem:$0x1E400] =	vst v63  }
0x211: {  	_ =	swait.ge [sflag:s18], $0x4000  }
0x212: {  	[sflag:s18] =	ssyncset.done $0x0  }
0x213: {  	s9 =	simm.s32 $0x1300;
	[sflag:s18] =	ssyncadd.s32 $0xFFFFC000  }
0x214: {  	[tilespmem:s12], [sflag:$0x4] =	stream.indirect.gather [spmem:s2], $0x40, s9, s10, $0xb8;
	[tilespmem:$0x1E400] =	vst v63  }
0x215: {  	_ =	swait.ge [sflag:s13], $0x4000  }
0x216: {  	[sflag:s13] =	ssyncset.done $0x0  }
0x217: {  	s9 =	simm.s32 $0x2600;
	[sflag:s13] =	ssyncadd.s32 $0xFFFFC000  }
0x218: {  	[spmem:s3] =	stream.indirect.scatter.add.f32 [tilespmem:s11], [sflag:$0x5], $0x40, s9, s10, $0xb8;
	[tilespmem:$0x1E400] =	vst v63  }
0x219: {  	_ =	swait.ge [sflag:s16], $0x4000  }
0x21a: {  	[sflag:s16] =	ssyncset.done $0x0  }
0x21b: {  	s9 =	simm.s32 $0x2700;
	[sflag:s16] =	ssyncadd.s32 $0xFFFFC000  }
0x21c: {  	[spmem:s3] =	stream.indirect.scatter.add.f32 [tilespmem:s12], [sflag:$0x6], $0x40, s9, s10, $0xb8;
	[tilespmem:$0x1E400] =	vst v63  }
0x21d: {  	_ =	swait.ge [sflag:s14], $0x4000  }
0x21e: {  	[sflag:s14] =	ssyncset.done $0x0  }
0x21f: {  	[sflag:s14] =	ssyncadd.s32 $0xFFFFC000  }
0x220: {  	_ =	swait.ge [sflag:s18], $0x4000  }
0x221: {  	[sflag:s18] =	ssyncset.done $0x0  }
0x222: {  	s9 =	rddreg [dreg:$0xe];
	[sflag:s18] =	ssyncadd.s32 $0xFFFFC000  }
0x223: {  	[tilespmem:s31], [sflag:$0x7] =	stream.linear.gather [hbm4b:s9+s31], $0x1400, $0x38;
	[tilespmem:$0x1E400] =	vst v63  }
0x224: {  	_ =	swait.ge [sflag:s6], $0x1400  }
0x225: {  	[sflag:s6] =	ssyncset.done $0x0  }
0x226: {  	s0 =	simm.s32 $0x1400;
	s9 =	rddreg [dreg:$0xf];
	[sflag:s6] =	ssyncadd.s32 $0xFFFFEC00  }
0x227: {  	[tilespmem:s0], [sflag:$0x7] =	stream.linear.gather [hbm4b:s9+s31], $0x1400, $0x38;
	[tilespmem:$0x1E400] =	vst v63  }
0x228: {  	_ =	swait.ge [sflag:s6], $0x1400  }
0x229: {  	[sflag:s6] =	ssyncset.done $0x0  }
0x22a: {  	[sflag:s6] =	ssyncadd.s32 $0xFFFFEC00  }
0x22b: {  	[tilespmem:s11], [sflag:$0x3] =	stream.indirect.gather [spmem:s2], $0x40, s31, s10, $0xb8;
	[tilespmem:$0x1E400] =	vst v63  }
0x22c: {  	_ = 	snop  }
0x22d: {  	[tilespmem:s12], [sflag:$0x4] =	stream.indirect.gather [spmem:s2], $0x40, s10, s10, $0xb8;
	[tilespmem:$0x1E400] =	vst v63  }
0x22e: {  	_ =	swait.ge [sflag:s13], $0x4000  }
0x22f: {  	[sflag:s13] =	ssyncset.done $0x0  }
0x230: {  	[sflag:s13] =	ssyncadd.s32 $0xFFFFC000  }
0x231: {  	[spmem:s3] =	stream.indirect.scatter.add.f32 [tilespmem:s11], [sflag:$0x5], $0x40, s0, s10, $0xb8;
	[tilespmem:$0x1E400] =	vst v63  }
0x232: {  	_ =	swait.ge [sflag:s14], $0x4000  }
0x233: {  	[sflag:s14] =	ssyncset.done $0x0  }
0x234: {  	s9 =	simm.s32 $0x200;
	[sflag:s14] =	ssyncadd.s32 $0xFFFFC000  }
0x235: {  	[tilespmem:s11], [sflag:$0x3] =	stream.indirect.gather [spmem:s2], $0x40, s9, s10, $0xb8;
	[tilespmem:$0x1E400] =	vst v63  }
0x236: {  	_ =	swait.ge [sflag:s16], $0x4000  }
0x237: {  	[sflag:s16] =	ssyncset.done $0x0  }
0x238: {  	s1 =	simm.s32 $0x1500;
	[sflag:s16] =	ssyncadd.s32 $0xFFFFC000  }
0x239: {  	[spmem:s3] =	stream.indirect.scatter.add.f32 [tilespmem:s12], [sflag:$0x6], $0x40, s1, s10, $0xb8;
	[tilespmem:$0x1E400] =	vst v63  }
0x23a: {  	_ =	swait.ge [sflag:s18], $0x4000  }
0x23b: {  	[sflag:s18] =	ssyncset.done $0x0  }
0x23c: {  	s4 =	simm.s32 $0x300;
	[sflag:s18] =	ssyncadd.s32 $0xFFFFC000  }
0x23d: {  	[tilespmem:s12], [sflag:$0x4] =	stream.indirect.gather [spmem:s2], $0x40, s4, s10, $0xb8;
	[tilespmem:$0x1E400] =	vst v63  }
0x23e: {  	_ =	swait.ge [sflag:s13], $0x4000  }
0x23f: {  	[sflag:s13] =	ssyncset.done $0x0  }
0x240: {  	s5 =	simm.s32 $0x1600;
	[sflag:s13] =	ssyncadd.s32 $0xFFFFC000  }
0x241: {  	[spmem:s3] =	stream.indirect.scatter.add.f32 [tilespmem:s11], [sflag:$0x5], $0x40, s5, s10, $0xb8;
	[tilespmem:$0x1E400] =	vst v63  }
0x242: {  	_ =	swait.ge [sflag:s14], $0x4000  }
0x243: {  	[sflag:s14] =	ssyncset.done $0x0  }
0x244: {  	s7 =	simm.s32 $0x400;
	[sflag:s14] =	ssyncadd.s32 $0xFFFFC000  }
0x245: {  	[tilespmem:s11], [sflag:$0x3] =	stream.indirect.gather [spmem:s2], $0x40, s7, s10, $0xb8;
	[tilespmem:$0x1E400] =	vst v63  }
0x246: {  	_ =	swait.ge [sflag:s16], $0x4000  }
0x247: {  	[sflag:s16] =	ssyncset.done $0x0  }
0x248: {  	s8 =	simm.s32 $0x1700;
	[sflag:s16] =	ssyncadd.s32 $0xFFFFC000  }
0x249: {  	[spmem:s3] =	stream.indirect.scatter.add.f32 [tilespmem:s12], [sflag:$0x6], $0x40, s8, s10, $0xb8;
	[tilespmem:$0x1E400] =	vst v63  }
0x24a: {  	_ =	swait.ge [sflag:s18], $0x4000  }
0x24b: {  	[sflag:s18] =	ssyncset.done $0x0  }
0x24c: {  	s15 =	simm.s32 $0x500;
	[sflag:s18] =	ssyncadd.s32 $0xFFFFC000  }
0x24d: {  	[tilespmem:s12], [sflag:$0x4] =	stream.indirect.gather [spmem:s2], $0x40, s15, s10, $0xb8;
	[tilespmem:$0x1E400] =	vst v63  }
0x24e: {  	_ =	swait.ge [sflag:s13], $0x4000  }
0x24f: {  	[sflag:s13] =	ssyncset.done $0x0  }
0x250: {  	s17 =	simm.s32 $0x1800;
	[sflag:s13] =	ssyncadd.s32 $0xFFFFC000  }
0x251: {  	[spmem:s3] =	stream.indirect.scatter.add.f32 [tilespmem:s11], [sflag:$0x5], $0x40, s17, s10, $0xb8;
	[tilespmem:$0x1E400] =	vst v63  }
0x252: {  	_ =	swait.ge [sflag:s14], $0x4000  }
0x253: {  	[sflag:s14] =	ssyncset.done $0x0  }
0x254: {  	s19 =	simm.s32 $0x600;
	[sflag:s14] =	ssyncadd.s32 $0xFFFFC000  }
0x255: {  	[tilespmem:s11], [sflag:$0x3] =	stream.indirect.gather [spmem:s2], $0x40, s19, s10, $0xb8;
	[tilespmem:$0x1E400] =	vst v63  }
0x256: {  	_ =	swait.ge [sflag:s16], $0x4000  }
0x257: {  	[sflag:s16] =	ssyncset.done $0x0  }
0x258: {  	s20 =	simm.s32 $0x1900;
	[sflag:s16] =	ssyncadd.s32 $0xFFFFC000  }
0x259: {  	[spmem:s3] =	stream.indirect.scatter.add.f32 [tilespmem:s12], [sflag:$0x6], $0x40, s20, s10, $0xb8;
	[tilespmem:$0x1E400] =	vst v63  }
0x25a: {  	_ =	swait.ge [sflag:s18], $0x4000  }
0x25b: {  	[sflag:s18] =	ssyncset.done $0x0  }
0x25c: {  	s21 =	simm.s32 $0x700;
	[sflag:s18] =	ssyncadd.s32 $0xFFFFC000  }
0x25d: {  	[tilespmem:s12], [sflag:$0x4] =	stream.indirect.gather [spmem:s2], $0x40, s21, s10, $0xb8;
	[tilespmem:$0x1E400] =	vst v63  }
0x25e: {  	_ =	swait.ge [sflag:s13], $0x4000  }
0x25f: {  	[sflag:s13] =	ssyncset.done $0x0  }
0x260: {  	s22 =	simm.s32 $0x1A00;
	[sflag:s13] =	ssyncadd.s32 $0xFFFFC000  }
0x261: {  	[spmem:s3] =	stream.indirect.scatter.add.f32 [tilespmem:s11], [sflag:$0x5], $0x40, s22, s10, $0xb8;
	[tilespmem:$0x1E400] =	vst v63  }
0x262: {  	_ =	swait.ge [sflag:s14], $0x4000  }
0x263: {  	[sflag:s14] =	ssyncset.done $0x0  }
0x264: {  	s23 =	simm.s32 $0x800;
	[sflag:s14] =	ssyncadd.s32 $0xFFFFC000  }
0x265: {  	[tilespmem:s11], [sflag:$0x3] =	stream.indirect.gather [spmem:s2], $0x40, s23, s10, $0xb8;
	[tilespmem:$0x1E400] =	vst v63  }
0x266: {  	_ =	swait.ge [sflag:s16], $0x4000  }
0x267: {  	[sflag:s16] =	ssyncset.done $0x0  }
0x268: {  	s24 =	simm.s32 $0x1B00;
	[sflag:s16] =	ssyncadd.s32 $0xFFFFC000  }
0x269: {  	[spmem:s3] =	stream.indirect.scatter.add.f32 [tilespmem:s12], [sflag:$0x6], $0x40, s24, s10, $0xb8;
	[tilespmem:$0x1E400] =	vst v63  }
0x26a: {  	_ =	swait.ge [sflag:s18], $0x4000  }
0x26b: {  	[sflag:s18] =	ssyncset.done $0x0  }
0x26c: {  	s25 =	simm.s32 $0x900;
	[sflag:s18] =	ssyncadd.s32 $0xFFFFC000  }
0x26d: {  	[tilespmem:s12], [sflag:$0x4] =	stream.indirect.gather [spmem:s2], $0x40, s25, s10, $0xb8;
	[tilespmem:$0x1E400] =	vst v63  }
0x26e: {  	_ =	swait.ge [sflag:s13], $0x4000  }
0x26f: {  	[sflag:s13] =	ssyncset.done $0x0  }
0x270: {  	s26 =	simm.s32 $0x1C00;
	[sflag:s13] =	ssyncadd.s32 $0xFFFFC000  }
0x271: {  	[spmem:s3] =	stream.indirect.scatter.add.f32 [tilespmem:s11], [sflag:$0x5], $0x40, s26, s10, $0xb8;
	[tilespmem:$0x1E400] =	vst v63  }
0x272: {  	_ =	swait.ge [sflag:s14], $0x4000  }
0x273: {  	[sflag:s14] =	ssyncset.done $0x0  }
0x274: {  	s28 =	simm.s32 $0xA00;
	[sflag:s14] =	ssyncadd.s32 $0xFFFFC000  }
0x275: {  	[tilespmem:s11], [sflag:$0x3] =	stream.indirect.gather [spmem:s2], $0x40, s28, s10, $0xb8;
	[tilespmem:$0x1E400] =	vst v63  }
0x276: {  	_ =	swait.ge [sflag:s16], $0x4000  }
0x277: {  	[sflag:s16] =	ssyncset.done $0x0  }
0x278: {  	s29 =	simm.s32 $0x1D00;
	[sflag:s16] =	ssyncadd.s32 $0xFFFFC000  }
0x279: {  	[spmem:s3] =	stream.indirect.scatter.add.f32 [tilespmem:s12], [sflag:$0x6], $0x40, s29, s10, $0xb8;
	[tilespmem:$0x1E400] =	vst v63  }
0x27a: {  	_ =	swait.ge [sflag:s18], $0x4000  }
0x27b: {  	[sflag:s18] =	ssyncset.done $0x0  }
0x27c: {  	s30 =	simm.s32 $0xB00;
	[sflag:s18] =	ssyncadd.s32 $0xFFFFC000  }
0x27d: {  	[tilespmem:s12], [sflag:$0x4] =	stream.indirect.gather [spmem:s2], $0x40, s30, s10, $0xb8;
	[tilespmem:$0x1E400] =	vst v63  }
0x27e: {  	_ =	swait.ge [sflag:s13], $0x4000  }
0x27f: {  	[sflag:s13] =	ssyncset.done $0x0  }
0x280: {  	s26 =	simm.s32 $0x1E00;
	[sflag:s13] =	ssyncadd.s32 $0xFFFFC000  }
0x281: {  	[spmem:s3] =	stream.indirect.scatter.add.f32 [tilespmem:s11], [sflag:$0x5], $0x40, s26, s10, $0xb8;
	[tilespmem:$0x1E400] =	vst v63  }
0x282: {  	_ =	swait.ge [sflag:s14], $0x4000  }
0x283: {  	[sflag:s14] =	ssyncset.done $0x0  }
0x284: {  	s28 =	simm.s32 $0xC00;
	[sflag:s14] =	ssyncadd.s32 $0xFFFFC000  }
0x285: {  	[tilespmem:s11], [sflag:$0x3] =	stream.indirect.gather [spmem:s2], $0x40, s28, s10, $0xb8;
	[tilespmem:$0x1E400] =	vst v63  }
0x286: {  	_ =	swait.ge [sflag:s16], $0x4000  }
0x287: {  	[sflag:s16] =	ssyncset.done $0x0  }
0x288: {  	s29 =	simm.s32 $0x1F00;
	[sflag:s16] =	ssyncadd.s32 $0xFFFFC000  }
0x289: {  	[spmem:s3] =	stream.indirect.scatter.add.f32 [tilespmem:s12], [sflag:$0x6], $0x40, s29, s10, $0xb8;
	[tilespmem:$0x1E400] =	vst v63  }
0x28a: {  	_ =	swait.ge [sflag:s18], $0x4000  }
0x28b: {  	[sflag:s18] =	ssyncset.done $0x0  }
0x28c: {  	s30 =	simm.s32 $0xD00;
	[sflag:s18] =	ssyncadd.s32 $0xFFFFC000  }
0x28d: {  	[tilespmem:s12], [sflag:$0x4] =	stream.indirect.gather [spmem:s2], $0x40, s30, s10, $0xb8;
	[tilespmem:$0x1E400] =	vst v63  }
0x28e: {  	_ =	swait.ge [sflag:s13], $0x4000  }
0x28f: {  	[sflag:s13] =	ssyncset.done $0x0  }
0x290: {  	s31 =	simm.s32 $0x2000;
	[sflag:s13] =	ssyncadd.s32 $0xFFFFC000  }
0x291: {  	[spmem:s3] =	stream.indirect.scatter.add.f32 [tilespmem:s11], [sflag:$0x5], $0x40, s31, s10, $0xb8;
	[tilespmem:$0x1E400] =	vst v63  }
0x292: {  	_ =	swait.ge [sflag:s14], $0x4000  }
0x293: {  	[sflag:s14] =	ssyncset.done $0x0  }
0x294: {  	s1 =	simm.s32 $0xE00;
	[sflag:s14] =	ssyncadd.s32 $0xFFFFC000  }
0x295: {  	[tilespmem:s11], [sflag:$0x3] =	stream.indirect.gather [spmem:s2], $0x40, s1, s10, $0xb8;
	[tilespmem:$0x1E400] =	vst v63  }
0x296: {  	_ =	swait.ge [sflag:s16], $0x4000  }
0x297: {  	[sflag:s16] =	ssyncset.done $0x0  }
0x298: {  	s4 =	simm.s32 $0x2100;
	[sflag:s16] =	ssyncadd.s32 $0xFFFFC000  }
0x299: {  	[spmem:s3] =	stream.indirect.scatter.add.f32 [tilespmem:s12], [sflag:$0x6], $0x40, s4, s10, $0xb8;
	[tilespmem:$0x1E400] =	vst v63  }
0x29a: {  	_ =	swait.ge [sflag:s18], $0x4000  }
0x29b: {  	[sflag:s18] =	ssyncset.done $0x0  }
0x29c: {  	s5 =	simm.s32 $0xF00;
	[sflag:s18] =	ssyncadd.s32 $0xFFFFC000  }
0x29d: {  	[tilespmem:s12], [sflag:$0x4] =	stream.indirect.gather [spmem:s2], $0x40, s5, s10, $0xb8;
	[tilespmem:$0x1E400] =	vst v63  }
0x29e: {  	_ =	swait.ge [sflag:s13], $0x4000  }
0x29f: {  	[sflag:s13] =	ssyncset.done $0x0  }
0x2a0: {  	s7 =	simm.s32 $0x2200;
	[sflag:s13] =	ssyncadd.s32 $0xFFFFC000  }
0x2a1: {  	[spmem:s3] =	stream.indirect.scatter.add.f32 [tilespmem:s11], [sflag:$0x5], $0x40, s7, s10, $0xb8;
	[tilespmem:$0x1E400] =	vst v63  }
0x2a2: {  	_ =	swait.ge [sflag:s14], $0x4000  }
0x2a3: {  	[sflag:s14] =	ssyncset.done $0x0  }
0x2a4: {  	s8 =	simm.s32 $0x1000;
	[sflag:s14] =	ssyncadd.s32 $0xFFFFC000  }
0x2a5: {  	[tilespmem:s11], [sflag:$0x3] =	stream.indirect.gather [spmem:s2], $0x40, s8, s10, $0xb8;
	[tilespmem:$0x1E400] =	vst v63  }
0x2a6: {  	_ =	swait.ge [sflag:s16], $0x4000  }
0x2a7: {  	[sflag:s16] =	ssyncset.done $0x0  }
0x2a8: {  	s9 =	simm.s32 $0x2300;
	[sflag:s16] =	ssyncadd.s32 $0xFFFFC000  }
0x2a9: {  	[spmem:s3] =	stream.indirect.scatter.add.f32 [tilespmem:s12], [sflag:$0x6], $0x40, s9, s10, $0xb8;
	[tilespmem:$0x1E400] =	vst v63  }
0x2aa: {  	_ =	swait.ge [sflag:s18], $0x4000  }
0x2ab: {  	[sflag:s18] =	ssyncset.done $0x0  }
0x2ac: {  	s15 =	simm.s32 $0x1100;
	[sflag:s18] =	ssyncadd.s32 $0xFFFFC000  }
0x2ad: {  	[tilespmem:s12], [sflag:$0x4] =	stream.indirect.gather [spmem:s2], $0x40, s15, s10, $0xb8;
	[tilespmem:$0x1E400] =	vst v63  }
0x2ae: {  	_ =	swait.ge [sflag:s13], $0x4000  }
0x2af: {  	[sflag:s13] =	ssyncset.done $0x0  }
0x2b0: {  	s17 =	simm.s32 $0x2400;
	[sflag:s13] =	ssyncadd.s32 $0xFFFFC000  }
0x2b1: {  	[spmem:s3] =	stream.indirect.scatter.add.f32 [tilespmem:s11], [sflag:$0x5], $0x40, s17, s10, $0xb8;
	[tilespmem:$0x1E400] =	vst v63  }
0x2b2: {  	_ =	swait.ge [sflag:s14], $0x4000  }
0x2b3: {  	[sflag:s14] =	ssyncset.done $0x0  }
0x2b4: {  	s19 =	simm.s32 $0x1200;
	[sflag:s14] =	ssyncadd.s32 $0xFFFFC000  }
0x2b5: {  	[tilespmem:s11], [sflag:$0x3] =	stream.indirect.gather [spmem:s2], $0x40, s19, s10, $0xb8;
	[tilespmem:$0x1E400] =	vst v63  }
0x2b6: {  	_ =	swait.ge [sflag:s16], $0x4000  }
0x2b7: {  	[sflag:s16] =	ssyncset.done $0x0  }
0x2b8: {  	s20 =	simm.s32 $0x2500;
	[sflag:s16] =	ssyncadd.s32 $0xFFFFC000  }
0x2b9: {  	[spmem:s3] =	stream.indirect.scatter.add.f32 [tilespmem:s12], [sflag:$0x6], $0x40, s20, s10, $0xb8;
	[tilespmem:$0x1E400] =	vst v63  }
0x2ba: {  	_ =	swait.ge [sflag:s18], $0x4000  }
0x2bb: {  	[sflag:s18] =	ssyncset.done $0x0  }
0x2bc: {  	s21 =	simm.s32 $0x1300;
	[sflag:s18] =	ssyncadd.s32 $0xFFFFC000  }
0x2bd: {  	[tilespmem:s12], [sflag:$0x4] =	stream.indirect.gather [spmem:s2], $0x40, s21, s10, $0xb8;
	[tilespmem:$0x1E400] =	vst v63  }
0x2be: {  	_ =	swait.ge [sflag:s13], $0x4000  }
0x2bf: {  	[sflag:s13] =	ssyncset.done $0x0  }
0x2c0: {  	s22 =	simm.s32 $0x2600;
	[sflag:s13] =	ssyncadd.s32 $0xFFFFC000  }
0x2c1: {  	[spmem:s3] =	stream.indirect.scatter.add.f32 [tilespmem:s11], [sflag:$0x5], $0x40, s22, s10, $0xb8;
	[tilespmem:$0x1E400] =	vst v63  }
0x2c2: {  	_ =	swait.ge [sflag:s16], $0x4000  }
0x2c3: {  	[sflag:s16] =	ssyncset.done $0x0  }
0x2c4: {  	s23 =	simm.s32 $0x2700;
	[sflag:s16] =	ssyncadd.s32 $0xFFFFC000  }
0x2c5: {  	[spmem:s3] =	stream.indirect.scatter.add.f32 [tilespmem:s12], [sflag:$0x6], $0x40, s23, s10, $0xb8;
	[tilespmem:$0x1E400] =	vst v63  }
0x2c6: {  	_ =	swait.ge [sflag:s14], $0x4000  }
0x2c7: {  	[sflag:s14] =	ssyncset.done $0x0  }
0x2c8: {  	[sflag:s14] =	ssyncadd.s32 $0xFFFFC000  }
0x2c9: {  	_ =	swait.ge [sflag:s18], $0x4000  }
0x2ca: {  	[sflag:s18] =	ssyncset.done $0x0  }
0x2cb: {  	[sflag:s18] =	ssyncadd.s32 $0xFFFFC000  }
0x2cc: {  	[bflag:$0x0] =	sbarrier.arrive $0xFFFF  }
0x2cd: {  	s24 =	rddreg [dreg:$0x13]  }
0x2ce: {  	s25 =	rddreg [dreg:$0x14]  }
0x2cf: {  	s26 =	rddreg [dreg:$0x10]  }
0x2d0: {  	s28 =	rddreg [dreg:$0x18]  }
0x2d1: {  	s29 =	rddreg [dreg:$0x15];
	s0 =	sor.u32 $0x1C07, s28  }
0x2d2: {  	s30 =	simm.s32 $0x1;
	[dreg:$0x16] =	wrdreg s0  }
0x2d3: {  	[hbm:s26@s24], [sflag:s0] =	dma.strided [spmem:s29@s25], $0x13C0, s30, $0x8   }
0x2d4: {  	s0 =	rddreg [dreg:$0x17]  }
0x2d5: {  	s0 =	ssub.s32 $0x2, s0  }
0x2d6: {  	s31 =	sshrl.u32 s0, $0x1  }
0x2d7: {  	s9 =	ssub.s32 s0, s31  }
0x2d8: {  	s9 =	smax.u32 s9, $0x1  }
0x2d9: {  	p0 =	sne.s32 s9, $0x1  }
.Ltmp0:
0x2da: {  	_ = 	snop;
	(pc) =	sbr.rel @!p0 .LBB2_3-.Ltmp0, $2  }
0x2db: {  	_ =	sdelay $0x2  }
0x2dc: {  	_ =	swait.ge [sflag:s6], $0x13C0;
	s9 =	sadd.s32 $0xFFFFFFFF, s9  }
0x2dd: {  	s4 =	simm.s32 $0x1400  }
.LBB2_2:
0x2de: {  	s15 =	rddreg [dreg:$0x5]  }
0x2df: {  	[sflag:s6] =	ssyncset.done $0x0;
	s17 =	rddreg [dreg:$0x11]  }
0x2e0: {  	s19 =	rddreg [dreg:$0x6];
	[sflag:s6] =	ssyncadd.s32 $0xFFFFEC40  }
0x2e1: {  	[spmem:s17], [sflag:s19] =	dma.local [hbm:s15], $0x13C0  }
0x2e2: {  	s15 =	rddreg [dreg:$0x12]  }
0x2e3: {  	s17 =	rddreg [dreg:$0x7]  }
0x2e4: {  	s0 =	rddreg [dreg:$0x15]  }
0x2e5: {  	[spmem:s0], [sflag:s15] =	dma.local [hbm:s17], $0x13C0  }
0x2e6: {  	s0 =	simm.s32 $0x0;
	s15 =	rddreg [dreg:$0x8]  }
0x2e7: {  	[tilespmem:s0], [sflag:$0x7] =	stream.linear.gather [hbm4b:s15+s0], $0x1400, $0x38;
	[tilespmem:$0x1E400] =	vst v63  }
0x2e8: {  	_ =	swait.ge [sflag:s6], $0x1400  }
0x2e9: {  	[sflag:s6] =	ssyncset.done $0x0  }
0x2ea: {  	s19 =	rddreg [dreg:$0x9];
	[sflag:s6] =	ssyncadd.s32 $0xFFFFEC00  }
0x2eb: {  	[tilespmem:s4], [sflag:$0x7] =	stream.linear.gather [hbm4b:s19+s0], $0x1400, $0x38;
	[tilespmem:$0x1E400] =	vst v63  }
0x2ec: {  	_ =	swait.ge [sflag:s6], $0x1400  }
0x2ed: {  	[sflag:s6] =	ssyncset.done $0x0  }
0x2ee: {  	s20 =	simm.s32 $0x2;
	[sflag:s6] =	ssyncadd.s32 $0xFFFFEC00  }
0x2ef: {  	_ =	swait.ge [sflag:s20], $0x13C0  }
0x2f0: {  	[sflag:s20] =	ssyncset.done $0x0  }
0x2f1: {  	s1 =	simm.s32 $0x1;
	[sflag:s20] =	ssyncadd.s32 $0xFFFFEC40  }
0x2f2: {  	_ =	swait.ge [sflag:s1], $0x13C0  }
0x2f3: {  	[sflag:s1] =	ssyncset.done $0x0  }
0x2f4: {  	[sflag:s1] =	ssyncadd.s32 $0xFFFFEC40  }
0x2f5: {  	[bflag:$0x0] =	sbarrier.arrive $0xFFFF  }
0x2f6: {  	[tilespmem:s11], [sflag:$0x3] =	stream.indirect.gather [spmem:s2], $0x40, s0, s10, $0xb8;
	[tilespmem:$0x1E400] =	vst v63  }
0x2f7: {  	_ = 	snop  }
0x2f8: {  	[tilespmem:s12], [sflag:$0x4] =	stream.indirect.gather [spmem:s2], $0x40, s10, s10, $0xb8;
	[tilespmem:$0x1E400] =	vst v63  }
0x2f9: {  	_ =	swait.ge [sflag:s13], $0x4000  }
0x2fa: {  	[sflag:s13] =	ssyncset.done $0x0  }
0x2fb: {  	[sflag:s13] =	ssyncadd.s32 $0xFFFFC000  }
0x2fc: {  	[spmem:s3] =	stream.indirect.scatter.add.f32 [tilespmem:s11], [sflag:$0x5], $0x40, s4, s10, $0xb8;
	[tilespmem:$0x1E400] =	vst v63  }
0x2fd: {  	_ =	swait.ge [sflag:s14], $0x4000  }
0x2fe: {  	[sflag:s14] =	ssyncset.done $0x0  }
0x2ff: {  	s21 =	simm.s32 $0x200;
	[sflag:s14] =	ssyncadd.s32 $0xFFFFC000  }
0x300: {  	[tilespmem:s11], [sflag:$0x3] =	stream.indirect.gather [spmem:s2], $0x40, s21, s10, $0xb8;
	[tilespmem:$0x1E400] =	vst v63  }
0x301: {  	_ =	swait.ge [sflag:s16], $0x4000  }
0x302: {  	[sflag:s16] =	ssyncset.done $0x0  }
0x303: {  	s22 =	simm.s32 $0x1500;
	[sflag:s16] =	ssyncadd.s32 $0xFFFFC000  }
0x304: {  	[spmem:s3] =	stream.indirect.scatter.add.f32 [tilespmem:s12], [sflag:$0x6], $0x40, s22, s10, $0xb8;
	[tilespmem:$0x1E400] =	vst v63  }
0x305: {  	_ =	swait.ge [sflag:s18], $0x4000  }
0x306: {  	[sflag:s18] =	ssyncset.done $0x0  }
0x307: {  	s23 =	simm.s32 $0x300;
	[sflag:s18] =	ssyncadd.s32 $0xFFFFC000  }
0x308: {  	[tilespmem:s12], [sflag:$0x4] =	stream.indirect.gather [spmem:s2], $0x40, s23, s10, $0xb8;
	[tilespmem:$0x1E400] =	vst v63  }
0x309: {  	_ =	swait.ge [sflag:s13], $0x4000  }
0x30a: {  	[sflag:s13] =	ssyncset.done $0x0  }
0x30b: {  	s24 =	simm.s32 $0x1600;
	[sflag:s13] =	ssyncadd.s32 $0xFFFFC000  }
0x30c: {  	[spmem:s3] =	stream.indirect.scatter.add.f32 [tilespmem:s11], [sflag:$0x5], $0x40, s24, s10, $0xb8;
	[tilespmem:$0x1E400] =	vst v63  }
0x30d: {  	_ =	swait.ge [sflag:s14], $0x4000  }
0x30e: {  	[sflag:s14] =	ssyncset.done $0x0  }
0x30f: {  	s25 =	simm.s32 $0x400;
	[sflag:s14] =	ssyncadd.s32 $0xFFFFC000  }
0x310: {  	[tilespmem:s11], [sflag:$0x3] =	stream.indirect.gather [spmem:s2], $0x40, s25, s10, $0xb8;
	[tilespmem:$0x1E400] =	vst v63  }
0x311: {  	_ =	swait.ge [sflag:s16], $0x4000  }
0x312: {  	[sflag:s16] =	ssyncset.done $0x0  }
0x313: {  	s26 =	simm.s32 $0x1700;
	[sflag:s16] =	ssyncadd.s32 $0xFFFFC000  }
0x314: {  	[spmem:s3] =	stream.indirect.scatter.add.f32 [tilespmem:s12], [sflag:$0x6], $0x40, s26, s10, $0xb8;
	[tilespmem:$0x1E400] =	vst v63  }
0x315: {  	_ =	swait.ge [sflag:s18], $0x4000  }
0x316: {  	[sflag:s18] =	ssyncset.done $0x0  }
0x317: {  	s28 =	simm.s32 $0x500;
	[sflag:s18] =	ssyncadd.s32 $0xFFFFC000  }
0x318: {  	[tilespmem:s12], [sflag:$0x4] =	stream.indirect.gather [spmem:s2], $0x40, s28, s10, $0xb8;
	[tilespmem:$0x1E400] =	vst v63  }
0x319: {  	_ =	swait.ge [sflag:s13], $0x4000  }
0x31a: {  	[sflag:s13] =	ssyncset.done $0x0  }
0x31b: {  	s29 =	simm.s32 $0x1800;
	[sflag:s13] =	ssyncadd.s32 $0xFFFFC000  }
0x31c: {  	[spmem:s3] =	stream.indirect.scatter.add.f32 [tilespmem:s11], [sflag:$0x5], $0x40, s29, s10, $0xb8;
	[tilespmem:$0x1E400] =	vst v63  }
0x31d: {  	_ =	swait.ge [sflag:s14], $0x4000  }
0x31e: {  	[sflag:s14] =	ssyncset.done $0x0  }
0x31f: {  	s30 =	simm.s32 $0x600;
	[sflag:s14] =	ssyncadd.s32 $0xFFFFC000  }
0x320: {  	[tilespmem:s11], [sflag:$0x3] =	stream.indirect.gather [spmem:s2], $0x40, s30, s10, $0xb8;
	[tilespmem:$0x1E400] =	vst v63  }
0x321: {  	_ =	swait.ge [sflag:s16], $0x4000  }
0x322: {  	[sflag:s16] =	ssyncset.done $0x0  }
0x323: {  	s31 =	simm.s32 $0x1900;
	[sflag:s16] =	ssyncadd.s32 $0xFFFFC000  }
0x324: {  	[spmem:s3] =	stream.indirect.scatter.add.f32 [tilespmem:s12], [sflag:$0x6], $0x40, s31, s10, $0xb8;
	[tilespmem:$0x1E400] =	vst v63  }
0x325: {  	_ =	swait.ge [sflag:s18], $0x4000  }
0x326: {  	[sflag:s18] =	ssyncset.done $0x0  }
0x327: {  	s5 =	simm.s32 $0x700;
	[sflag:s18] =	ssyncadd.s32 $0xFFFFC000  }
0x328: {  	[tilespmem:s12], [sflag:$0x4] =	stream.indirect.gather [spmem:s2], $0x40, s5, s10, $0xb8;
	[tilespmem:$0x1E400] =	vst v63  }
0x329: {  	_ =	swait.ge [sflag:s13], $0x4000  }
0x32a: {  	[sflag:s13] =	ssyncset.done $0x0  }
0x32b: {  	s7 =	simm.s32 $0x1A00;
	[sflag:s13] =	ssyncadd.s32 $0xFFFFC000  }
0x32c: {  	[spmem:s3] =	stream.indirect.scatter.add.f32 [tilespmem:s11], [sflag:$0x5], $0x40, s7, s10, $0xb8;
	[tilespmem:$0x1E400] =	vst v63  }
0x32d: {  	_ =	swait.ge [sflag:s14], $0x4000  }
0x32e: {  	[sflag:s14] =	ssyncset.done $0x0  }
0x32f: {  	s8 =	simm.s32 $0x800;
	[sflag:s14] =	ssyncadd.s32 $0xFFFFC000  }
0x330: {  	[tilespmem:s11], [sflag:$0x3] =	stream.indirect.gather [spmem:s2], $0x40, s8, s10, $0xb8;
	[tilespmem:$0x1E400] =	vst v63  }
0x331: {  	_ =	swait.ge [sflag:s16], $0x4000  }
0x332: {  	[sflag:s16] =	ssyncset.done $0x0  }
0x333: {  	s15 =	simm.s32 $0x1B00;
	[sflag:s16] =	ssyncadd.s32 $0xFFFFC000  }
0x334: {  	[spmem:s3] =	stream.indirect.scatter.add.f32 [tilespmem:s12], [sflag:$0x6], $0x40, s15, s10, $0xb8;
	[tilespmem:$0x1E400] =	vst v63  }
0x335: {  	_ =	swait.ge [sflag:s18], $0x4000  }
0x336: {  	[sflag:s18] =	ssyncset.done $0x0  }
0x337: {  	s17 =	simm.s32 $0x900;
	[sflag:s18] =	ssyncadd.s32 $0xFFFFC000  }
0x338: {  	[tilespmem:s12], [sflag:$0x4] =	stream.indirect.gather [spmem:s2], $0x40, s17, s10, $0xb8;
	[tilespmem:$0x1E400] =	vst v63  }
0x339: {  	_ =	swait.ge [sflag:s13], $0x4000  }
0x33a: {  	[sflag:s13] =	ssyncset.done $0x0  }
0x33b: {  	s19 =	simm.s32 $0x1C00;
	[sflag:s13] =	ssyncadd.s32 $0xFFFFC000  }
0x33c: {  	[spmem:s3] =	stream.indirect.scatter.add.f32 [tilespmem:s11], [sflag:$0x5], $0x40, s19, s10, $0xb8;
	[tilespmem:$0x1E400] =	vst v63  }
0x33d: {  	_ =	swait.ge [sflag:s14], $0x4000  }
0x33e: {  	[sflag:s14] =	ssyncset.done $0x0  }
0x33f: {  	s20 =	simm.s32 $0xA00;
	[sflag:s14] =	ssyncadd.s32 $0xFFFFC000  }
0x340: {  	[tilespmem:s11], [sflag:$0x3] =	stream.indirect.gather [spmem:s2], $0x40, s20, s10, $0xb8;
	[tilespmem:$0x1E400] =	vst v63  }
0x341: {  	_ =	swait.ge [sflag:s16], $0x4000  }
0x342: {  	[sflag:s16] =	ssyncset.done $0x0  }
0x343: {  	s21 =	simm.s32 $0x1D00;
	[sflag:s16] =	ssyncadd.s32 $0xFFFFC000  }
0x344: {  	[spmem:s3] =	stream.indirect.scatter.add.f32 [tilespmem:s12], [sflag:$0x6], $0x40, s21, s10, $0xb8;
	[tilespmem:$0x1E400] =	vst v63  }
0x345: {  	_ =	swait.ge [sflag:s18], $0x4000  }
0x346: {  	[sflag:s18] =	ssyncset.done $0x0  }
0x347: {  	s22 =	simm.s32 $0xB00;
	[sflag:s18] =	ssyncadd.s32 $0xFFFFC000  }
0x348: {  	[tilespmem:s12], [sflag:$0x4] =	stream.indirect.gather [spmem:s2], $0x40, s22, s10, $0xb8;
	[tilespmem:$0x1E400] =	vst v63  }
0x349: {  	_ =	swait.ge [sflag:s13], $0x4000  }
0x34a: {  	[sflag:s13] =	ssyncset.done $0x0  }
0x34b: {  	s23 =	simm.s32 $0x1E00;
	[sflag:s13] =	ssyncadd.s32 $0xFFFFC000  }
0x34c: {  	[spmem:s3] =	stream.indirect.scatter.add.f32 [tilespmem:s11], [sflag:$0x5], $0x40, s23, s10, $0xb8;
	[tilespmem:$0x1E400] =	vst v63  }
0x34d: {  	_ =	swait.ge [sflag:s14], $0x4000  }
0x34e: {  	[sflag:s14] =	ssyncset.done $0x0  }
0x34f: {  	s24 =	simm.s32 $0xC00;
	[sflag:s14] =	ssyncadd.s32 $0xFFFFC000  }
0x350: {  	[tilespmem:s11], [sflag:$0x3] =	stream.indirect.gather [spmem:s2], $0x40, s24, s10, $0xb8;
	[tilespmem:$0x1E400] =	vst v63  }
0x351: {  	_ =	swait.ge [sflag:s16], $0x4000  }
0x352: {  	[sflag:s16] =	ssyncset.done $0x0  }
0x353: {  	s25 =	simm.s32 $0x1F00;
	[sflag:s16] =	ssyncadd.s32 $0xFFFFC000  }
0x354: {  	[spmem:s3] =	stream.indirect.scatter.add.f32 [tilespmem:s12], [sflag:$0x6], $0x40, s25, s10, $0xb8;
	[tilespmem:$0x1E400] =	vst v63  }
0x355: {  	_ =	swait.ge [sflag:s18], $0x4000  }
0x356: {  	[sflag:s18] =	ssyncset.done $0x0  }
0x357: {  	s26 =	simm.s32 $0xD00;
	[sflag:s18] =	ssyncadd.s32 $0xFFFFC000  }
0x358: {  	[tilespmem:s12], [sflag:$0x4] =	stream.indirect.gather [spmem:s2], $0x40, s26, s10, $0xb8;
	[tilespmem:$0x1E400] =	vst v63  }
0x359: {  	_ =	swait.ge [sflag:s13], $0x4000  }
0x35a: {  	[sflag:s13] =	ssyncset.done $0x0  }
0x35b: {  	s28 =	simm.s32 $0x2000;
	[sflag:s13] =	ssyncadd.s32 $0xFFFFC000  }
0x35c: {  	[spmem:s3] =	stream.indirect.scatter.add.f32 [tilespmem:s11], [sflag:$0x5], $0x40, s28, s10, $0xb8;
	[tilespmem:$0x1E400] =	vst v63  }
0x35d: {  	_ =	swait.ge [sflag:s14], $0x4000  }
0x35e: {  	[sflag:s14] =	ssyncset.done $0x0  }
0x35f: {  	s29 =	simm.s32 $0xE00;
	[sflag:s14] =	ssyncadd.s32 $0xFFFFC000  }
0x360: {  	[tilespmem:s11], [sflag:$0x3] =	stream.indirect.gather [spmem:s2], $0x40, s29, s10, $0xb8;
	[tilespmem:$0x1E400] =	vst v63  }
0x361: {  	_ =	swait.ge [sflag:s16], $0x4000  }
0x362: {  	[sflag:s16] =	ssyncset.done $0x0  }
0x363: {  	s30 =	simm.s32 $0x2100;
	[sflag:s16] =	ssyncadd.s32 $0xFFFFC000  }
0x364: {  	[spmem:s3] =	stream.indirect.scatter.add.f32 [tilespmem:s12], [sflag:$0x6], $0x40, s30, s10, $0xb8;
	[tilespmem:$0x1E400] =	vst v63  }
0x365: {  	_ =	swait.ge [sflag:s18], $0x4000  }
0x366: {  	[sflag:s18] =	ssyncset.done $0x0  }
0x367: {  	s31 =	simm.s32 $0xF00;
	[sflag:s18] =	ssyncadd.s32 $0xFFFFC000  }
0x368: {  	[tilespmem:s12], [sflag:$0x4] =	stream.indirect.gather [spmem:s2], $0x40, s31, s10, $0xb8;
	[tilespmem:$0x1E400] =	vst v63  }
0x369: {  	_ =	swait.ge [sflag:s13], $0x4000  }
0x36a: {  	[sflag:s13] =	ssyncset.done $0x0  }
0x36b: {  	s1 =	simm.s32 $0x2200;
	[sflag:s13] =	ssyncadd.s32 $0xFFFFC000  }
0x36c: {  	[spmem:s3] =	stream.indirect.scatter.add.f32 [tilespmem:s11], [sflag:$0x5], $0x40, s1, s10, $0xb8;
	[tilespmem:$0x1E400] =	vst v63  }
0x36d: {  	_ =	swait.ge [sflag:s14], $0x4000  }
0x36e: {  	[sflag:s14] =	ssyncset.done $0x0  }
0x36f: {  	s8 =	simm.s32 $0x1000;
	[sflag:s14] =	ssyncadd.s32 $0xFFFFC000  }
0x370: {  	[tilespmem:s11], [sflag:$0x3] =	stream.indirect.gather [spmem:s2], $0x40, s8, s10, $0xb8;
	[tilespmem:$0x1E400] =	vst v63  }
0x371: {  	_ =	swait.ge [sflag:s16], $0x4000  }
0x372: {  	[sflag:s16] =	ssyncset.done $0x0  }
0x373: {  	s17 =	simm.s32 $0x2300;
	[sflag:s16] =	ssyncadd.s32 $0xFFFFC000  }
0x374: {  	[spmem:s3] =	stream.indirect.scatter.add.f32 [tilespmem:s12], [sflag:$0x6], $0x40, s17, s10, $0xb8;
	[tilespmem:$0x1E400] =	vst v63  }
0x375: {  	_ =	swait.ge [sflag:s18], $0x4000  }
0x376: {  	[sflag:s18] =	ssyncset.done $0x0  }
0x377: {  	s19 =	simm.s32 $0x1100;
	[sflag:s18] =	ssyncadd.s32 $0xFFFFC000  }
0x378: {  	[tilespmem:s12], [sflag:$0x4] =	stream.indirect.gather [spmem:s2], $0x40, s19, s10, $0xb8;
	[tilespmem:$0x1E400] =	vst v63  }
0x379: {  	_ =	swait.ge [sflag:s13], $0x4000  }
0x37a: {  	[sflag:s13] =	ssyncset.done $0x0  }
0x37b: {  	s20 =	simm.s32 $0x2400;
	[sflag:s13] =	ssyncadd.s32 $0xFFFFC000  }
0x37c: {  	[spmem:s3] =	stream.indirect.scatter.add.f32 [tilespmem:s11], [sflag:$0x5], $0x40, s20, s10, $0xb8;
	[tilespmem:$0x1E400] =	vst v63  }
0x37d: {  	_ =	swait.ge [sflag:s14], $0x4000  }
0x37e: {  	[sflag:s14] =	ssyncset.done $0x0  }
0x37f: {  	s21 =	simm.s32 $0x1200;
	[sflag:s14] =	ssyncadd.s32 $0xFFFFC000  }
0x380: {  	[tilespmem:s11], [sflag:$0x3] =	stream.indirect.gather [spmem:s2], $0x40, s21, s10, $0xb8;
	[tilespmem:$0x1E400] =	vst v63  }
0x381: {  	_ =	swait.ge [sflag:s16], $0x4000  }
0x382: {  	[sflag:s16] =	ssyncset.done $0x0  }
0x383: {  	s22 =	simm.s32 $0x2500;
	[sflag:s16] =	ssyncadd.s32 $0xFFFFC000  }
0x384: {  	[spmem:s3] =	stream.indirect.scatter.add.f32 [tilespmem:s12], [sflag:$0x6], $0x40, s22, s10, $0xb8;
	[tilespmem:$0x1E400] =	vst v63  }
0x385: {  	_ =	swait.ge [sflag:s18], $0x4000  }
0x386: {  	[sflag:s18] =	ssyncset.done $0x0  }
0x387: {  	s23 =	simm.s32 $0x1300;
	[sflag:s18] =	ssyncadd.s32 $0xFFFFC000  }
0x388: {  	[tilespmem:s12], [sflag:$0x4] =	stream.indirect.gather [spmem:s2], $0x40, s23, s10, $0xb8;
	[tilespmem:$0x1E400] =	vst v63  }
0x389: {  	_ =	swait.ge [sflag:s13], $0x4000  }
0x38a: {  	[sflag:s13] =	ssyncset.done $0x0  }
0x38b: {  	s24 =	simm.s32 $0x2600;
	[sflag:s13] =	ssyncadd.s32 $0xFFFFC000  }
0x38c: {  	[spmem:s3] =	stream.indirect.scatter.add.f32 [tilespmem:s11], [sflag:$0x5], $0x40, s24, s10, $0xb8;
	[tilespmem:$0x1E400] =	vst v63  }
0x38d: {  	_ =	swait.ge [sflag:s16], $0x4000  }
0x38e: {  	[sflag:s16] =	ssyncset.done $0x0  }
0x38f: {  	s25 =	simm.s32 $0x2700;
	[sflag:s16] =	ssyncadd.s32 $0xFFFFC000  }
0x390: {  	[spmem:s3] =	stream.indirect.scatter.add.f32 [tilespmem:s12], [sflag:$0x6], $0x40, s25, s10, $0xb8;
	[tilespmem:$0x1E400] =	vst v63  }
0x391: {  	_ =	swait.ge [sflag:s14], $0x4000  }
0x392: {  	[sflag:s14] =	ssyncset.done $0x0  }
0x393: {  	[sflag:s14] =	ssyncadd.s32 $0xFFFFC000  }
0x394: {  	_ =	swait.ge [sflag:s18], $0x4000  }
0x395: {  	[sflag:s18] =	ssyncset.done $0x0  }
0x396: {  	s26 =	rddreg [dreg:$0xa];
	[sflag:s18] =	ssyncadd.s32 $0xFFFFC000  }
0x397: {  	[tilespmem:s0], [sflag:$0x7] =	stream.linear.gather [hbm4b:s26+s0], $0x1400, $0x38;
	[tilespmem:$0x1E400] =	vst v63  }
0x398: {  	_ =	swait.ge [sflag:s6], $0x1400  }
0x399: {  	[sflag:s6] =	ssyncset.done $0x0  }
0x39a: {  	s28 =	rddreg [dreg:$0xb];
	[sflag:s6] =	ssyncadd.s32 $0xFFFFEC00  }
0x39b: {  	[tilespmem:s4], [sflag:$0x7] =	stream.linear.gather [hbm4b:s28+s0], $0x1400, $0x38;
	[tilespmem:$0x1E400] =	vst v63  }
0x39c: {  	_ =	swait.ge [sflag:s6], $0x1400  }
0x39d: {  	[sflag:s6] =	ssyncset.done $0x0  }
0x39e: {  	[sflag:s6] =	ssyncadd.s32 $0xFFFFEC00  }
0x39f: {  	[tilespmem:s11], [sflag:$0x3] =	stream.indirect.gather [spmem:s2], $0x40, s0, s10, $0xb8;
	[tilespmem:$0x1E400] =	vst v63  }
0x3a0: {  	_ = 	snop  }
0x3a1: {  	[tilespmem:s12], [sflag:$0x4] =	stream.indirect.gather [spmem:s2], $0x40, s10, s10, $0xb8;
	[tilespmem:$0x1E400] =	vst v63  }
0x3a2: {  	_ =	swait.ge [sflag:s13], $0x4000  }
0x3a3: {  	[sflag:s13] =	ssyncset.done $0x0  }
0x3a4: {  	[sflag:s13] =	ssyncadd.s32 $0xFFFFC000  }
0x3a5: {  	[spmem:s3] =	stream.indirect.scatter.add.f32 [tilespmem:s11], [sflag:$0x5], $0x40, s4, s10, $0xb8;
	[tilespmem:$0x1E400] =	vst v63  }
0x3a6: {  	_ =	swait.ge [sflag:s14], $0x4000  }
0x3a7: {  	[sflag:s14] =	ssyncset.done $0x0  }
0x3a8: {  	s8 =	simm.s32 $0x200;
	[sflag:s14] =	ssyncadd.s32 $0xFFFFC000  }
0x3a9: {  	[tilespmem:s11], [sflag:$0x3] =	stream.indirect.gather [spmem:s2], $0x40, s8, s10, $0xb8;
	[tilespmem:$0x1E400] =	vst v63  }
0x3aa: {  	_ =	swait.ge [sflag:s16], $0x4000  }
0x3ab: {  	[sflag:s16] =	ssyncset.done $0x0  }
0x3ac: {  	s17 =	simm.s32 $0x1500;
	[sflag:s16] =	ssyncadd.s32 $0xFFFFC000  }
0x3ad: {  	[spmem:s3] =	stream.indirect.scatter.add.f32 [tilespmem:s12], [sflag:$0x6], $0x40, s17, s10, $0xb8;
	[tilespmem:$0x1E400] =	vst v63  }
0x3ae: {  	_ =	swait.ge [sflag:s18], $0x4000  }
0x3af: {  	[sflag:s18] =	ssyncset.done $0x0  }
0x3b0: {  	s19 =	simm.s32 $0x300;
	[sflag:s18] =	ssyncadd.s32 $0xFFFFC000  }
0x3b1: {  	[tilespmem:s12], [sflag:$0x4] =	stream.indirect.gather [spmem:s2], $0x40, s19, s10, $0xb8;
	[tilespmem:$0x1E400] =	vst v63  }
0x3b2: {  	_ =	swait.ge [sflag:s13], $0x4000  }
0x3b3: {  	[sflag:s13] =	ssyncset.done $0x0  }
0x3b4: {  	s20 =	simm.s32 $0x1600;
	[sflag:s13] =	ssyncadd.s32 $0xFFFFC000  }
0x3b5: {  	[spmem:s3] =	stream.indirect.scatter.add.f32 [tilespmem:s11], [sflag:$0x5], $0x40, s20, s10, $0xb8;
	[tilespmem:$0x1E400] =	vst v63  }
0x3b6: {  	_ =	swait.ge [sflag:s14], $0x4000  }
0x3b7: {  	[sflag:s14] =	ssyncset.done $0x0  }
0x3b8: {  	s21 =	simm.s32 $0x400;
	[sflag:s14] =	ssyncadd.s32 $0xFFFFC000  }
0x3b9: {  	[tilespmem:s11], [sflag:$0x3] =	stream.indirect.gather [spmem:s2], $0x40, s21, s10, $0xb8;
	[tilespmem:$0x1E400] =	vst v63  }
0x3ba: {  	_ =	swait.ge [sflag:s16], $0x4000  }
0x3bb: {  	[sflag:s16] =	ssyncset.done $0x0  }
0x3bc: {  	s22 =	simm.s32 $0x1700;
	[sflag:s16] =	ssyncadd.s32 $0xFFFFC000  }
0x3bd: {  	[spmem:s3] =	stream.indirect.scatter.add.f32 [tilespmem:s12], [sflag:$0x6], $0x40, s22, s10, $0xb8;
	[tilespmem:$0x1E400] =	vst v63  }
0x3be: {  	_ =	swait.ge [sflag:s18], $0x4000  }
0x3bf: {  	[sflag:s18] =	ssyncset.done $0x0  }
0x3c0: {  	s23 =	simm.s32 $0x500;
	[sflag:s18] =	ssyncadd.s32 $0xFFFFC000  }
0x3c1: {  	[tilespmem:s12], [sflag:$0x4] =	stream.indirect.gather [spmem:s2], $0x40, s23, s10, $0xb8;
	[tilespmem:$0x1E400] =	vst v63  }
0x3c2: {  	_ =	swait.ge [sflag:s13], $0x4000  }
0x3c3: {  	[sflag:s13] =	ssyncset.done $0x0  }
0x3c4: {  	s24 =	simm.s32 $0x1800;
	[sflag:s13] =	ssyncadd.s32 $0xFFFFC000  }
0x3c5: {  	[spmem:s3] =	stream.indirect.scatter.add.f32 [tilespmem:s11], [sflag:$0x5], $0x40, s24, s10, $0xb8;
	[tilespmem:$0x1E400] =	vst v63  }
0x3c6: {  	_ =	swait.ge [sflag:s14], $0x4000  }
0x3c7: {  	[sflag:s14] =	ssyncset.done $0x0  }
0x3c8: {  	s25 =	simm.s32 $0x600;
	[sflag:s14] =	ssyncadd.s32 $0xFFFFC000  }
0x3c9: {  	[tilespmem:s11], [sflag:$0x3] =	stream.indirect.gather [spmem:s2], $0x40, s25, s10, $0xb8;
	[tilespmem:$0x1E400] =	vst v63  }
0x3ca: {  	_ =	swait.ge [sflag:s16], $0x4000  }
0x3cb: {  	[sflag:s16] =	ssyncset.done $0x0  }
0x3cc: {  	s26 =	simm.s32 $0x1900;
	[sflag:s16] =	ssyncadd.s32 $0xFFFFC000  }
0x3cd: {  	[spmem:s3] =	stream.indirect.scatter.add.f32 [tilespmem:s12], [sflag:$0x6], $0x40, s26, s10, $0xb8;
	[tilespmem:$0x1E400] =	vst v63  }
0x3ce: {  	_ =	swait.ge [sflag:s18], $0x4000  }
0x3cf: {  	[sflag:s18] =	ssyncset.done $0x0  }
0x3d0: {  	s28 =	simm.s32 $0x700;
	[sflag:s18] =	ssyncadd.s32 $0xFFFFC000  }
0x3d1: {  	[tilespmem:s12], [sflag:$0x4] =	stream.indirect.gather [spmem:s2], $0x40, s28, s10, $0xb8;
	[tilespmem:$0x1E400] =	vst v63  }
0x3d2: {  	_ =	swait.ge [sflag:s13], $0x4000  }
0x3d3: {  	[sflag:s13] =	ssyncset.done $0x0  }
0x3d4: {  	s1 =	simm.s32 $0x1A00;
	[sflag:s13] =	ssyncadd.s32 $0xFFFFC000  }
0x3d5: {  	[spmem:s3] =	stream.indirect.scatter.add.f32 [tilespmem:s11], [sflag:$0x5], $0x40, s1, s10, $0xb8;
	[tilespmem:$0x1E400] =	vst v63  }
0x3d6: {  	_ =	swait.ge [sflag:s14], $0x4000  }
0x3d7: {  	[sflag:s14] =	ssyncset.done $0x0  }
0x3d8: {  	s7 =	simm.s32 $0x800;
	[sflag:s14] =	ssyncadd.s32 $0xFFFFC000  }
0x3d9: {  	[tilespmem:s11], [sflag:$0x3] =	stream.indirect.gather [spmem:s2], $0x40, s7, s10, $0xb8;
	[tilespmem:$0x1E400] =	vst v63  }
0x3da: {  	_ =	swait.ge [sflag:s16], $0x4000  }
0x3db: {  	[sflag:s16] =	ssyncset.done $0x0  }
0x3dc: {  	s7 =	simm.s32 $0x1B00;
	[sflag:s16] =	ssyncadd.s32 $0xFFFFC000  }
0x3dd: {  	[spmem:s3] =	stream.indirect.scatter.add.f32 [tilespmem:s12], [sflag:$0x6], $0x40, s7, s10, $0xb8;
	[tilespmem:$0x1E400] =	vst v63  }
0x3de: {  	_ =	swait.ge [sflag:s18], $0x4000  }
0x3df: {  	[sflag:s18] =	ssyncset.done $0x0  }
0x3e0: {  	s5 =	simm.s32 $0x900;
	[sflag:s18] =	ssyncadd.s32 $0xFFFFC000  }
0x3e1: {  	[tilespmem:s12], [sflag:$0x4] =	stream.indirect.gather [spmem:s2], $0x40, s5, s10, $0xb8;
	[tilespmem:$0x1E400] =	vst v63  }
0x3e2: {  	_ =	swait.ge [sflag:s13], $0x4000  }
0x3e3: {  	[sflag:s13] =	ssyncset.done $0x0  }
0x3e4: {  	s5 =	simm.s32 $0x1C00;
	[sflag:s13] =	ssyncadd.s32 $0xFFFFC000  }
0x3e5: {  	[spmem:s3] =	stream.indirect.scatter.add.f32 [tilespmem:s11], [sflag:$0x5], $0x40, s5, s10, $0xb8;
	[tilespmem:$0x1E400] =	vst v63  }
0x3e6: {  	_ =	swait.ge [sflag:s14], $0x4000  }
0x3e7: {  	[sflag:s14] =	ssyncset.done $0x0  }
0x3e8: {  	s15 =	simm.s32 $0xA00;
	[sflag:s14] =	ssyncadd.s32 $0xFFFFC000  }
0x3e9: {  	[tilespmem:s11], [sflag:$0x3] =	stream.indirect.gather [spmem:s2], $0x40, s15, s10, $0xb8;
	[tilespmem:$0x1E400] =	vst v63  }
0x3ea: {  	_ =	swait.ge [sflag:s16], $0x4000  }
0x3eb: {  	[sflag:s16] =	ssyncset.done $0x0  }
0x3ec: {  	s15 =	simm.s32 $0x1D00;
	[sflag:s16] =	ssyncadd.s32 $0xFFFFC000  }
0x3ed: {  	[spmem:s3] =	stream.indirect.scatter.add.f32 [tilespmem:s12], [sflag:$0x6], $0x40, s15, s10, $0xb8;
	[tilespmem:$0x1E400] =	vst v63  }
0x3ee: {  	_ =	swait.ge [sflag:s18], $0x4000  }
0x3ef: {  	[sflag:s18] =	ssyncset.done $0x0  }
0x3f0: {  	s15 =	simm.s32 $0xB00;
	[sflag:s18] =	ssyncadd.s32 $0xFFFFC000  }
0x3f1: {  	[tilespmem:s12], [sflag:$0x4] =	stream.indirect.gather [spmem:s2], $0x40, s15, s10, $0xb8;
	[tilespmem:$0x1E400] =	vst v63  }
0x3f2: {  	_ =	swait.ge [sflag:s13], $0x4000  }
0x3f3: {  	[sflag:s13] =	ssyncset.done $0x0  }
0x3f4: {  	s15 =	simm.s32 $0x1E00;
	[sflag:s13] =	ssyncadd.s32 $0xFFFFC000  }
0x3f5: {  	[spmem:s3] =	stream.indirect.scatter.add.f32 [tilespmem:s11], [sflag:$0x5], $0x40, s15, s10, $0xb8;
	[tilespmem:$0x1E400] =	vst v63  }
0x3f6: {  	_ =	swait.ge [sflag:s14], $0x4000  }
0x3f7: {  	[sflag:s14] =	ssyncset.done $0x0  }
0x3f8: {  	s15 =	simm.s32 $0xC00;
	[sflag:s14] =	ssyncadd.s32 $0xFFFFC000  }
0x3f9: {  	[tilespmem:s11], [sflag:$0x3] =	stream.indirect.gather [spmem:s2], $0x40, s15, s10, $0xb8;
	[tilespmem:$0x1E400] =	vst v63  }
0x3fa: {  	_ =	swait.ge [sflag:s16], $0x4000  }
0x3fb: {  	[sflag:s16] =	ssyncset.done $0x0  }
0x3fc: {  	s15 =	simm.s32 $0x1F00;
	[sflag:s16] =	ssyncadd.s32 $0xFFFFC000  }
0x3fd: {  	[spmem:s3] =	stream.indirect.scatter.add.f32 [tilespmem:s12], [sflag:$0x6], $0x40, s15, s10, $0xb8;
	[tilespmem:$0x1E400] =	vst v63  }
0x3fe: {  	_ =	swait.ge [sflag:s18], $0x4000  }
0x3ff: {  	[sflag:s18] =	ssyncset.done $0x0  }
0x400: {  	s15 =	simm.s32 $0xD00;
	[sflag:s18] =	ssyncadd.s32 $0xFFFFC000  }
0x401: {  	[tilespmem:s12], [sflag:$0x4] =	stream.indirect.gather [spmem:s2], $0x40, s15, s10, $0xb8;
	[tilespmem:$0x1E400] =	vst v63  }
0x402: {  	_ =	swait.ge [sflag:s13], $0x4000  }
0x403: {  	[sflag:s13] =	ssyncset.done $0x0  }
0x404: {  	s15 =	simm.s32 $0x2000;
	[sflag:s13] =	ssyncadd.s32 $0xFFFFC000  }
0x405: {  	[spmem:s3] =	stream.indirect.scatter.add.f32 [tilespmem:s11], [sflag:$0x5], $0x40, s15, s10, $0xb8;
	[tilespmem:$0x1E400] =	vst v63  }
0x406: {  	_ =	swait.ge [sflag:s14], $0x4000  }
0x407: {  	[sflag:s14] =	ssyncset.done $0x0  }
0x408: {  	s15 =	simm.s32 $0xE00;
	[sflag:s14] =	ssyncadd.s32 $0xFFFFC000  }
0x409: {  	[tilespmem:s11], [sflag:$0x3] =	stream.indirect.gather [spmem:s2], $0x40, s15, s10, $0xb8;
	[tilespmem:$0x1E400] =	vst v63  }
0x40a: {  	_ =	swait.ge [sflag:s16], $0x4000  }
0x40b: {  	[sflag:s16] =	ssyncset.done $0x0  }
0x40c: {  	s15 =	simm.s32 $0x2100;
	[sflag:s16] =	ssyncadd.s32 $0xFFFFC000  }
0x40d: {  	[spmem:s3] =	stream.indirect.scatter.add.f32 [tilespmem:s12], [sflag:$0x6], $0x40, s15, s10, $0xb8;
	[tilespmem:$0x1E400] =	vst v63  }
0x40e: {  	_ =	swait.ge [sflag:s18], $0x4000  }
0x40f: {  	[sflag:s18] =	ssyncset.done $0x0  }
0x410: {  	s15 =	simm.s32 $0xF00;
	[sflag:s18] =	ssyncadd.s32 $0xFFFFC000  }
0x411: {  	[tilespmem:s12], [sflag:$0x4] =	stream.indirect.gather [spmem:s2], $0x40, s15, s10, $0xb8;
	[tilespmem:$0x1E400] =	vst v63  }
0x412: {  	_ =	swait.ge [sflag:s13], $0x4000  }
0x413: {  	[sflag:s13] =	ssyncset.done $0x0  }
0x414: {  	s15 =	simm.s32 $0x2200;
	[sflag:s13] =	ssyncadd.s32 $0xFFFFC000  }
0x415: {  	[spmem:s3] =	stream.indirect.scatter.add.f32 [tilespmem:s11], [sflag:$0x5], $0x40, s15, s10, $0xb8;
	[tilespmem:$0x1E400] =	vst v63  }
0x416: {  	_ =	swait.ge [sflag:s14], $0x4000  }
0x417: {  	[sflag:s14] =	ssyncset.done $0x0  }
0x418: {  	s15 =	simm.s32 $0x1000;
	[sflag:s14] =	ssyncadd.s32 $0xFFFFC000  }
0x419: {  	[tilespmem:s11], [sflag:$0x3] =	stream.indirect.gather [spmem:s2], $0x40, s15, s10, $0xb8;
	[tilespmem:$0x1E400] =	vst v63  }
0x41a: {  	_ =	swait.ge [sflag:s16], $0x4000  }
0x41b: {  	[sflag:s16] =	ssyncset.done $0x0  }
0x41c: {  	s15 =	simm.s32 $0x2300;
	[sflag:s16] =	ssyncadd.s32 $0xFFFFC000  }
0x41d: {  	[spmem:s3] =	stream.indirect.scatter.add.f32 [tilespmem:s12], [sflag:$0x6], $0x40, s15, s10, $0xb8;
	[tilespmem:$0x1E400] =	vst v63  }
0x41e: {  	_ =	swait.ge [sflag:s18], $0x4000  }
0x41f: {  	[sflag:s18] =	ssyncset.done $0x0  }
0x420: {  	s15 =	simm.s32 $0x1100;
	[sflag:s18] =	ssyncadd.s32 $0xFFFFC000  }
0x421: {  	[tilespmem:s12], [sflag:$0x4] =	stream.indirect.gather [spmem:s2], $0x40, s15, s10, $0xb8;
	[tilespmem:$0x1E400] =	vst v63  }
0x422: {  	_ =	swait.ge [sflag:s13], $0x4000  }
0x423: {  	[sflag:s13] =	ssyncset.done $0x0  }
0x424: {  	s15 =	simm.s32 $0x2400;
	[sflag:s13] =	ssyncadd.s32 $0xFFFFC000  }
0x425: {  	[spmem:s3] =	stream.indirect.scatter.add.f32 [tilespmem:s11], [sflag:$0x5], $0x40, s15, s10, $0xb8;
	[tilespmem:$0x1E400] =	vst v63  }
0x426: {  	_ =	swait.ge [sflag:s14], $0x4000  }
0x427: {  	[sflag:s14] =	ssyncset.done $0x0  }
0x428: {  	s29 =	simm.s32 $0x1200;
	[sflag:s14] =	ssyncadd.s32 $0xFFFFC000  }
0x429: {  	[tilespmem:s11], [sflag:$0x3] =	stream.indirect.gather [spmem:s2], $0x40, s29, s10, $0xb8;
	[tilespmem:$0x1E400] =	vst v63  }
0x42a: {  	_ =	swait.ge [sflag:s16], $0x4000  }
0x42b: {  	[sflag:s16] =	ssyncset.done $0x0  }
0x42c: {  	s30 =	simm.s32 $0x2500;
	[sflag:s16] =	ssyncadd.s32 $0xFFFFC000  }
0x42d: {  	[spmem:s3] =	stream.indirect.scatter.add.f32 [tilespmem:s12], [sflag:$0x6], $0x40, s30, s10, $0xb8;
	[tilespmem:$0x1E400] =	vst v63  }
0x42e: {  	_ =	swait.ge [sflag:s18], $0x4000  }
0x42f: {  	[sflag:s18] =	ssyncset.done $0x0  }
0x430: {  	s31 =	simm.s32 $0x1300;
	[sflag:s18] =	ssyncadd.s32 $0xFFFFC000  }
0x431: {  	[tilespmem:s12], [sflag:$0x4] =	stream.indirect.gather [spmem:s2], $0x40, s31, s10, $0xb8;
	[tilespmem:$0x1E400] =	vst v63  }
0x432: {  	_ =	swait.ge [sflag:s13], $0x4000  }
0x433: {  	[sflag:s13] =	ssyncset.done $0x0  }
0x434: {  	s31 =	simm.s32 $0x2600;
	[sflag:s13] =	ssyncadd.s32 $0xFFFFC000  }
0x435: {  	[spmem:s3] =	stream.indirect.scatter.add.f32 [tilespmem:s11], [sflag:$0x5], $0x40, s31, s10, $0xb8;
	[tilespmem:$0x1E400] =	vst v63  }
0x436: {  	_ =	swait.ge [sflag:s16], $0x4000  }
0x437: {  	[sflag:s16] =	ssyncset.done $0x0  }
0x438: {  	s29 =	simm.s32 $0x2700;
	[sflag:s16] =	ssyncadd.s32 $0xFFFFC000  }
0x439: {  	[spmem:s3] =	stream.indirect.scatter.add.f32 [tilespmem:s12], [sflag:$0x6], $0x40, s29, s10, $0xb8;
	[tilespmem:$0x1E400] =	vst v63  }
0x43a: {  	_ =	swait.ge [sflag:s14], $0x4000  }
0x43b: {  	[sflag:s14] =	ssyncset.done $0x0  }
0x43c: {  	[sflag:s14] =	ssyncadd.s32 $0xFFFFC000  }
0x43d: {  	_ =	swait.ge [sflag:s18], $0x4000  }
0x43e: {  	[sflag:s18] =	ssyncset.done $0x0  }
0x43f: {  	s30 =	rddreg [dreg:$0xc];
	[sflag:s18] =	ssyncadd.s32 $0xFFFFC000  }
0x440: {  	[tilespmem:s0], [sflag:$0x7] =	stream.linear.gather [hbm4b:s30+s0], $0x1400, $0x38;
	[tilespmem:$0x1E400] =	vst v63  }
0x441: {  	_ =	swait.ge [sflag:s6], $0x1400  }
0x442: {  	[sflag:s6] =	ssyncset.done $0x0  }
0x443: {  	s31 =	rddreg [dreg:$0xd];
	[sflag:s6] =	ssyncadd.s32 $0xFFFFEC00  }
0x444: {  	[tilespmem:s4], [sflag:$0x7] =	stream.linear.gather [hbm4b:s31+s0], $0x1400, $0x38;
	[tilespmem:$0x1E400] =	vst v63  }
0x445: {  	_ =	swait.ge [sflag:s6], $0x1400  }
0x446: {  	[sflag:s6] =	ssyncset.done $0x0  }
0x447: {  	[sflag:s6] =	ssyncadd.s32 $0xFFFFEC00  }
0x448: {  	[tilespmem:s11], [sflag:$0x3] =	stream.indirect.gather [spmem:s2], $0x40, s0, s10, $0xb8;
	[tilespmem:$0x1E400] =	vst v63  }
0x449: {  	_ = 	snop  }
0x44a: {  	[tilespmem:s12], [sflag:$0x4] =	stream.indirect.gather [spmem:s2], $0x40, s10, s10, $0xb8;
	[tilespmem:$0x1E400] =	vst v63  }
0x44b: {  	_ =	swait.ge [sflag:s13], $0x4000  }
0x44c: {  	[sflag:s13] =	ssyncset.done $0x0  }
0x44d: {  	[sflag:s13] =	ssyncadd.s32 $0xFFFFC000  }
0x44e: {  	[spmem:s3] =	stream.indirect.scatter.add.f32 [tilespmem:s11], [sflag:$0x5], $0x40, s4, s10, $0xb8;
	[tilespmem:$0x1E400] =	vst v63  }
0x44f: {  	_ =	swait.ge [sflag:s14], $0x4000  }
0x450: {  	[sflag:s14] =	ssyncset.done $0x0  }
0x451: {  	[sflag:s14] =	ssyncadd.s32 $0xFFFFC000  }
0x452: {  	[tilespmem:s11], [sflag:$0x3] =	stream.indirect.gather [spmem:s2], $0x40, s8, s10, $0xb8;
	[tilespmem:$0x1E400] =	vst v63  }
0x453: {  	_ =	swait.ge [sflag:s16], $0x4000  }
0x454: {  	[sflag:s16] =	ssyncset.done $0x0  }
0x455: {  	[sflag:s16] =	ssyncadd.s32 $0xFFFFC000  }
0x456: {  	[spmem:s3] =	stream.indirect.scatter.add.f32 [tilespmem:s12], [sflag:$0x6], $0x40, s17, s10, $0xb8;
	[tilespmem:$0x1E400] =	vst v63  }
0x457: {  	_ =	swait.ge [sflag:s18], $0x4000  }
0x458: {  	[sflag:s18] =	ssyncset.done $0x0  }
0x459: {  	[sflag:s18] =	ssyncadd.s32 $0xFFFFC000  }
0x45a: {  	[tilespmem:s12], [sflag:$0x4] =	stream.indirect.gather [spmem:s2], $0x40, s19, s10, $0xb8;
	[tilespmem:$0x1E400] =	vst v63  }
0x45b: {  	_ =	swait.ge [sflag:s13], $0x4000  }
0x45c: {  	[sflag:s13] =	ssyncset.done $0x0  }
0x45d: {  	[sflag:s13] =	ssyncadd.s32 $0xFFFFC000  }
0x45e: {  	[spmem:s3] =	stream.indirect.scatter.add.f32 [tilespmem:s11], [sflag:$0x5], $0x40, s20, s10, $0xb8;
	[tilespmem:$0x1E400] =	vst v63  }
0x45f: {  	_ =	swait.ge [sflag:s14], $0x4000  }
0x460: {  	[sflag:s14] =	ssyncset.done $0x0  }
0x461: {  	[sflag:s14] =	ssyncadd.s32 $0xFFFFC000  }
0x462: {  	[tilespmem:s11], [sflag:$0x3] =	stream.indirect.gather [spmem:s2], $0x40, s21, s10, $0xb8;
	[tilespmem:$0x1E400] =	vst v63  }
0x463: {  	_ =	swait.ge [sflag:s16], $0x4000  }
0x464: {  	[sflag:s16] =	ssyncset.done $0x0  }
0x465: {  	[sflag:s16] =	ssyncadd.s32 $0xFFFFC000  }
0x466: {  	[spmem:s3] =	stream.indirect.scatter.add.f32 [tilespmem:s12], [sflag:$0x6], $0x40, s22, s10, $0xb8;
	[tilespmem:$0x1E400] =	vst v63  }
0x467: {  	_ =	swait.ge [sflag:s18], $0x4000  }
0x468: {  	[sflag:s18] =	ssyncset.done $0x0  }
0x469: {  	[sflag:s18] =	ssyncadd.s32 $0xFFFFC000  }
0x46a: {  	[tilespmem:s12], [sflag:$0x4] =	stream.indirect.gather [spmem:s2], $0x40, s23, s10, $0xb8;
	[tilespmem:$0x1E400] =	vst v63  }
0x46b: {  	_ =	swait.ge [sflag:s13], $0x4000  }
0x46c: {  	[sflag:s13] =	ssyncset.done $0x0  }
0x46d: {  	[sflag:s13] =	ssyncadd.s32 $0xFFFFC000  }
0x46e: {  	[spmem:s3] =	stream.indirect.scatter.add.f32 [tilespmem:s11], [sflag:$0x5], $0x40, s24, s10, $0xb8;
	[tilespmem:$0x1E400] =	vst v63  }
0x46f: {  	_ =	swait.ge [sflag:s14], $0x4000  }
0x470: {  	[sflag:s14] =	ssyncset.done $0x0  }
0x471: {  	[sflag:s14] =	ssyncadd.s32 $0xFFFFC000  }
0x472: {  	[tilespmem:s11], [sflag:$0x3] =	stream.indirect.gather [spmem:s2], $0x40, s25, s10, $0xb8;
	[tilespmem:$0x1E400] =	vst v63  }
0x473: {  	_ =	swait.ge [sflag:s16], $0x4000  }
0x474: {  	[sflag:s16] =	ssyncset.done $0x0  }
0x475: {  	[sflag:s16] =	ssyncadd.s32 $0xFFFFC000  }
0x476: {  	[spmem:s3] =	stream.indirect.scatter.add.f32 [tilespmem:s12], [sflag:$0x6], $0x40, s26, s10, $0xb8;
	[tilespmem:$0x1E400] =	vst v63  }
0x477: {  	_ =	swait.ge [sflag:s18], $0x4000  }
0x478: {  	[sflag:s18] =	ssyncset.done $0x0  }
0x479: {  	[sflag:s18] =	ssyncadd.s32 $0xFFFFC000  }
0x47a: {  	[tilespmem:s12], [sflag:$0x4] =	stream.indirect.gather [spmem:s2], $0x40, s28, s10, $0xb8;
	[tilespmem:$0x1E400] =	vst v63  }
0x47b: {  	_ =	swait.ge [sflag:s13], $0x4000  }
0x47c: {  	[sflag:s13] =	ssyncset.done $0x0  }
0x47d: {  	[sflag:s13] =	ssyncadd.s32 $0xFFFFC000  }
0x47e: {  	[spmem:s3] =	stream.indirect.scatter.add.f32 [tilespmem:s11], [sflag:$0x5], $0x40, s1, s10, $0xb8;
	[tilespmem:$0x1E400] =	vst v63  }
0x47f: {  	_ =	swait.ge [sflag:s14], $0x4000  }
0x480: {  	[sflag:s14] =	ssyncset.done $0x0  }
0x481: {  	s29 =	simm.s32 $0x800;
	[sflag:s14] =	ssyncadd.s32 $0xFFFFC000  }
0x482: {  	[tilespmem:s11], [sflag:$0x3] =	stream.indirect.gather [spmem:s2], $0x40, s29, s10, $0xb8;
	[tilespmem:$0x1E400] =	vst v63  }
0x483: {  	_ =	swait.ge [sflag:s16], $0x4000  }
0x484: {  	[sflag:s16] =	ssyncset.done $0x0  }
0x485: {  	[sflag:s16] =	ssyncadd.s32 $0xFFFFC000  }
0x486: {  	[spmem:s3] =	stream.indirect.scatter.add.f32 [tilespmem:s12], [sflag:$0x6], $0x40, s7, s10, $0xb8;
	[tilespmem:$0x1E400] =	vst v63  }
0x487: {  	_ =	swait.ge [sflag:s18], $0x4000  }
0x488: {  	[sflag:s18] =	ssyncset.done $0x0  }
0x489: {  	s30 =	simm.s32 $0x900;
	[sflag:s18] =	ssyncadd.s32 $0xFFFFC000  }
0x48a: {  	[tilespmem:s12], [sflag:$0x4] =	stream.indirect.gather [spmem:s2], $0x40, s30, s10, $0xb8;
	[tilespmem:$0x1E400] =	vst v63  }
0x48b: {  	_ =	swait.ge [sflag:s13], $0x4000  }
0x48c: {  	[sflag:s13] =	ssyncset.done $0x0  }
0x48d: {  	[sflag:s13] =	ssyncadd.s32 $0xFFFFC000  }
0x48e: {  	[spmem:s3] =	stream.indirect.scatter.add.f32 [tilespmem:s11], [sflag:$0x5], $0x40, s5, s10, $0xb8;
	[tilespmem:$0x1E400] =	vst v63  }
0x48f: {  	_ =	swait.ge [sflag:s14], $0x4000  }
0x490: {  	[sflag:s14] =	ssyncset.done $0x0  }
0x491: {  	s31 =	simm.s32 $0xA00;
	[sflag:s14] =	ssyncadd.s32 $0xFFFFC000  }
0x492: {  	[tilespmem:s11], [sflag:$0x3] =	stream.indirect.gather [spmem:s2], $0x40, s31, s10, $0xb8;
	[tilespmem:$0x1E400] =	vst v63  }
0x493: {  	_ =	swait.ge [sflag:s16], $0x4000  }
0x494: {  	[sflag:s16] =	ssyncset.done $0x0  }
0x495: {  	s29 =	simm.s32 $0x1D00;
	[sflag:s16] =	ssyncadd.s32 $0xFFFFC000  }
0x496: {  	[spmem:s3] =	stream.indirect.scatter.add.f32 [tilespmem:s12], [sflag:$0x6], $0x40, s29, s10, $0xb8;
	[tilespmem:$0x1E400] =	vst v63  }
0x497: {  	_ =	swait.ge [sflag:s18], $0x4000  }
0x498: {  	[sflag:s18] =	ssyncset.done $0x0  }
0x499: {  	s30 =	simm.s32 $0xB00;
	[sflag:s18] =	ssyncadd.s32 $0xFFFFC000  }
0x49a: {  	[tilespmem:s12], [sflag:$0x4] =	stream.indirect.gather [spmem:s2], $0x40, s30, s10, $0xb8;
	[tilespmem:$0x1E400] =	vst v63  }
0x49b: {  	_ =	swait.ge [sflag:s13], $0x4000  }
0x49c: {  	[sflag:s13] =	ssyncset.done $0x0  }
0x49d: {  	s31 =	simm.s32 $0x1E00;
	[sflag:s13] =	ssyncadd.s32 $0xFFFFC000  }
0x49e: {  	[spmem:s3] =	stream.indirect.scatter.add.f32 [tilespmem:s11], [sflag:$0x5], $0x40, s31, s10, $0xb8;
	[tilespmem:$0x1E400] =	vst v63  }
0x49f: {  	_ =	swait.ge [sflag:s14], $0x4000  }
0x4a0: {  	[sflag:s14] =	ssyncset.done $0x0  }
0x4a1: {  	s15 =	simm.s32 $0xC00;
	[sflag:s14] =	ssyncadd.s32 $0xFFFFC000  }
0x4a2: {  	[tilespmem:s11], [sflag:$0x3] =	stream.indirect.gather [spmem:s2], $0x40, s15, s10, $0xb8;
	[tilespmem:$0x1E400] =	vst v63  }
0x4a3: {  	_ =	swait.ge [sflag:s16], $0x4000  }
0x4a4: {  	[sflag:s16] =	ssyncset.done $0x0  }
0x4a5: {  	s15 =	simm.s32 $0x1F00;
	[sflag:s16] =	ssyncadd.s32 $0xFFFFC000  }
0x4a6: {  	[spmem:s3] =	stream.indirect.scatter.add.f32 [tilespmem:s12], [sflag:$0x6], $0x40, s15, s10, $0xb8;
	[tilespmem:$0x1E400] =	vst v63  }
0x4a7: {  	_ =	swait.ge [sflag:s18], $0x4000  }
0x4a8: {  	[sflag:s18] =	ssyncset.done $0x0  }
0x4a9: {  	s15 =	simm.s32 $0xD00;
	[sflag:s18] =	ssyncadd.s32 $0xFFFFC000  }
0x4aa: {  	[tilespmem:s12], [sflag:$0x4] =	stream.indirect.gather [spmem:s2], $0x40, s15, s10, $0xb8;
	[tilespmem:$0x1E400] =	vst v63  }
0x4ab: {  	_ =	swait.ge [sflag:s13], $0x4000  }
0x4ac: {  	[sflag:s13] =	ssyncset.done $0x0  }
0x4ad: {  	s15 =	simm.s32 $0x2000;
	[sflag:s13] =	ssyncadd.s32 $0xFFFFC000  }
0x4ae: {  	[spmem:s3] =	stream.indirect.scatter.add.f32 [tilespmem:s11], [sflag:$0x5], $0x40, s15, s10, $0xb8;
	[tilespmem:$0x1E400] =	vst v63  }
0x4af: {  	_ =	swait.ge [sflag:s14], $0x4000  }
0x4b0: {  	[sflag:s14] =	ssyncset.done $0x0  }
0x4b1: {  	s15 =	simm.s32 $0xE00;
	[sflag:s14] =	ssyncadd.s32 $0xFFFFC000  }
0x4b2: {  	[tilespmem:s11], [sflag:$0x3] =	stream.indirect.gather [spmem:s2], $0x40, s15, s10, $0xb8;
	[tilespmem:$0x1E400] =	vst v63  }
0x4b3: {  	_ =	swait.ge [sflag:s16], $0x4000  }
0x4b4: {  	[sflag:s16] =	ssyncset.done $0x0  }
0x4b5: {  	s15 =	simm.s32 $0x2100;
	[sflag:s16] =	ssyncadd.s32 $0xFFFFC000  }
0x4b6: {  	[spmem:s3] =	stream.indirect.scatter.add.f32 [tilespmem:s12], [sflag:$0x6], $0x40, s15, s10, $0xb8;
	[tilespmem:$0x1E400] =	vst v63  }
0x4b7: {  	_ =	swait.ge [sflag:s18], $0x4000  }
0x4b8: {  	[sflag:s18] =	ssyncset.done $0x0  }
0x4b9: {  	s15 =	simm.s32 $0xF00;
	[sflag:s18] =	ssyncadd.s32 $0xFFFFC000  }
0x4ba: {  	[tilespmem:s12], [sflag:$0x4] =	stream.indirect.gather [spmem:s2], $0x40, s15, s10, $0xb8;
	[tilespmem:$0x1E400] =	vst v63  }
0x4bb: {  	_ =	swait.ge [sflag:s13], $0x4000  }
0x4bc: {  	[sflag:s13] =	ssyncset.done $0x0  }
0x4bd: {  	s15 =	simm.s32 $0x2200;
	[sflag:s13] =	ssyncadd.s32 $0xFFFFC000  }
0x4be: {  	[spmem:s3] =	stream.indirect.scatter.add.f32 [tilespmem:s11], [sflag:$0x5], $0x40, s15, s10, $0xb8;
	[tilespmem:$0x1E400] =	vst v63  }
0x4bf: {  	_ =	swait.ge [sflag:s14], $0x4000  }
0x4c0: {  	[sflag:s14] =	ssyncset.done $0x0  }
0x4c1: {  	s15 =	simm.s32 $0x1000;
	[sflag:s14] =	ssyncadd.s32 $0xFFFFC000  }
0x4c2: {  	[tilespmem:s11], [sflag:$0x3] =	stream.indirect.gather [spmem:s2], $0x40, s15, s10, $0xb8;
	[tilespmem:$0x1E400] =	vst v63  }
0x4c3: {  	_ =	swait.ge [sflag:s16], $0x4000  }
0x4c4: {  	[sflag:s16] =	ssyncset.done $0x0  }
0x4c5: {  	s15 =	simm.s32 $0x2300;
	[sflag:s16] =	ssyncadd.s32 $0xFFFFC000  }
0x4c6: {  	[spmem:s3] =	stream.indirect.scatter.add.f32 [tilespmem:s12], [sflag:$0x6], $0x40, s15, s10, $0xb8;
	[tilespmem:$0x1E400] =	vst v63  }
0x4c7: {  	_ =	swait.ge [sflag:s18], $0x4000  }
0x4c8: {  	[sflag:s18] =	ssyncset.done $0x0  }
0x4c9: {  	s15 =	simm.s32 $0x1100;
	[sflag:s18] =	ssyncadd.s32 $0xFFFFC000  }
0x4ca: {  	[tilespmem:s12], [sflag:$0x4] =	stream.indirect.gather [spmem:s2], $0x40, s15, s10, $0xb8;
	[tilespmem:$0x1E400] =	vst v63  }
0x4cb: {  	_ =	swait.ge [sflag:s13], $0x4000  }
0x4cc: {  	[sflag:s13] =	ssyncset.done $0x0  }
0x4cd: {  	s15 =	simm.s32 $0x2400;
	[sflag:s13] =	ssyncadd.s32 $0xFFFFC000  }
0x4ce: {  	[spmem:s3] =	stream.indirect.scatter.add.f32 [tilespmem:s11], [sflag:$0x5], $0x40, s15, s10, $0xb8;
	[tilespmem:$0x1E400] =	vst v63  }
0x4cf: {  	_ =	swait.ge [sflag:s14], $0x4000  }
0x4d0: {  	[sflag:s14] =	ssyncset.done $0x0  }
0x4d1: {  	s15 =	simm.s32 $0x1200;
	[sflag:s14] =	ssyncadd.s32 $0xFFFFC000  }
0x4d2: {  	[tilespmem:s11], [sflag:$0x3] =	stream.indirect.gather [spmem:s2], $0x40, s15, s10, $0xb8;
	[tilespmem:$0x1E400] =	vst v63  }
0x4d3: {  	_ =	swait.ge [sflag:s16], $0x4000  }
0x4d4: {  	[sflag:s16] =	ssyncset.done $0x0  }
0x4d5: {  	s15 =	simm.s32 $0x2500;
	[sflag:s16] =	ssyncadd.s32 $0xFFFFC000  }
0x4d6: {  	[spmem:s3] =	stream.indirect.scatter.add.f32 [tilespmem:s12], [sflag:$0x6], $0x40, s15, s10, $0xb8;
	[tilespmem:$0x1E400] =	vst v63  }
0x4d7: {  	_ =	swait.ge [sflag:s18], $0x4000  }
0x4d8: {  	[sflag:s18] =	ssyncset.done $0x0  }
0x4d9: {  	s15 =	simm.s32 $0x1300;
	[sflag:s18] =	ssyncadd.s32 $0xFFFFC000  }
0x4da: {  	[tilespmem:s12], [sflag:$0x4] =	stream.indirect.gather [spmem:s2], $0x40, s15, s10, $0xb8;
	[tilespmem:$0x1E400] =	vst v63  }
0x4db: {  	_ =	swait.ge [sflag:s13], $0x4000  }
0x4dc: {  	[sflag:s13] =	ssyncset.done $0x0  }
0x4dd: {  	s15 =	simm.s32 $0x2600;
	[sflag:s13] =	ssyncadd.s32 $0xFFFFC000  }
0x4de: {  	[spmem:s3] =	stream.indirect.scatter.add.f32 [tilespmem:s11], [sflag:$0x5], $0x40, s15, s10, $0xb8;
	[tilespmem:$0x1E400] =	vst v63  }
0x4df: {  	_ =	swait.ge [sflag:s16], $0x4000  }
0x4e0: {  	[sflag:s16] =	ssyncset.done $0x0  }
0x4e1: {  	s15 =	simm.s32 $0x2700;
	[sflag:s16] =	ssyncadd.s32 $0xFFFFC000  }
0x4e2: {  	[spmem:s3] =	stream.indirect.scatter.add.f32 [tilespmem:s12], [sflag:$0x6], $0x40, s15, s10, $0xb8;
	[tilespmem:$0x1E400] =	vst v63  }
0x4e3: {  	_ =	swait.ge [sflag:s14], $0x4000  }
0x4e4: {  	[sflag:s14] =	ssyncset.done $0x0  }
0x4e5: {  	[sflag:s14] =	ssyncadd.s32 $0xFFFFC000  }
0x4e6: {  	_ =	swait.ge [sflag:s18], $0x4000  }
0x4e7: {  	[sflag:s18] =	ssyncset.done $0x0  }
0x4e8: {  	s15 =	rddreg [dreg:$0xe];
	[sflag:s18] =	ssyncadd.s32 $0xFFFFC000  }
0x4e9: {  	[tilespmem:s0], [sflag:$0x7] =	stream.linear.gather [hbm4b:s15+s0], $0x1400, $0x38;
	[tilespmem:$0x1E400] =	vst v63  }
0x4ea: {  	_ =	swait.ge [sflag:s6], $0x1400  }
0x4eb: {  	[sflag:s6] =	ssyncset.done $0x0  }
0x4ec: {  	s15 =	rddreg [dreg:$0xf];
	[sflag:s6] =	ssyncadd.s32 $0xFFFFEC00  }
0x4ed: {  	[tilespmem:s4], [sflag:$0x7] =	stream.linear.gather [hbm4b:s15+s0], $0x1400, $0x38;
	[tilespmem:$0x1E400] =	vst v63  }
0x4ee: {  	_ =	swait.ge [sflag:s6], $0x1400  }
0x4ef: {  	[sflag:s6] =	ssyncset.done $0x0  }
0x4f0: {  	[sflag:s6] =	ssyncadd.s32 $0xFFFFEC00  }
0x4f1: {  	[tilespmem:s11], [sflag:$0x3] =	stream.indirect.gather [spmem:s2], $0x40, s0, s10, $0xb8;
	[tilespmem:$0x1E400] =	vst v63  }
0x4f2: {  	_ = 	snop  }
0x4f3: {  	[tilespmem:s12], [sflag:$0x4] =	stream.indirect.gather [spmem:s2], $0x40, s10, s10, $0xb8;
	[tilespmem:$0x1E400] =	vst v63  }
0x4f4: {  	_ =	swait.ge [sflag:s13], $0x4000  }
0x4f5: {  	[sflag:s13] =	ssyncset.done $0x0  }
0x4f6: {  	[sflag:s13] =	ssyncadd.s32 $0xFFFFC000  }
0x4f7: {  	[spmem:s3] =	stream.indirect.scatter.add.f32 [tilespmem:s11], [sflag:$0x5], $0x40, s4, s10, $0xb8;
	[tilespmem:$0x1E400] =	vst v63  }
0x4f8: {  	_ =	swait.ge [sflag:s14], $0x4000  }
0x4f9: {  	[sflag:s14] =	ssyncset.done $0x0  }
0x4fa: {  	s8 =	simm.s32 $0x200;
	[sflag:s14] =	ssyncadd.s32 $0xFFFFC000  }
0x4fb: {  	[tilespmem:s11], [sflag:$0x3] =	stream.indirect.gather [spmem:s2], $0x40, s8, s10, $0xb8;
	[tilespmem:$0x1E400] =	vst v63  }
0x4fc: {  	_ =	swait.ge [sflag:s16], $0x4000  }
0x4fd: {  	[sflag:s16] =	ssyncset.done $0x0  }
0x4fe: {  	s17 =	simm.s32 $0x1500;
	[sflag:s16] =	ssyncadd.s32 $0xFFFFC000  }
0x4ff: {  	[spmem:s3] =	stream.indirect.scatter.add.f32 [tilespmem:s12], [sflag:$0x6], $0x40, s17, s10, $0xb8;
	[tilespmem:$0x1E400] =	vst v63  }
0x500: {  	_ =	swait.ge [sflag:s18], $0x4000  }
0x501: {  	[sflag:s18] =	ssyncset.done $0x0  }
0x502: {  	s19 =	simm.s32 $0x300;
	[sflag:s18] =	ssyncadd.s32 $0xFFFFC000  }
0x503: {  	[tilespmem:s12], [sflag:$0x4] =	stream.indirect.gather [spmem:s2], $0x40, s19, s10, $0xb8;
	[tilespmem:$0x1E400] =	vst v63  }
0x504: {  	_ =	swait.ge [sflag:s13], $0x4000  }
0x505: {  	[sflag:s13] =	ssyncset.done $0x0  }
0x506: {  	s20 =	simm.s32 $0x1600;
	[sflag:s13] =	ssyncadd.s32 $0xFFFFC000  }
0x507: {  	[spmem:s3] =	stream.indirect.scatter.add.f32 [tilespmem:s11], [sflag:$0x5], $0x40, s20, s10, $0xb8;
	[tilespmem:$0x1E400] =	vst v63  }
0x508: {  	_ =	swait.ge [sflag:s14], $0x4000  }
0x509: {  	[sflag:s14] =	ssyncset.done $0x0  }
0x50a: {  	s21 =	simm.s32 $0x400;
	[sflag:s14] =	ssyncadd.s32 $0xFFFFC000  }
0x50b: {  	[tilespmem:s11], [sflag:$0x3] =	stream.indirect.gather [spmem:s2], $0x40, s21, s10, $0xb8;
	[tilespmem:$0x1E400] =	vst v63  }
0x50c: {  	_ =	swait.ge [sflag:s16], $0x4000  }
0x50d: {  	[sflag:s16] =	ssyncset.done $0x0  }
0x50e: {  	s22 =	simm.s32 $0x1700;
	[sflag:s16] =	ssyncadd.s32 $0xFFFFC000  }
0x50f: {  	[spmem:s3] =	stream.indirect.scatter.add.f32 [tilespmem:s12], [sflag:$0x6], $0x40, s22, s10, $0xb8;
	[tilespmem:$0x1E400] =	vst v63  }
0x510: {  	_ =	swait.ge [sflag:s18], $0x4000  }
0x511: {  	[sflag:s18] =	ssyncset.done $0x0  }
0x512: {  	s23 =	simm.s32 $0x500;
	[sflag:s18] =	ssyncadd.s32 $0xFFFFC000  }
0x513: {  	[tilespmem:s12], [sflag:$0x4] =	stream.indirect.gather [spmem:s2], $0x40, s23, s10, $0xb8;
	[tilespmem:$0x1E400] =	vst v63  }
0x514: {  	_ =	swait.ge [sflag:s13], $0x4000  }
0x515: {  	[sflag:s13] =	ssyncset.done $0x0  }
0x516: {  	s24 =	simm.s32 $0x1800;
	[sflag:s13] =	ssyncadd.s32 $0xFFFFC000  }
0x517: {  	[spmem:s3] =	stream.indirect.scatter.add.f32 [tilespmem:s11], [sflag:$0x5], $0x40, s24, s10, $0xb8;
	[tilespmem:$0x1E400] =	vst v63  }
0x518: {  	_ =	swait.ge [sflag:s14], $0x4000  }
0x519: {  	[sflag:s14] =	ssyncset.done $0x0  }
0x51a: {  	s25 =	simm.s32 $0x600;
	[sflag:s14] =	ssyncadd.s32 $0xFFFFC000  }
0x51b: {  	[tilespmem:s11], [sflag:$0x3] =	stream.indirect.gather [spmem:s2], $0x40, s25, s10, $0xb8;
	[tilespmem:$0x1E400] =	vst v63  }
0x51c: {  	_ =	swait.ge [sflag:s16], $0x4000  }
0x51d: {  	[sflag:s16] =	ssyncset.done $0x0  }
0x51e: {  	s26 =	simm.s32 $0x1900;
	[sflag:s16] =	ssyncadd.s32 $0xFFFFC000  }
0x51f: {  	[spmem:s3] =	stream.indirect.scatter.add.f32 [tilespmem:s12], [sflag:$0x6], $0x40, s26, s10, $0xb8;
	[tilespmem:$0x1E400] =	vst v63  }
0x520: {  	_ =	swait.ge [sflag:s18], $0x4000  }
0x521: {  	[sflag:s18] =	ssyncset.done $0x0  }
0x522: {  	s28 =	simm.s32 $0x700;
	[sflag:s18] =	ssyncadd.s32 $0xFFFFC000  }
0x523: {  	[tilespmem:s12], [sflag:$0x4] =	stream.indirect.gather [spmem:s2], $0x40, s28, s10, $0xb8;
	[tilespmem:$0x1E400] =	vst v63  }
0x524: {  	_ =	swait.ge [sflag:s13], $0x4000  }
0x525: {  	[sflag:s13] =	ssyncset.done $0x0  }
0x526: {  	s1 =	simm.s32 $0x1A00;
	[sflag:s13] =	ssyncadd.s32 $0xFFFFC000  }
0x527: {  	[spmem:s3] =	stream.indirect.scatter.add.f32 [tilespmem:s11], [sflag:$0x5], $0x40, s1, s10, $0xb8;
	[tilespmem:$0x1E400] =	vst v63  }
0x528: {  	_ =	swait.ge [sflag:s14], $0x4000  }
0x529: {  	[sflag:s14] =	ssyncset.done $0x0  }
0x52a: {  	s23 =	simm.s32 $0x800;
	[sflag:s14] =	ssyncadd.s32 $0xFFFFC000  }
0x52b: {  	[tilespmem:s11], [sflag:$0x3] =	stream.indirect.gather [spmem:s2], $0x40, s23, s10, $0xb8;
	[tilespmem:$0x1E400] =	vst v63  }
0x52c: {  	_ =	swait.ge [sflag:s16], $0x4000  }
0x52d: {  	[sflag:s16] =	ssyncset.done $0x0  }
0x52e: {  	s7 =	simm.s32 $0x1B00;
	[sflag:s16] =	ssyncadd.s32 $0xFFFFC000  }
0x52f: {  	[spmem:s3] =	stream.indirect.scatter.add.f32 [tilespmem:s12], [sflag:$0x6], $0x40, s7, s10, $0xb8;
	[tilespmem:$0x1E400] =	vst v63  }
0x530: {  	_ =	swait.ge [sflag:s18], $0x4000  }
0x531: {  	[sflag:s18] =	ssyncset.done $0x0  }
0x532: {  	s24 =	simm.s32 $0x900;
	[sflag:s18] =	ssyncadd.s32 $0xFFFFC000  }
0x533: {  	[tilespmem:s12], [sflag:$0x4] =	stream.indirect.gather [spmem:s2], $0x40, s24, s10, $0xb8;
	[tilespmem:$0x1E400] =	vst v63  }
0x534: {  	_ =	swait.ge [sflag:s13], $0x4000  }
0x535: {  	[sflag:s13] =	ssyncset.done $0x0  }
0x536: {  	s5 =	simm.s32 $0x1C00;
	[sflag:s13] =	ssyncadd.s32 $0xFFFFC000  }
0x537: {  	[spmem:s3] =	stream.indirect.scatter.add.f32 [tilespmem:s11], [sflag:$0x5], $0x40, s5, s10, $0xb8;
	[tilespmem:$0x1E400] =	vst v63  }
0x538: {  	_ =	swait.ge [sflag:s14], $0x4000  }
0x539: {  	[sflag:s14] =	ssyncset.done $0x0  }
0x53a: {  	s25 =	simm.s32 $0xA00;
	[sflag:s14] =	ssyncadd.s32 $0xFFFFC000  }
0x53b: {  	[tilespmem:s11], [sflag:$0x3] =	stream.indirect.gather [spmem:s2], $0x40, s25, s10, $0xb8;
	[tilespmem:$0x1E400] =	vst v63  }
0x53c: {  	_ =	swait.ge [sflag:s16], $0x4000  }
0x53d: {  	[sflag:s16] =	ssyncset.done $0x0  }
0x53e: {  	s29 =	simm.s32 $0x1D00;
	[sflag:s16] =	ssyncadd.s32 $0xFFFFC000  }
0x53f: {  	[spmem:s3] =	stream.indirect.scatter.add.f32 [tilespmem:s12], [sflag:$0x6], $0x40, s29, s10, $0xb8;
	[tilespmem:$0x1E400] =	vst v63  }
0x540: {  	_ =	swait.ge [sflag:s18], $0x4000  }
0x541: {  	[sflag:s18] =	ssyncset.done $0x0  }
0x542: {  	s30 =	simm.s32 $0xB00;
	[sflag:s18] =	ssyncadd.s32 $0xFFFFC000  }
0x543: {  	[tilespmem:s12], [sflag:$0x4] =	stream.indirect.gather [spmem:s2], $0x40, s30, s10, $0xb8;
	[tilespmem:$0x1E400] =	vst v63  }
0x544: {  	_ =	swait.ge [sflag:s13], $0x4000  }
0x545: {  	[sflag:s13] =	ssyncset.done $0x0  }
0x546: {  	s31 =	simm.s32 $0x1E00;
	[sflag:s13] =	ssyncadd.s32 $0xFFFFC000  }
0x547: {  	[spmem:s3] =	stream.indirect.scatter.add.f32 [tilespmem:s11], [sflag:$0x5], $0x40, s31, s10, $0xb8;
	[tilespmem:$0x1E400] =	vst v63  }
0x548: {  	_ =	swait.ge [sflag:s14], $0x4000  }
0x549: {  	[sflag:s14] =	ssyncset.done $0x0  }
0x54a: {  	s26 =	simm.s32 $0xC00;
	[sflag:s14] =	ssyncadd.s32 $0xFFFFC000  }
0x54b: {  	[tilespmem:s11], [sflag:$0x3] =	stream.indirect.gather [spmem:s2], $0x40, s26, s10, $0xb8;
	[tilespmem:$0x1E400] =	vst v63  }
0x54c: {  	_ =	swait.ge [sflag:s16], $0x4000  }
0x54d: {  	[sflag:s16] =	ssyncset.done $0x0  }
0x54e: {  	s28 =	simm.s32 $0x1F00;
	[sflag:s16] =	ssyncadd.s32 $0xFFFFC000  }
0x54f: {  	[spmem:s3] =	stream.indirect.scatter.add.f32 [tilespmem:s12], [sflag:$0x6], $0x40, s28, s10, $0xb8;
	[tilespmem:$0x1E400] =	vst v63  }
0x550: {  	_ =	swait.ge [sflag:s18], $0x4000  }
0x551: {  	[sflag:s18] =	ssyncset.done $0x0  }
0x552: {  	s29 =	simm.s32 $0xD00;
	[sflag:s18] =	ssyncadd.s32 $0xFFFFC000  }
0x553: {  	[tilespmem:s12], [sflag:$0x4] =	stream.indirect.gather [spmem:s2], $0x40, s29, s10, $0xb8;
	[tilespmem:$0x1E400] =	vst v63  }
0x554: {  	_ =	swait.ge [sflag:s13], $0x4000  }
0x555: {  	[sflag:s13] =	ssyncset.done $0x0  }
0x556: {  	s30 =	simm.s32 $0x2000;
	[sflag:s13] =	ssyncadd.s32 $0xFFFFC000  }
0x557: {  	[spmem:s3] =	stream.indirect.scatter.add.f32 [tilespmem:s11], [sflag:$0x5], $0x40, s30, s10, $0xb8;
	[tilespmem:$0x1E400] =	vst v63  }
0x558: {  	_ =	swait.ge [sflag:s14], $0x4000  }
0x559: {  	[sflag:s14] =	ssyncset.done $0x0  }
0x55a: {  	s31 =	simm.s32 $0xE00;
	[sflag:s14] =	ssyncadd.s32 $0xFFFFC000  }
0x55b: {  	[tilespmem:s11], [sflag:$0x3] =	stream.indirect.gather [spmem:s2], $0x40, s31, s10, $0xb8;
	[tilespmem:$0x1E400] =	vst v63  }
0x55c: {  	_ =	swait.ge [sflag:s16], $0x4000  }
0x55d: {  	[sflag:s16] =	ssyncset.done $0x0  }
0x55e: {  	s1 =	simm.s32 $0x2100;
	[sflag:s16] =	ssyncadd.s32 $0xFFFFC000  }
0x55f: {  	[spmem:s3] =	stream.indirect.scatter.add.f32 [tilespmem:s12], [sflag:$0x6], $0x40, s1, s10, $0xb8;
	[tilespmem:$0x1E400] =	vst v63  }
0x560: {  	_ =	swait.ge [sflag:s18], $0x4000  }
0x561: {  	[sflag:s18] =	ssyncset.done $0x0  }
0x562: {  	s5 =	simm.s32 $0xF00;
	[sflag:s18] =	ssyncadd.s32 $0xFFFFC000  }
0x563: {  	[tilespmem:s12], [sflag:$0x4] =	stream.indirect.gather [spmem:s2], $0x40, s5, s10, $0xb8;
	[tilespmem:$0x1E400] =	vst v63  }
0x564: {  	_ =	swait.ge [sflag:s13], $0x4000  }
0x565: {  	[sflag:s13] =	ssyncset.done $0x0  }
0x566: {  	s7 =	simm.s32 $0x2200;
	[sflag:s13] =	ssyncadd.s32 $0xFFFFC000  }
0x567: {  	[spmem:s3] =	stream.indirect.scatter.add.f32 [tilespmem:s11], [sflag:$0x5], $0x40, s7, s10, $0xb8;
	[tilespmem:$0x1E400] =	vst v63  }
0x568: {  	_ =	swait.ge [sflag:s14], $0x4000  }
0x569: {  	[sflag:s14] =	ssyncset.done $0x0  }
0x56a: {  	s8 =	simm.s32 $0x1000;
	[sflag:s14] =	ssyncadd.s32 $0xFFFFC000  }
0x56b: {  	[tilespmem:s11], [sflag:$0x3] =	stream.indirect.gather [spmem:s2], $0x40, s8, s10, $0xb8;
	[tilespmem:$0x1E400] =	vst v63  }
0x56c: {  	_ =	swait.ge [sflag:s16], $0x4000  }
0x56d: {  	[sflag:s16] =	ssyncset.done $0x0  }
0x56e: {  	s15 =	simm.s32 $0x2300;
	[sflag:s16] =	ssyncadd.s32 $0xFFFFC000  }
0x56f: {  	[spmem:s3] =	stream.indirect.scatter.add.f32 [tilespmem:s12], [sflag:$0x6], $0x40, s15, s10, $0xb8;
	[tilespmem:$0x1E400] =	vst v63  }
0x570: {  	_ =	swait.ge [sflag:s18], $0x4000  }
0x571: {  	[sflag:s18] =	ssyncset.done $0x0  }
0x572: {  	s17 =	simm.s32 $0x1100;
	[sflag:s18] =	ssyncadd.s32 $0xFFFFC000  }
0x573: {  	[tilespmem:s12], [sflag:$0x4] =	stream.indirect.gather [spmem:s2], $0x40, s17, s10, $0xb8;
	[tilespmem:$0x1E400] =	vst v63  }
0x574: {  	_ =	swait.ge [sflag:s13], $0x4000  }
0x575: {  	[sflag:s13] =	ssyncset.done $0x0  }
0x576: {  	s19 =	simm.s32 $0x2400;
	[sflag:s13] =	ssyncadd.s32 $0xFFFFC000  }
0x577: {  	[spmem:s3] =	stream.indirect.scatter.add.f32 [tilespmem:s11], [sflag:$0x5], $0x40, s19, s10, $0xb8;
	[tilespmem:$0x1E400] =	vst v63  }
0x578: {  	_ =	swait.ge [sflag:s14], $0x4000  }
0x579: {  	[sflag:s14] =	ssyncset.done $0x0  }
0x57a: {  	s20 =	simm.s32 $0x1200;
	[sflag:s14] =	ssyncadd.s32 $0xFFFFC000  }
0x57b: {  	[tilespmem:s11], [sflag:$0x3] =	stream.indirect.gather [spmem:s2], $0x40, s20, s10, $0xb8;
	[tilespmem:$0x1E400] =	vst v63  }
0x57c: {  	_ =	swait.ge [sflag:s16], $0x4000  }
0x57d: {  	[sflag:s16] =	ssyncset.done $0x0  }
0x57e: {  	s21 =	simm.s32 $0x2500;
	[sflag:s16] =	ssyncadd.s32 $0xFFFFC000  }
0x57f: {  	[spmem:s3] =	stream.indirect.scatter.add.f32 [tilespmem:s12], [sflag:$0x6], $0x40, s21, s10, $0xb8;
	[tilespmem:$0x1E400] =	vst v63  }
0x580: {  	_ =	swait.ge [sflag:s18], $0x4000  }
0x581: {  	[sflag:s18] =	ssyncset.done $0x0  }
0x582: {  	s22 =	simm.s32 $0x1300;
	[sflag:s18] =	ssyncadd.s32 $0xFFFFC000  }
0x583: {  	[tilespmem:s12], [sflag:$0x4] =	stream.indirect.gather [spmem:s2], $0x40, s22, s10, $0xb8;
	[tilespmem:$0x1E400] =	vst v63  }
0x584: {  	_ =	swait.ge [sflag:s13], $0x4000  }
0x585: {  	[sflag:s13] =	ssyncset.done $0x0  }
0x586: {  	s23 =	simm.s32 $0x2600;
	[sflag:s13] =	ssyncadd.s32 $0xFFFFC000  }
0x587: {  	[spmem:s3] =	stream.indirect.scatter.add.f32 [tilespmem:s11], [sflag:$0x5], $0x40, s23, s10, $0xb8;
	[tilespmem:$0x1E400] =	vst v63  }
0x588: {  	_ =	swait.ge [sflag:s16], $0x4000  }
0x589: {  	[sflag:s16] =	ssyncset.done $0x0  }
0x58a: {  	s24 =	simm.s32 $0x2700;
	[sflag:s16] =	ssyncadd.s32 $0xFFFFC000  }
0x58b: {  	[spmem:s3] =	stream.indirect.scatter.add.f32 [tilespmem:s12], [sflag:$0x6], $0x40, s24, s10, $0xb8;
	[tilespmem:$0x1E400] =	vst v63  }
0x58c: {  	_ =	swait.ge [sflag:s14], $0x4000  }
0x58d: {  	[sflag:s14] =	ssyncset.done $0x0  }
0x58e: {  	[sflag:s14] =	ssyncadd.s32 $0xFFFFC000  }
0x58f: {  	_ =	swait.ge [sflag:s18], $0x4000  }
0x590: {  	[sflag:s18] =	ssyncset.done $0x0  }
0x591: {  	[sflag:s18] =	ssyncadd.s32 $0xFFFFC000  }
0x592: {  	[bflag:$0x0] =	sbarrier.arrive $0xFFFF  }
0x593: {  	s25 =	rddreg [dreg:$0x13]  }
0x594: {  	p0 =	sne.s32 s9, $0x1;
	s26 =	rddreg [dreg:$0x14]  }
.Ltmp1:
0x595: {  	s28 =	rddreg [dreg:$0x10];
	(pc) =	sbr.rel @p0 .LBB2_2-.Ltmp1, $4  }
0x596: {  	s29 =	rddreg [dreg:$0x16]  }
0x597: {  	s31 =	simm.s32 $0x1;
	s30 =	rddreg [dreg:$0x15]  }
0x598: {  	[hbm:s28@s25], [sflag:s29] =	dma.strided [spmem:s30@s26], $0x13C0, s31, $0x8   }
0x599: {  	s9 =	sadd.s32 $0xFFFFFFFF, s9;
	_ =	swait.ge [sflag:s6], $0x13C0  }
.LBB2_3:
0x59a: {  	[sflag:s6] =	ssyncset.done $0x0  }
0x59b: {  	[sflag:s6] =	ssyncadd.s32 $0xFFFFEC40  }
0x59c: {  	_ =	sfence.sel $0x180000  }
0x59d: {  	[bflag:$0x0] =	sbarrier.arrive $0xFFFF  }
0x59e: {  	_ =	strace $0x90000047  }
0x59f: {  	s0 =	stileid.u32;
	[bflag:$0x2] =	sbarrier.arrive $0xFFFF  }
0x5a0: {  	p0 =	sne.s32 s0, $0x0;
	s0 =	rddreg [dreg:$0x4]  }
0x5a1: {  	s0 =	sadd.s32 @!p0 $0x100000, s0  }
0x5a2: {  	[sflag:s0] =	ssyncadd.tile.s32 @!p0 $0x1;
	_ =	shalt  }
.Lfunc_end2:
_tile_overlayer_lowered:
.L_overlay_start_2:
0x5a3: {  	(tag) =	ssettag $0x2  }
0x5a4: {  	s0 =	rddreg [dreg:$0x0];
	s2 =	stileid.u32  }
0x5a5: {  	s1 =	rddreg [dreg:$0x1];
	p0 =	sne.s32 s2, $0x0  }
0x5a6: {  	s3 =	rddreg [dreg:$0x2];
	[bflag:$0x3] =	sbarrier.arrive $0xFFFF;
	s2 =	simm.s32 @!p0 $0x1C07  }
0x5a7: {  	[timem:s3], [sflag:s2] =	dma.local @!p0 [hbm:s0], s1  }
0x5a8: {  	s0 =	simm.s32 @!p0 $0x7  }
0x5a9: {  	_ =	swait.ge @!p0 [sflag:s0], s1  }
0x5aa: {  	s1 =	ssub.s32 @!p0 $0x0, s1;
	[sflag:s0] =	ssyncset.done @!p0 $0x0  }
0x5ab: {  	[sflag:s0] =	ssyncadd.s32 @!p0 s1  }
0x5ac: {  	[bflag:$0x3] =	sbarrier.arrive $0xFFFF  }
0x5ad: {  	_ =	shalt  }

</sc_bundles>
